<compile_context>
chip_gen: v7x
topology: tpu7x:2x2x1
jax: 0.10.2.dev20260603
libtpu: 0.0.44.dev20260713+nightly
codegen_flags: <defaults>
</compile_context>

<pallas_src>
import functools

import jax
import jax.numpy as jnp
from jax import lax
from jax.experimental import pallas as pl
from jax.experimental.pallas import tpu as pltpu
from jax.experimental.pallas import tpu_sc as plsc

N_NODES = 10000
N_EDGES = 160000
D_FEAT = 256
D_EDGE = 16
OUT_FEATS = 256

NC = 2
NS = 16
CHUNK = 128
N_CHUNKS = N_EDGES // CHUNK
HALF = D_FEAT // NC
WID = 128
ZB = 80
N_BLOCKS = N_NODES // ZB

_MESH = plsc.VectorSubcoreMesh(core_axis_name="c", subcore_axis_name="s")


def _fill_rows(ref, n_rows, ones_cols=()):
    zero = jnp.full((16,), 0.0, jnp.float32)
    one = jnp.full((16,), 1.0, jnp.float32)

    @pl.loop(0, n_rows)
    def _(i):
        for j in range(WID // 16):
            ref[i, pl.ds(j * 16, 16)] = one if j in ones_cols else zero


def _zero_acc(sid, zw, acc):

    @pl.loop(sid, N_BLOCKS, step=NS)
    def _(b):
        pltpu.sync_copy(zw, acc.at[pl.ds(b * ZB, ZB)])


def _write_acc(sid, acc, out, row_off):

    @pl.loop(sid, N_BLOCKS, step=NS)
    def _(b):
        pltpu.sync_copy(acc.at[pl.ds(b * ZB, ZB)],
                        out.at[pl.ds(row_off + b * ZB, ZB)])


@functools.partial(
    pl.kernel,
    out_type=jax.ShapeDtypeStruct((NC * N_NODES, WID), jnp.float32),
    mesh=_MESH,
    scratch_types=[
        pltpu.VMEM((CHUNK,), jnp.int32),
        pltpu.VMEM((CHUNK,), jnp.int32),
        pltpu.VMEM((CHUNK,), jnp.int32),
        pltpu.VMEM((CHUNK,), jnp.int32),
        pltpu.VMEM((CHUNK // 8, WID), jnp.float32),
        pltpu.VMEM((CHUNK // 8, WID), jnp.float32),
        pltpu.VMEM((CHUNK, WID), jnp.float32),
        pltpu.VMEM((CHUNK, WID), jnp.float32),
        pltpu.VMEM((ZB, WID), jnp.float32),
        pltpu.VMEM_SHARED((N_NODES, WID), jnp.float32),
        pltpu.SemaphoreType.DMA,
        pltpu.SemaphoreType.DMA,
    ],
)
def _stats_kernel(ei_hbm, efw_hbm, stats_out,
                  idx_s0, idx_s1, idx_d0, idx_d1, efw0, efw1,
                  rows_d, rows_s, zw, acc, sem0, sem1):
    cid = lax.axis_index("c")
    sid = lax.axis_index("s")
    _fill_rows(zw, ZB)
    _fill_rows(rows_d, CHUNK, ones_cols=(1,))
    _fill_rows(rows_s, CHUNK, ones_cols=(2,))
    _zero_acc(sid, zw, acc)
    plsc.subcore_barrier()

    half_chunks = N_CHUNKS // NC
    slots = ((idx_s0, idx_d0, efw0, sem0), (idx_s1, idx_d1, efw1, sem1))

    def loads(k, slot):
        idx_s, idx_d, efw, sem = slot
        base = cid * half_chunks + k
        off = base * CHUNK
        pltpu.async_copy(ei_hbm.at[pl.ds(off, CHUNK)], idx_s, sem)
        pltpu.async_copy(ei_hbm.at[pl.ds(N_EDGES + off, CHUNK)], idx_d, sem)
        pltpu.async_copy(
            efw_hbm.at[pl.ds(base * (CHUNK // 8), CHUNK // 8)], efw, sem)

    def waits(k, slot):
        idx_s, idx_d, efw, sem = slot
        base = cid * half_chunks + k
        off = base * CHUNK
        pltpu.make_async_copy(ei_hbm.at[pl.ds(off, CHUNK)], idx_s, sem).wait()
        pltpu.make_async_copy(
            ei_hbm.at[pl.ds(N_EDGES + off, CHUNK)], idx_d, sem).wait()
        pltpu.make_async_copy(
            efw_hbm.at[pl.ds(base * (CHUNK // 8), CHUNK // 8)], efw, sem).wait()

    def work(slot):
        idx_s, idx_d, efw, sem = slot

        @pl.loop(0, CHUNK)
        def _(e):
            rows_d[e, pl.ds(0, 16)] = efw[e // 8, pl.ds((e % 8) * 16, 16)]

        pltpu.sync_copy(rows_d, acc.at[idx_d], add=True)
        pltpu.sync_copy(rows_s, acc.at[idx_s], add=True)

    loads(sid, slots[0])

    @pl.loop(sid, half_chunks, step=2 * NS)
    def _(k):
        @pl.when(k + NS < half_chunks)
        def _():
            loads(k + NS, slots[1])

        waits(k, slots[0])
        work(slots[0])

        @pl.when(k + 2 * NS < half_chunks)
        def _():
            loads(k + 2 * NS, slots[0])

        @pl.when(k + NS < half_chunks)
        def _():
            waits(k + NS, slots[1])
            work(slots[1])

    plsc.subcore_barrier()
    _write_acc(sid, acc, stats_out, cid * N_NODES)


_B_ROWS = 1000


def _norm_body(feat_ref, st_ref, out_ref):
    d = st_ref[0, :, 32] + st_ref[1, :, 32]
    n = 1.0 / jnp.sqrt(jnp.maximum(d, 1.0))
    f = feat_ref[...]
    out_ref[0] = f[:, :HALF] * n[:, None]
    out_ref[1] = f[:, HALF:] * n[:, None]


def _normalize(feat, stats):
    return pl.pallas_call(
        _norm_body,
        grid=(N_NODES // _B_ROWS,),
        in_specs=[
            pl.BlockSpec((_B_ROWS, D_FEAT), lambda i: (i, 0)),
            pl.BlockSpec((NC, _B_ROWS, WID), lambda i: (0, i, 0)),
        ],
        out_specs=pl.BlockSpec((NC, _B_ROWS, HALF), lambda i: (0, i, 0)),
        out_shape=jax.ShapeDtypeStruct((NC, N_NODES, HALF), jnp.float32),
    )(feat, stats)


@functools.partial(
    pl.kernel,
    out_type=jax.ShapeDtypeStruct((NC * N_NODES, HALF), jnp.float32),
    mesh=_MESH,
    scratch_types=[
        pltpu.VMEM((CHUNK,), jnp.int32),
        pltpu.VMEM((CHUNK,), jnp.int32),
        pltpu.VMEM((CHUNK,), jnp.int32),
        pltpu.VMEM((CHUNK,), jnp.int32),
        pltpu.VMEM((CHUNK,), jnp.int32),
        pltpu.VMEM((CHUNK,), jnp.int32),
        pltpu.VMEM((CHUNK, HALF), jnp.float32),
        pltpu.VMEM((CHUNK, HALF), jnp.float32),
        pltpu.VMEM((CHUNK, HALF), jnp.float32),
        pltpu.VMEM_SHARED((N_NODES, HALF), jnp.float32),
        pltpu.SemaphoreType.DMA,
        pltpu.SemaphoreType.DMA,
        pltpu.SemaphoreType.DMA,
    ],
)
def _agg_kernel(featn_hbm, ei3_hbm, hfeat_out,
                idx_s0, idx_s1, idx_s2, idx_d0, idx_d1, idx_d2,
                rows0, rows1, rows2, acc_f, sem0, sem1, sem2):
    cid = lax.axis_index("c")
    sid = lax.axis_index("s")
    _fill_rows(rows0, ZB)
    _zero_acc(sid, rows0.at[pl.ds(0, ZB)], acc_f)
    plsc.subcore_barrier()
    row_off = cid * N_NODES
    slots = ((idx_s0, idx_d0, rows0, sem0),
             (idx_s1, idx_d1, rows1, sem1),
             (idx_s2, idx_d2, rows2, sem2))

    def issue(k, slot):
        idx_s, idx_d, rows, sem = slot
        off = k * CHUNK
        pltpu.sync_copy(ei3_hbm.at[pl.ds(off, CHUNK)], idx_s)
        pltpu.sync_copy(ei3_hbm.at[pl.ds(N_EDGES + off, CHUNK)], idx_d)
        for j in range(CHUNK // 16):
            sl = pl.ds(j * 16, 16)
            idx_s[sl] = idx_s[sl] + row_off
        pltpu.async_copy(featn_hbm.at[idx_s], rows, sem)

    def drain(slot):
        idx_s, idx_d, rows, sem = slot
        pltpu.make_async_copy(featn_hbm.at[idx_s], rows, sem).wait()
        pltpu.sync_copy(rows, acc_f.at[idx_d], add=True)

    issue(sid, slots[0])

    @pl.when(sid + NS < N_CHUNKS)
    def _():
        issue(sid + NS, slots[1])

    @pl.loop(sid, N_CHUNKS, step=3 * NS)
    def _(k):
        @pl.when(k + 2 * NS < N_CHUNKS)
        def _():
            issue(k + 2 * NS, slots[2])

        drain(slots[0])

        @pl.when(k + 3 * NS < N_CHUNKS)
        def _():
            issue(k + 3 * NS, slots[0])

        @pl.when(k + NS < N_CHUNKS)
        def _():
            drain(slots[1])

        @pl.when(k + 4 * NS < N_CHUNKS)
        def _():
            issue(k + 4 * NS, slots[1])

        @pl.when(k + 2 * NS < N_CHUNKS)
        def _():
            drain(slots[2])

    plsc.subcore_barrier()
    _write_acc(sid, acc_f, hfeat_out, cid * N_NODES)


def _final_body(feat_ref, hf_ref, st_ref, w_ref, b_ref, out_ref):
    acc = jnp.dot(hf_ref[0], w_ref[:HALF], preferred_element_type=jnp.float32)
    acc = acc + jnp.dot(hf_ref[1], w_ref[HALF:D_FEAT],
                        preferred_element_type=jnp.float32)
    he = st_ref[0, :, :D_EDGE] + st_ref[1, :, :D_EDGE]
    acc = acc + jnp.dot(he, w_ref[D_FEAT:], preferred_element_type=jnp.float32)
    ind = st_ref[0, :, 16] + st_ref[1, :, 16]
    nd = 1.0 / jnp.sqrt(jnp.maximum(ind, 1.0))
    rst = acc * nd[:, None] + b_ref[0]
    out_ref[:, :D_FEAT] = feat_ref[...]
    out_ref[:, D_FEAT:] = rst


def _finalize(feat, hfeat, stats, weight, bias):
    return pl.pallas_call(
        _final_body,
        grid=(N_NODES // _B_ROWS,),
        in_specs=[
            pl.BlockSpec((_B_ROWS, D_FEAT), lambda i: (i, 0)),
            pl.BlockSpec((NC, _B_ROWS, HALF), lambda i: (0, i, 0)),
            pl.BlockSpec((NC, _B_ROWS, WID), lambda i: (0, i, 0)),
            pl.BlockSpec((D_FEAT + D_EDGE, OUT_FEATS), lambda i: (0, 0)),
            pl.BlockSpec((1, OUT_FEATS), lambda i: (0, 0)),
        ],
        out_specs=pl.BlockSpec((_B_ROWS, D_FEAT + OUT_FEATS), lambda i: (i, 0)),
        out_shape=jax.ShapeDtypeStruct((N_NODES, D_FEAT + OUT_FEATS), jnp.float32),
    )(feat, hfeat, stats, weight, bias)


def kernel(feat, edge_feat, edge_index, weight, bias):
    ei = edge_index.reshape(2 * N_EDGES)
    efw = edge_feat.reshape(N_EDGES // 8, WID)
    stats = _stats_kernel(ei, efw)
    stats = stats.reshape(NC, N_NODES, WID)
    featn = _normalize(feat, stats)
    featn_flat = featn.reshape(NC * N_NODES, HALF)
    hfeat = _agg_kernel(featn_flat, ei)
    hfeat = hfeat.reshape(NC, N_NODES, HALF)
    return _finalize(feat, hfeat, stats, weight, bias.reshape(1, OUT_FEATS))

# --- scband reference (transcript-rebuilt; emitter-appended) ---
"""Pipeline reference for scband-gconv-44255343018921 (READ-ONLY COPY).

The authoritative reference and input builder live on the scoring server;
editing this copy changes nothing except your own understanding.
"""

import jax, jax.numpy as jnp
import numpy as np

N_NODES = 10000
N_EDGES = 160000
D_FEAT = 256
D_EDGE = 16
IN_FEATS = D_FEAT + D_EDGE
OUT_FEATS = 256


def setup_inputs(seed: int = 0) -> dict:
    key = jax.random.key(seed)
    k1, k2, k3, k4 = jax.random.split(key, 4)
    feat = jax.random.normal(k1, (N_NODES, D_FEAT), dtype=jnp.float32)
    edge_feat = jax.random.normal(k2, (N_EDGES, D_EDGE), dtype=jnp.float32)
    edge_index = jax.random.randint(k3, (2, N_EDGES), 0, N_NODES, dtype=jnp.int64 if jax.config.jax_enable_x64 else jnp.int32).astype(jnp.int32)
    # glorot uniform init for weight
    limit = float(np.sqrt(6.0 / (IN_FEATS + OUT_FEATS)))
    weight = jax.random.uniform(k4, (IN_FEATS, OUT_FEATS), dtype=jnp.float32, minval=-limit, maxval=limit)
    bias = jnp.zeros((OUT_FEATS,), dtype=jnp.float32)
    return {"feat": feat, "edge_feat": edge_feat, "edge_index": edge_index, "weight": weight, "bias": bias}


def reference(feat, edge_feat, edge_index, weight, bias):
    src = edge_index[0]
    dst = edge_index[1]
    n = feat.shape[0]
    # out-degree normalization on source features
    out_deg = jnp.clip(jnp.bincount(src, length=n).astype(jnp.float32), 1.0, None)
    norm_src = jnp.power(out_deg, -0.5)
    feat_normed = feat * norm_src[:, None]
    # message: concat(src feature, edge feature), sum-aggregate by dst
    m = jnp.concatenate([jnp.take(feat_normed, src, axis=0), edge_feat], axis=1)
    h = jax.ops.segment_sum(m, dst, num_segments=n)
    rst = jnp.matmul(h, weight)
    # in-degree normalization on destination
    in_deg = jnp.clip(jnp.bincount(dst, length=n).astype(jnp.float32), 1.0, None)
    norm_dst = jnp.power(in_deg, -0.5)
    rst = rst * norm_dst[:, None] + bias
    # activation is None
    return jnp.concatenate([feat, rst], axis=1)

if __name__ == "__main__":
    import jax
    _d = setup_inputs()
    print(jax.jit(kernel)(*tuple(_d.values())))

</pallas_src>

<mosaic_0001>
#map = affine_map<(d0, d1) -> (0)>
#map1 = affine_map<(d0, d1) -> (0, 0)>
module attributes {stable_mosaic.version = 14 : i64} {
  func.func @_stats_kernel(%arg0: i32, %arg1: i32, %arg2: memref<320000xi32, #tpu.memory_space<hbm>>, %arg3: memref<20000x128xf32, #tpu.memory_space<hbm>>, %arg4: memref<20000x128xf32, #tpu.memory_space<hbm>>, %arg5: memref<128xi32, #tpu.memory_space<vmem>>, %arg6: memref<128xi32, #tpu.memory_space<vmem>>, %arg7: memref<128xi32, #tpu.memory_space<vmem>>, %arg8: memref<128xi32, #tpu.memory_space<vmem>>, %arg9: memref<16x128xf32, #tpu.memory_space<vmem>>, %arg10: memref<16x128xf32, #tpu.memory_space<vmem>>, %arg11: memref<128x128xf32, #tpu.memory_space<vmem>>, %arg12: memref<128x128xf32, #tpu.memory_space<vmem>>, %arg13: memref<80x128xf32, #tpu.memory_space<vmem>>, %arg14: memref<10000x128xf32, #tpu.memory_space<vmem_shared>>, %arg15: memref<!tpu.dma_semaphore, #tpu.memory_space<semaphore_mem>>, %arg16: memref<!tpu.dma_semaphore, #tpu.memory_space<semaphore_mem>>) attributes {dimension_semantics = [#tpu.dimension_semantics<core_parallel>, #tpu.dimension_semantics<subcore_parallel>], iteration_bounds = array<i64: 2, 16>, scalar_prefetch = 0 : i64, scratch_operands = 12 : i64, tpu.core_type = #tpu.core_type<sc_vector_subcore>, window_params = [{transform_indices = #map}, {transform_indices = #map1}, {transform_indices = #map1}]} {
    %broadcast_in_dim3A = arith.constant 0.000000e+00 : f32
    %broadcast_in_dim3A_0 = vector.broadcast %broadcast_in_dim3A : f32 to vector<16xf32>
    %broadcast_in_dim3A_1 = arith.constant 1.000000e+00 : f32
    %broadcast_in_dim3A_2 = vector.broadcast %broadcast_in_dim3A_1 : f32 to vector<16xf32>
    %scan3A = arith.constant 0 : i32
    %scan3A_3 = arith.constant 80 : i32
    %scan3A_4 = arith.addi %scan3A, %scan3A_3 : i32
    %scan3A_5 = arith.constant 1 : i32
    scf.for %scan3A_93 = %scan3A to %scan3A_4 step %scan3A_5  : i32 {
      %mul3A_94 = arith.constant 1 : i32
      %mul3A_95 = arith.muli %scan3A_93, %mul3A_94 : i32
      %add3A_96 = arith.constant 0 : i32
      %add3A_97 = arith.addi %add3A_96, %mul3A_95 : i32
      %swap3A = arith.index_cast %add3A_97 : i32 to index
      %swap3A_98 = arith.constant 0 : index
      %swap3A_99 = tpu.vector_load %arg13[%swap3A, %swap3A_98] {strides = array<i32>} : memref<80x128xf32, #tpu.memory_space<vmem>>, vector<1x16xf32>,
      %swap3A_100 = vector.shape_cast %swap3A_99 : vector<1x16xf32> to vector<16xf32>
      %swap3A_101 = vector.shape_cast %broadcast_in_dim3A_0 : vector<16xf32> to vector<1x16xf32>
      tpu.vector_store %arg13[%swap3A, %swap3A_98], %swap3A_101 {strides = array<i32>} : memref<80x128xf32, #tpu.memory_space<vmem>>, vector<1x16xf32>,
      %swap3A_102 = arith.index_cast %add3A_97 : i32 to index
      %swap3A_103 = arith.constant 16 : index
      %swap3A_104 = tpu.vector_load %arg13[%swap3A_102, %swap3A_103] {strides = array<i32>} : memref<80x128xf32, #tpu.memory_space<vmem>>, vector<1x16xf32>,
      %swap3A_105 = vector.shape_cast %swap3A_104 : vector<1x16xf32> to vector<16xf32>
      %swap3A_106 = vector.shape_cast %broadcast_in_dim3A_0 : vector<16xf32> to vector<1x16xf32>
      tpu.vector_store %arg13[%swap3A_102, %swap3A_103], %swap3A_106 {strides = array<i32>} : memref<80x128xf32, #tpu.memory_space<vmem>>, vector<1x16xf32>,
      %swap3A_107 = arith.index_cast %add3A_97 : i32 to index
      %swap3A_108 = arith.constant 32 : index
      %swap3A_109 = tpu.vector_load %arg13[%swap3A_107, %swap3A_108] {strides = array<i32>} : memref<80x128xf32, #tpu.memory_space<vmem>>, vector<1x16xf32>,
      %swap3A_110 = vector.shape_cast %swap3A_109 : vector<1x16xf32> to vector<16xf32>
      %swap3A_111 = vector.shape_cast %broadcast_in_dim3A_0 : vector<16xf32> to vector<1x16xf32>
      tpu.vector_store %arg13[%swap3A_107, %swap3A_108], %swap3A_111 {strides = array<i32>} : memref<80x128xf32, #tpu.memory_space<vmem>>, vector<1x16xf32>,
      %swap3A_112 = arith.index_cast %add3A_97 : i32 to index
      %swap3A_113 = arith.constant 48 : index
      %swap3A_114 = tpu.vector_load %arg13[%swap3A_112, %swap3A_113] {strides = array<i32>} : memref<80x128xf32, #tpu.memory_space<vmem>>, vector<1x16xf32>,
      %swap3A_115 = vector.shape_cast %swap3A_114 : vector<1x16xf32> to vector<16xf32>
      %swap3A_116 = vector.shape_cast %broadcast_in_dim3A_0 : vector<16xf32> to vector<1x16xf32>
      tpu.vector_store %arg13[%swap3A_112, %swap3A_113], %swap3A_116 {strides = array<i32>} : memref<80x128xf32, #tpu.memory_space<vmem>>, vector<1x16xf32>,
      %swap3A_117 = arith.index_cast %add3A_97 : i32 to index
      %swap3A_118 = arith.constant 64 : index
      %swap3A_119 = tpu.vector_load %arg13[%swap3A_117, %swap3A_118] {strides = array<i32>} : memref<80x128xf32, #tpu.memory_space<vmem>>, vector<1x16xf32>,
      %swap3A_120 = vector.shape_cast %swap3A_119 : vector<1x16xf32> to vector<16xf32>
      %swap3A_121 = vector.shape_cast %broadcast_in_dim3A_0 : vector<16xf32> to vector<1x16xf32>
      tpu.vector_store %arg13[%swap3A_117, %swap3A_118], %swap3A_121 {strides = array<i32>} : memref<80x128xf32, #tpu.memory_space<vmem>>, vector<1x16xf32>,
      %swap3A_122 = arith.index_cast %add3A_97 : i32 to index
      %swap3A_123 = arith.constant 80 : index
      %swap3A_124 = tpu.vector_load %arg13[%swap3A_122, %swap3A_123] {strides = array<i32>} : memref<80x128xf32, #tpu.memory_space<vmem>>, vector<1x16xf32>,
      %swap3A_125 = vector.shape_cast %swap3A_124 : vector<1x16xf32> to vector<16xf32>
      %swap3A_126 = vector.shape_cast %broadcast_in_dim3A_0 : vector<16xf32> to vector<1x16xf32>
      tpu.vector_store %arg13[%swap3A_122, %swap3A_123], %swap3A_126 {strides = array<i32>} : memref<80x128xf32, #tpu.memory_space<vmem>>, vector<1x16xf32>,
      %swap3A_127 = arith.index_cast %add3A_97 : i32 to index
      %swap3A_128 = arith.constant 96 : index
      %swap3A_129 = tpu.vector_load %arg13[%swap3A_127, %swap3A_128] {strides = array<i32>} : memref<80x128xf32, #tpu.memory_space<vmem>>, vector<1x16xf32>,
      %swap3A_130 = vector.shape_cast %swap3A_129 : vector<1x16xf32> to vector<16xf32>
      %swap3A_131 = vector.shape_cast %broadcast_in_dim3A_0 : vector<16xf32> to vector<1x16xf32>
      tpu.vector_store %arg13[%swap3A_127, %swap3A_128], %swap3A_131 {strides = array<i32>} : memref<80x128xf32, #tpu.memory_space<vmem>>, vector<1x16xf32>,
      %swap3A_132 = arith.index_cast %add3A_97 : i32 to index
      %swap3A_133 = arith.constant 112 : index
      %swap3A_134 = tpu.vector_load %arg13[%swap3A_132, %swap3A_133] {strides = array<i32>} : memref<80x128xf32, #tpu.memory_space<vmem>>, vector<1x16xf32>,
      %swap3A_135 = vector.shape_cast %swap3A_134 : vector<1x16xf32> to vector<16xf32>
      %swap3A_136 = vector.shape_cast %broadcast_in_dim3A_0 : vector<16xf32> to vector<1x16xf32>
      tpu.vector_store %arg13[%swap3A_132, %swap3A_133], %swap3A_136 {strides = array<i32>} : memref<80x128xf32, #tpu.memory_space<vmem>>, vector<1x16xf32>,
    }
    %scan3A_6 = arith.constant 80 : i32
    %broadcast_in_dim3A_7 = arith.constant 0.000000e+00 : f32
    %broadcast_in_dim3A_8 = vector.broadcast %broadcast_in_dim3A_7 : f32 to vector<16xf32>
    %broadcast_in_dim3A_9 = arith.constant 1.000000e+00 : f32
    %broadcast_in_dim3A_10 = vector.broadcast %broadcast_in_dim3A_9 : f32 to vector<16xf32>
    %scan3A_11 = arith.constant 0 : i32
    %scan3A_12 = arith.constant 128 : i32
    %scan3A_13 = arith.addi %scan3A_11, %scan3A_12 : i32
    %scan3A_14 = arith.constant 1 : i32
    scf.for %scan3A_93 = %scan3A_11 to %scan3A_13 step %scan3A_14  : i32 {
      %mul3A_94 = arith.constant 1 : i32
      %mul3A_95 = arith.muli %scan3A_93, %mul3A_94 : i32
      %add3A_96 = arith.constant 0 : i32
      %add3A_97 = arith.addi %add3A_96, %mul3A_95 : i32
      %swap3A = arith.index_cast %add3A_97 : i32 to index
      %swap3A_98 = arith.constant 0 : index
      %swap3A_99 = tpu.vector_load %arg11[%swap3A, %swap3A_98] {strides = array<i32>} : memref<128x128xf32, #tpu.memory_space<vmem>>, vector<1x16xf32>,
      %swap3A_100 = vector.shape_cast %swap3A_99 : vector<1x16xf32> to vector<16xf32>
      %swap3A_101 = vector.shape_cast %broadcast_in_dim3A_8 : vector<16xf32> to vector<1x16xf32>
      tpu.vector_store %arg11[%swap3A, %swap3A_98], %swap3A_101 {strides = array<i32>} : memref<128x128xf32, #tpu.memory_space<vmem>>, vector<1x16xf32>,
      %swap3A_102 = arith.index_cast %add3A_97 : i32 to index
      %swap3A_103 = arith.constant 16 : index
      %swap3A_104 = tpu.vector_load %arg11[%swap3A_102, %swap3A_103] {strides = array<i32>} : memref<128x128xf32, #tpu.memory_space<vmem>>, vector<1x16xf32>,
      %swap3A_105 = vector.shape_cast %swap3A_104 : vector<1x16xf32> to vector<16xf32>
      %swap3A_106 = vector.shape_cast %broadcast_in_dim3A_10 : vector<16xf32> to vector<1x16xf32>
      tpu.vector_store %arg11[%swap3A_102, %swap3A_103], %swap3A_106 {strides = array<i32>} : memref<128x128xf32, #tpu.memory_space<vmem>>, vector<1x16xf32>,
      %swap3A_107 = arith.index_cast %add3A_97 : i32 to index
      %swap3A_108 = arith.constant 32 : index
      %swap3A_109 = tpu.vector_load %arg11[%swap3A_107, %swap3A_108] {strides = array<i32>} : memref<128x128xf32, #tpu.memory_space<vmem>>, vector<1x16xf32>,
      %swap3A_110 = vector.shape_cast %swap3A_109 : vector<1x16xf32> to vector<16xf32>
      %swap3A_111 = vector.shape_cast %broadcast_in_dim3A_8 : vector<16xf32> to vector<1x16xf32>
      tpu.vector_store %arg11[%swap3A_107, %swap3A_108], %swap3A_111 {strides = array<i32>} : memref<128x128xf32, #tpu.memory_space<vmem>>, vector<1x16xf32>,
      %swap3A_112 = arith.index_cast %add3A_97 : i32 to index
      %swap3A_113 = arith.constant 48 : index
      %swap3A_114 = tpu.vector_load %arg11[%swap3A_112, %swap3A_113] {strides = array<i32>} : memref<128x128xf32, #tpu.memory_space<vmem>>, vector<1x16xf32>,
      %swap3A_115 = vector.shape_cast %swap3A_114 : vector<1x16xf32> to vector<16xf32>
      %swap3A_116 = vector.shape_cast %broadcast_in_dim3A_8 : vector<16xf32> to vector<1x16xf32>
      tpu.vector_store %arg11[%swap3A_112, %swap3A_113], %swap3A_116 {strides = array<i32>} : memref<128x128xf32, #tpu.memory_space<vmem>>, vector<1x16xf32>,
      %swap3A_117 = arith.index_cast %add3A_97 : i32 to index
      %swap3A_118 = arith.constant 64 : index
      %swap3A_119 = tpu.vector_load %arg11[%swap3A_117, %swap3A_118] {strides = array<i32>} : memref<128x128xf32, #tpu.memory_space<vmem>>, vector<1x16xf32>,
      %swap3A_120 = vector.shape_cast %swap3A_119 : vector<1x16xf32> to vector<16xf32>
      %swap3A_121 = vector.shape_cast %broadcast_in_dim3A_8 : vector<16xf32> to vector<1x16xf32>
      tpu.vector_store %arg11[%swap3A_117, %swap3A_118], %swap3A_121 {strides = array<i32>} : memref<128x128xf32, #tpu.memory_space<vmem>>, vector<1x16xf32>,
      %swap3A_122 = arith.index_cast %add3A_97 : i32 to index
      %swap3A_123 = arith.constant 80 : index
      %swap3A_124 = tpu.vector_load %arg11[%swap3A_122, %swap3A_123] {strides = array<i32>} : memref<128x128xf32, #tpu.memory_space<vmem>>, vector<1x16xf32>,
      %swap3A_125 = vector.shape_cast %swap3A_124 : vector<1x16xf32> to vector<16xf32>
      %swap3A_126 = vector.shape_cast %broadcast_in_dim3A_8 : vector<16xf32> to vector<1x16xf32>
      tpu.vector_store %arg11[%swap3A_122, %swap3A_123], %swap3A_126 {strides = array<i32>} : memref<128x128xf32, #tpu.memory_space<vmem>>, vector<1x16xf32>,
      %swap3A_127 = arith.index_cast %add3A_97 : i32 to index
      %swap3A_128 = arith.constant 96 : index
      %swap3A_129 = tpu.vector_load %arg11[%swap3A_127, %swap3A_128] {strides = array<i32>} : memref<128x128xf32, #tpu.memory_space<vmem>>, vector<1x16xf32>,
      %swap3A_130 = vector.shape_cast %swap3A_129 : vector<1x16xf32> to vector<16xf32>
      %swap3A_131 = vector.shape_cast %broadcast_in_dim3A_8 : vector<16xf32> to vector<1x16xf32>
      tpu.vector_store %arg11[%swap3A_127, %swap3A_128], %swap3A_131 {strides = array<i32>} : memref<128x128xf32, #tpu.memory_space<vmem>>, vector<1x16xf32>,
      %swap3A_132 = arith.index_cast %add3A_97 : i32 to index
      %swap3A_133 = arith.constant 112 : index
      %swap3A_134 = tpu.vector_load %arg11[%swap3A_132, %swap3A_133] {strides = array<i32>} : memref<128x128xf32, #tpu.memory_space<vmem>>, vector<1x16xf32>,
      %swap3A_135 = vector.shape_cast %swap3A_134 : vector<1x16xf32> to vector<16xf32>
      %swap3A_136 = vector.shape_cast %broadcast_in_dim3A_8 : vector<16xf32> to vector<1x16xf32>
      tpu.vector_store %arg11[%swap3A_132, %swap3A_133], %swap3A_136 {strides = array<i32>} : memref<128x128xf32, #tpu.memory_space<vmem>>, vector<1x16xf32>,
    }
    %scan3A_15 = arith.constant 128 : i32
    %broadcast_in_dim3A_16 = arith.constant 0.000000e+00 : f32
    %broadcast_in_dim3A_17 = vector.broadcast %broadcast_in_dim3A_16 : f32 to vector<16xf32>
    %broadcast_in_dim3A_18 = arith.constant 1.000000e+00 : f32
    %broadcast_in_dim3A_19 = vector.broadcast %broadcast_in_dim3A_18 : f32 to vector<16xf32>
    %scan3A_20 = arith.constant 0 : i32
    %scan3A_21 = arith.constant 128 : i32
    %scan3A_22 = arith.addi %scan3A_20, %scan3A_21 : i32
    %scan3A_23 = arith.constant 1 : i32
    scf.for %scan3A_93 = %scan3A_20 to %scan3A_22 step %scan3A_23  : i32 {
      %mul3A_94 = arith.constant 1 : i32
      %mul3A_95 = arith.muli %scan3A_93, %mul3A_94 : i32
      %add3A_96 = arith.constant 0 : i32
      %add3A_97 = arith.addi %add3A_96, %mul3A_95 : i32
      %swap3A = arith.index_cast %add3A_97 : i32 to index
      %swap3A_98 = arith.constant 0 : index
      %swap3A_99 = tpu.vector_load %arg12[%swap3A, %swap3A_98] {strides = array<i32>} : memref<128x128xf32, #tpu.memory_space<vmem>>, vector<1x16xf32>,
      %swap3A_100 = vector.shape_cast %swap3A_99 : vector<1x16xf32> to vector<16xf32>
      %swap3A_101 = vector.shape_cast %broadcast_in_dim3A_17 : vector<16xf32> to vector<1x16xf32>
      tpu.vector_store %arg12[%swap3A, %swap3A_98], %swap3A_101 {strides = array<i32>} : memref<128x128xf32, #tpu.memory_space<vmem>>, vector<1x16xf32>,
      %swap3A_102 = arith.index_cast %add3A_97 : i32 to index
      %swap3A_103 = arith.constant 16 : index
      %swap3A_104 = tpu.vector_load %arg12[%swap3A_102, %swap3A_103] {strides = array<i32>} : memref<128x128xf32, #tpu.memory_space<vmem>>, vector<1x16xf32>,
      %swap3A_105 = vector.shape_cast %swap3A_104 : vector<1x16xf32> to vector<16xf32>
      %swap3A_106 = vector.shape_cast %broadcast_in_dim3A_17 : vector<16xf32> to vector<1x16xf32>
      tpu.vector_store %arg12[%swap3A_102, %swap3A_103], %swap3A_106 {strides = array<i32>} : memref<128x128xf32, #tpu.memory_space<vmem>>, vector<1x16xf32>,
      %swap3A_107 = arith.index_cast %add3A_97 : i32 to index
      %swap3A_108 = arith.constant 32 : index
      %swap3A_109 = tpu.vector_load %arg12[%swap3A_107, %swap3A_108] {strides = array<i32>} : memref<128x128xf32, #tpu.memory_space<vmem>>, vector<1x16xf32>,
      %swap3A_110 = vector.shape_cast %swap3A_109 : vector<1x16xf32> to vector<16xf32>
      %swap3A_111 = vector.shape_cast %broadcast_in_dim3A_19 : vector<16xf32> to vector<1x16xf32>
      tpu.vector_store %arg12[%swap3A_107, %swap3A_108], %swap3A_111 {strides = array<i32>} : memref<128x128xf32, #tpu.memory_space<vmem>>, vector<1x16xf32>,
      %swap3A_112 = arith.index_cast %add3A_97 : i32 to index
      %swap3A_113 = arith.constant 48 : index
      %swap3A_114 = tpu.vector_load %arg12[%swap3A_112, %swap3A_113] {strides = array<i32>} : memref<128x128xf32, #tpu.memory_space<vmem>>, vector<1x16xf32>,
      %swap3A_115 = vector.shape_cast %swap3A_114 : vector<1x16xf32> to vector<16xf32>
      %swap3A_116 = vector.shape_cast %broadcast_in_dim3A_17 : vector<16xf32> to vector<1x16xf32>
      tpu.vector_store %arg12[%swap3A_112, %swap3A_113], %swap3A_116 {strides = array<i32>} : memref<128x128xf32, #tpu.memory_space<vmem>>, vector<1x16xf32>,
      %swap3A_117 = arith.index_cast %add3A_97 : i32 to index
      %swap3A_118 = arith.constant 64 : index
      %swap3A_119 = tpu.vector_load %arg12[%swap3A_117, %swap3A_118] {strides = array<i32>} : memref<128x128xf32, #tpu.memory_space<vmem>>, vector<1x16xf32>,
      %swap3A_120 = vector.shape_cast %swap3A_119 : vector<1x16xf32> to vector<16xf32>
      %swap3A_121 = vector.shape_cast %broadcast_in_dim3A_17 : vector<16xf32> to vector<1x16xf32>
      tpu.vector_store %arg12[%swap3A_117, %swap3A_118], %swap3A_121 {strides = array<i32>} : memref<128x128xf32, #tpu.memory_space<vmem>>, vector<1x16xf32>,
      %swap3A_122 = arith.index_cast %add3A_97 : i32 to index
      %swap3A_123 = arith.constant 80 : index
      %swap3A_124 = tpu.vector_load %arg12[%swap3A_122, %swap3A_123] {strides = array<i32>} : memref<128x128xf32, #tpu.memory_space<vmem>>, vector<1x16xf32>,
      %swap3A_125 = vector.shape_cast %swap3A_124 : vector<1x16xf32> to vector<16xf32>
      %swap3A_126 = vector.shape_cast %broadcast_in_dim3A_17 : vector<16xf32> to vector<1x16xf32>
      tpu.vector_store %arg12[%swap3A_122, %swap3A_123], %swap3A_126 {strides = array<i32>} : memref<128x128xf32, #tpu.memory_space<vmem>>, vector<1x16xf32>,
      %swap3A_127 = arith.index_cast %add3A_97 : i32 to index
      %swap3A_128 = arith.constant 96 : index
      %swap3A_129 = tpu.vector_load %arg12[%swap3A_127, %swap3A_128] {strides = array<i32>} : memref<128x128xf32, #tpu.memory_space<vmem>>, vector<1x16xf32>,
      %swap3A_130 = vector.shape_cast %swap3A_129 : vector<1x16xf32> to vector<16xf32>
      %swap3A_131 = vector.shape_cast %broadcast_in_dim3A_17 : vector<16xf32> to vector<1x16xf32>
      tpu.vector_store %arg12[%swap3A_127, %swap3A_128], %swap3A_131 {strides = array<i32>} : memref<128x128xf32, #tpu.memory_space<vmem>>, vector<1x16xf32>,
      %swap3A_132 = arith.index_cast %add3A_97 : i32 to index
      %swap3A_133 = arith.constant 112 : index
      %swap3A_134 = tpu.vector_load %arg12[%swap3A_132, %swap3A_133] {strides = array<i32>} : memref<128x128xf32, #tpu.memory_space<vmem>>, vector<1x16xf32>,
      %swap3A_135 = vector.shape_cast %swap3A_134 : vector<1x16xf32> to vector<16xf32>
      %swap3A_136 = vector.shape_cast %broadcast_in_dim3A_17 : vector<16xf32> to vector<1x16xf32>
      tpu.vector_store %arg12[%swap3A_132, %swap3A_133], %swap3A_136 {strides = array<i32>} : memref<128x128xf32, #tpu.memory_space<vmem>>, vector<1x16xf32>,
    }
    %scan3A_24 = arith.constant 128 : i32
    %sub3A = arith.constant 125 : i32
    %sub3A_25 = arith.subi %sub3A, %arg1 : i32
    %sub3A_26 = arith.constant 16 : i32
    %sub3A_27 = arith.constant 1 : i32
    %sub3A_28 = arith.subi %sub3A_26, %sub3A_27 : i32
    %add3A = arith.addi %sub3A_25, %sub3A_28 : i32
    %div3A = arith.constant 16 : i32
    %div3A_29 = arith.divsi %add3A, %div3A : i32
    %while3A = arith.constant 16 : i32
    %while3A_30 = arith.constant 0 : i32
    %while3A_31 = arith.subi %div3A_29, %while3A_30 : i32
    %while3A_32 = arith.addi %while3A_30, %while3A_31 : i32
    %while3A_33 = arith.constant 1 : i32
    %while3A_34 = arith.divsi %while3A_31, %while3A_33 : i32
    %while3A_35 = arith.muli %while3A_34, %while3A_33 : i32
    %while3A_36 = arith.addi %while3A_30, %while3A_35 : i32
    %while3A_37 = arith.constant 1 : i32
    scf.for %while3A_93 = %while3A_30 to %while3A_36 step %while3A_37  : i32 {
      %mul3A_94 = arith.muli %while3A_93, %while3A : i32
      %add3A_95 = arith.addi %arg1, %mul3A_94 : i32
      %mul3A_96 = arith.constant 80 : i32
      %mul3A_97 = arith.muli %add3A_95, %mul3A_96 : i32
      "tpu.region"() ({
        %run_scoped3A = tpu.sem_alloc : memref<!tpu.dma_semaphore, #tpu.memory_space<semaphore_mem>>
        %dma_start3A_98 = arith.constant 0 : i32
        %dma_start3A_99 = tpu.memref_slice %arg14[%mul3A_97, %dma_start3A_98] : memref<10000x128xf32, #tpu.memory_space<vmem_shared>> -> memref<80x128xf32, #tpu.memory_space<vmem_shared>>
        %dma_start3A_100 = arith.constant 0 : i32
        %dma_start3A_101 = tpu.memref_slice %arg14[%mul3A_97, %dma_start3A_100] : memref<10000x128xf32, #tpu.memory_space<vmem_shared>> -> memref<80x128xf32, #tpu.memory_space<vmem_shared>>
        tpu.enqueue_dma source(%arg13 : memref<80x128xf32, #tpu.memory_space<vmem>>) target(%dma_start3A_101 : memref<80x128xf32, #tpu.memory_space<vmem_shared>>) target_semaphore(%run_scoped3A : memref<!tpu.dma_semaphore, #tpu.memory_space<semaphore_mem>>)
        %dma_wait3A = arith.constant 0 : i32
        %dma_wait3A_102 = tpu.memref_slice %arg14[%mul3A_97, %dma_wait3A] : memref<10000x128xf32, #tpu.memory_space<vmem_shared>> -> memref<80x128xf32, #tpu.memory_space<vmem_shared>>
        %dma_wait3A_103 = arith.constant 0 : i32
        %dma_wait3A_104 = tpu.memref_slice %arg14[%mul3A_97, %dma_wait3A_103] : memref<10000x128xf32, #tpu.memory_space<vmem_shared>> -> memref<80x128xf32, #tpu.memory_space<vmem_shared>>
        tpu.wait_dma2 semaphore(%run_scoped3A : memref<!tpu.dma_semaphore, #tpu.memory_space<semaphore_mem>>) src(%arg13 : memref<80x128xf32, #tpu.memory_space<vmem>>) dst(%dma_wait3A_104 : memref<80x128xf32, #tpu.memory_space<vmem_shared>>)
        tpu.yield
      }) : () -> ()
    }
    %while3A_38 = arith.constant 1 : i32
    scf.for %while3A_93 = %while3A_36 to %while3A_32 step %while3A_38  : i32 {
      %mul3A_94 = arith.muli %while3A_93, %while3A : i32
      %add3A_95 = arith.addi %arg1, %mul3A_94 : i32
      %mul3A_96 = arith.constant 80 : i32
      %mul3A_97 = arith.muli %add3A_95, %mul3A_96 : i32
      "tpu.region"() ({
        %run_scoped3A = tpu.sem_alloc : memref<!tpu.dma_semaphore, #tpu.memory_space<semaphore_mem>>
        %dma_start3A_98 = arith.constant 0 : i32
        %dma_start3A_99 = tpu.memref_slice %arg14[%mul3A_97, %dma_start3A_98] : memref<10000x128xf32, #tpu.memory_space<vmem_shared>> -> memref<80x128xf32, #tpu.memory_space<vmem_shared>>
        %dma_start3A_100 = arith.constant 0 : i32
        %dma_start3A_101 = tpu.memref_slice %arg14[%mul3A_97, %dma_start3A_100] : memref<10000x128xf32, #tpu.memory_space<vmem_shared>> -> memref<80x128xf32, #tpu.memory_space<vmem_shared>>
        tpu.enqueue_dma source(%arg13 : memref<80x128xf32, #tpu.memory_space<vmem>>) target(%dma_start3A_101 : memref<80x128xf32, #tpu.memory_space<vmem_shared>>) target_semaphore(%run_scoped3A : memref<!tpu.dma_semaphore, #tpu.memory_space<semaphore_mem>>)
        %dma_wait3A = arith.constant 0 : i32
        %dma_wait3A_102 = tpu.memref_slice %arg14[%mul3A_97, %dma_wait3A] : memref<10000x128xf32, #tpu.memory_space<vmem_shared>> -> memref<80x128xf32, #tpu.memory_space<vmem_shared>>
        %dma_wait3A_103 = arith.constant 0 : i32
        %dma_wait3A_104 = tpu.memref_slice %arg14[%mul3A_97, %dma_wait3A_103] : memref<10000x128xf32, #tpu.memory_space<vmem_shared>> -> memref<80x128xf32, #tpu.memory_space<vmem_shared>>
        tpu.wait_dma2 semaphore(%run_scoped3A : memref<!tpu.dma_semaphore, #tpu.memory_space<semaphore_mem>>) src(%arg13 : memref<80x128xf32, #tpu.memory_space<vmem>>) dst(%dma_wait3A_104 : memref<80x128xf32, #tpu.memory_space<vmem_shared>>)
        tpu.yield
      }) : () -> ()
    }
    %barrier3A = arith.constant 0 : index
    tpu.barrier barrier_id(%barrier3A)
    %mul3A = arith.constant 625 : i32
    %mul3A_39 = arith.muli %arg0, %mul3A : i32
    %add3A_40 = arith.addi %mul3A_39, %arg1 : i32
    %mul3A_41 = arith.constant 128 : i32
    %mul3A_42 = arith.muli %add3A_40, %mul3A_41 : i32
    %dma_start3A = tpu.memref_slice %arg2[%mul3A_42] : memref<320000xi32, #tpu.memory_space<hbm>> -> memref<128xi32, #tpu.memory_space<hbm>>
    %dma_start3A_43 = tpu.memref_slice %arg2[%mul3A_42] : memref<320000xi32, #tpu.memory_space<hbm>> -> memref<128xi32, #tpu.memory_space<hbm>>
    tpu.enqueue_dma source(%dma_start3A_43 : memref<128xi32, #tpu.memory_space<hbm>>) target(%arg5 : memref<128xi32, #tpu.memory_space<vmem>>) target_semaphore(%arg15 : memref<!tpu.dma_semaphore, #tpu.memory_space<semaphore_mem>>)
    %add3A_44 = arith.constant 160000 : i32
    %add3A_45 = arith.addi %add3A_44, %mul3A_42 : i32
    %dma_start3A_46 = tpu.memref_slice %arg2[%add3A_45] : memref<320000xi32, #tpu.memory_space<hbm>> -> memref<128xi32, #tpu.memory_space<hbm>>
    %dma_start3A_47 = tpu.memref_slice %arg2[%add3A_45] : memref<320000xi32, #tpu.memory_space<hbm>> -> memref<128xi32, #tpu.memory_space<hbm>>
    tpu.enqueue_dma source(%dma_start3A_47 : memref<128xi32, #tpu.memory_space<hbm>>) target(%arg7 : memref<128xi32, #tpu.memory_space<vmem>>) target_semaphore(%arg15 : memref<!tpu.dma_semaphore, #tpu.memory_space<semaphore_mem>>)
    %mul3A_48 = arith.constant 16 : i32
    %mul3A_49 = arith.muli %add3A_40, %mul3A_48 : i32
    %dma_start3A_50 = arith.constant 0 : i32
    %dma_start3A_51 = tpu.memref_slice %arg3[%mul3A_49, %dma_start3A_50] : memref<20000x128xf32, #tpu.memory_space<hbm>> -> memref<16x128xf32, #tpu.memory_space<hbm>>
    %dma_start3A_52 = arith.constant 0 : i32
    %dma_start3A_53 = tpu.memref_slice %arg3[%mul3A_49, %dma_start3A_52] : memref<20000x128xf32, #tpu.memory_space<hbm>> -> memref<16x128xf32, #tpu.memory_space<hbm>>
    tpu.enqueue_dma source(%dma_start3A_53 : memref<16x128xf32, #tpu.memory_space<hbm>>) target(%arg9 : memref<16x128xf32, #tpu.memory_space<vmem>>) target_semaphore(%arg15 : memref<!tpu.dma_semaphore, #tpu.memory_space<semaphore_mem>>)
    %sub3A_54 = arith.constant 625 : i32
    %sub3A_55 = arith.subi %sub3A_54, %arg1 : i32
    %sub3A_56 = arith.constant 32 : i32
    %sub3A_57 = arith.constant 1 : i32
    %sub3A_58 = arith.subi %sub3A_56, %sub3A_57 : i32
    %add3A_59 = arith.addi %sub3A_55, %sub3A_58 : i32
    %div3A_60 = arith.constant 32 : i32
    %div3A_61 = arith.divsi %add3A_59, %div3A_60 : i32
    %while3A_62 = arith.constant 32 : i32
    %while3A_63 = arith.constant 0 : i32
    %while3A_64 = arith.subi %div3A_61, %while3A_63 : i32
    %while3A_65 = arith.addi %while3A_63, %while3A_64 : i32
    %while3A_66 = arith.constant 1 : i32
    %while3A_67 = arith.divsi %while3A_64, %while3A_66 : i32
    %while3A_68 = arith.muli %while3A_67, %while3A_66 : i32
    %while3A_69 = arith.addi %while3A_63, %while3A_68 : i32
    %while3A_70 = arith.constant 1 : i32
    scf.for %while3A_93 = %while3A_63 to %while3A_69 step %while3A_70  : i32 {
      %mul3A_94 = arith.muli %while3A_93, %while3A_62 : i32
      %add3A_95 = arith.addi %arg1, %mul3A_94 : i32
      %add3A_96 = arith.constant 16 : i32
      %add3A_97 = arith.addi %add3A_95, %add3A_96 : i32
      %lt3A = arith.constant 625 : i32
      %lt3A_98 = arith.cmpi slt, %add3A_97, %lt3A : i32
      %convert_element_type3A = arith.extui %lt3A_98 : i1 to i32
      %cond3A = arith.constant 0 : i32
      %cond3A_99 = arith.cmpi ne, %convert_element_type3A, %cond3A : i32
      scf.if %cond3A_99 {
        %add3A_135 = arith.constant 16 : i32
        %add3A_136 = arith.addi %add3A_95, %add3A_135 : i32
        %mul3A_137 = arith.constant 625 : i32
        %mul3A_138 = arith.muli %arg0, %mul3A_137 : i32
        %add3A_139 = arith.addi %mul3A_138, %add3A_136 : i32
        %mul3A_140 = arith.constant 128 : i32
        %mul3A_141 = arith.muli %add3A_139, %mul3A_140 : i32
        %dma_start3A_142 = tpu.memref_slice %arg2[%mul3A_141] : memref<320000xi32, #tpu.memory_space<hbm>> -> memref<128xi32, #tpu.memory_space<hbm>>
        %dma_start3A_143 = tpu.memref_slice %arg2[%mul3A_141] : memref<320000xi32, #tpu.memory_space<hbm>> -> memref<128xi32, #tpu.memory_space<hbm>>
        tpu.enqueue_dma source(%dma_start3A_143 : memref<128xi32, #tpu.memory_space<hbm>>) target(%arg6 : memref<128xi32, #tpu.memory_space<vmem>>) target_semaphore(%arg16 : memref<!tpu.dma_semaphore, #tpu.memory_space<semaphore_mem>>)
        %add3A_144 = arith.constant 160000 : i32
        %add3A_145 = arith.addi %add3A_144, %mul3A_141 : i32
        %dma_start3A_146 = tpu.memref_slice %arg2[%add3A_145] : memref<320000xi32, #tpu.memory_space<hbm>> -> memref<128xi32, #tpu.memory_space<hbm>>
        %dma_start3A_147 = tpu.memref_slice %arg2[%add3A_145] : memref<320000xi32, #tpu.memory_space<hbm>> -> memref<128xi32, #tpu.memory_space<hbm>>
        tpu.enqueue_dma source(%dma_start3A_147 : memref<128xi32, #tpu.memory_space<hbm>>) target(%arg8 : memref<128xi32, #tpu.memory_space<vmem>>) target_semaphore(%arg16 : memref<!tpu.dma_semaphore, #tpu.memory_space<semaphore_mem>>)
        %mul3A_148 = arith.constant 16 : i32
        %mul3A_149 = arith.muli %add3A_139, %mul3A_148 : i32
        %dma_start3A_150 = arith.constant 0 : i32
        %dma_start3A_151 = tpu.memref_slice %arg3[%mul3A_149, %dma_start3A_150] : memref<20000x128xf32, #tpu.memory_space<hbm>> -> memref<16x128xf32, #tpu.memory_space<hbm>>
        %dma_start3A_152 = arith.constant 0 : i32
        %dma_start3A_153 = tpu.memref_slice %arg3[%mul3A_149, %dma_start3A_152] : memref<20000x128xf32, #tpu.memory_space<hbm>> -> memref<16x128xf32, #tpu.memory_space<hbm>>
        tpu.enqueue_dma source(%dma_start3A_153 : memref<16x128xf32, #tpu.memory_space<hbm>>) target(%arg10 : memref<16x128xf32, #tpu.memory_space<vmem>>) target_semaphore(%arg16 : memref<!tpu.dma_semaphore, #tpu.memory_space<semaphore_mem>>)
      } else {
      }
      %mul3A_100 = arith.constant 625 : i32
      %mul3A_101 = arith.muli %arg0, %mul3A_100 : i32
      %add3A_102 = arith.addi %mul3A_101, %add3A_95 : i32
      %mul3A_103 = arith.constant 128 : i32
      %mul3A_104 = arith.muli %add3A_102, %mul3A_103 : i32
      %dma_wait3A = tpu.memref_slice %arg2[%mul3A_104] : memref<320000xi32, #tpu.memory_space<hbm>> -> memref<128xi32, #tpu.memory_space<hbm>>
      %dma_wait3A_105 = tpu.memref_slice %arg2[%mul3A_104] : memref<320000xi32, #tpu.memory_space<hbm>> -> memref<128xi32, #tpu.memory_space<hbm>>
      tpu.wait_dma2 semaphore(%arg15 : memref<!tpu.dma_semaphore, #tpu.memory_space<semaphore_mem>>) src(%dma_wait3A_105 : memref<128xi32, #tpu.memory_space<hbm>>) dst(%arg5 : memref<128xi32, #tpu.memory_space<vmem>>)
      %add3A_106 = arith.constant 160000 : i32
      %add3A_107 = arith.addi %add3A_106, %mul3A_104 : i32
      %dma_wait3A_108 = tpu.memref_slice %arg2[%add3A_107] : memref<320000xi32, #tpu.memory_space<hbm>> -> memref<128xi32, #tpu.memory_space<hbm>>
      %dma_wait3A_109 = tpu.memref_slice %arg2[%add3A_107] : memref<320000xi32, #tpu.memory_space<hbm>> -> memref<128xi32, #tpu.memory_space<hbm>>
      tpu.wait_dma2 semaphore(%arg15 : memref<!tpu.dma_semaphore, #tpu.memory_space<semaphore_mem>>) src(%dma_wait3A_109 : memref<128xi32, #tpu.memory_space<hbm>>) dst(%arg7 : memref<128xi32, #tpu.memory_space<vmem>>)
      %mul3A_110 = arith.constant 16 : i32
      %mul3A_111 = arith.muli %add3A_102, %mul3A_110 : i32
      %dma_wait3A_112 = arith.constant 0 : i32
      %dma_wait3A_113 = tpu.memref_slice %arg3[%mul3A_111, %dma_wait3A_112] : memref<20000x128xf32, #tpu.memory_space<hbm>> -> memref<16x128xf32, #tpu.memory_space<hbm>>
      %dma_wait3A_114 = arith.constant 0 : i32
      %dma_wait3A_115 = tpu.memref_slice %arg3[%mul3A_111, %dma_wait3A_114] : memref<20000x128xf32, #tpu.memory_space<hbm>> -> memref<16x128xf32, #tpu.memory_space<hbm>>
      tpu.wait_dma2 semaphore(%arg15 : memref<!tpu.dma_semaphore, #tpu.memory_space<semaphore_mem>>) src(%dma_wait3A_115 : memref<16x128xf32, #tpu.memory_space<hbm>>) dst(%arg9 : memref<16x128xf32, #tpu.memory_space<vmem>>)
      %scan3A_116 = arith.constant 0 : i32
      %scan3A_117 = arith.constant 128 : i32
      %scan3A_118 = arith.addi %scan3A_116, %scan3A_117 : i32
      %scan3A_119 = arith.constant 1 : i32
      scf.for %scan3A_135 = %scan3A_116 to %scan3A_118 step %scan3A_119  : i32 {
        %mul3A_136 = arith.constant 1 : i32
        %mul3A_137 = arith.muli %scan3A_135, %mul3A_136 : i32
        %add3A_138 = arith.constant 0 : i32
        %add3A_139 = arith.addi %add3A_138, %mul3A_137 : i32
        %jit3A = arith.constant 8 : i32
        %div3A_140 = arith.divsi %add3A_139, %jit3A : i32
        %sign3A = arith.constant 0 : i32
        %sign3A_141 = arith.cmpi sgt, %add3A_139, %sign3A : i32
        %sign3A_142 = arith.extui %sign3A_141 : i1 to i32
        %sign3A_143 = arith.constant 0 : i32
        %sign3A_144 = arith.cmpi slt, %add3A_139, %sign3A_143 : i32
        %sign3A_145 = arith.extui %sign3A_144 : i1 to i32
        %sign3A_146 = arith.subi %sign3A_142, %sign3A_145 : i32
        %sign3A_147 = arith.constant 0 : i32
        %sign3A_148 = arith.cmpi sgt, %jit3A, %sign3A_147 : i32
        %sign3A_149 = arith.extui %sign3A_148 : i1 to i32
        %sign3A_150 = arith.constant 0 : i32
        %sign3A_151 = arith.cmpi slt, %jit3A, %sign3A_150 : i32
        %sign3A_152 = arith.extui %sign3A_151 : i1 to i32
        %sign3A_153 = arith.subi %sign3A_149, %sign3A_152 : i32
        %ne3A = arith.cmpi ne, %sign3A_146, %sign3A_153 : i32
        %rem3A = arith.remsi %add3A_139, %jit3A : i32
        %ne3A_154 = arith.constant 0 : i32
        %ne3A_155 = arith.cmpi ne, %rem3A, %ne3A_154 : i32
        %and3A = arith.andi %ne3A, %ne3A_155 : i1
        %sub3A_156 = arith.constant 1 : i32
        %sub3A_157 = arith.subi %div3A_140, %sub3A_156 : i32
        %select_n3A = arith.select %and3A, %sub3A_157, %div3A_140 : i32
        %jit3A_158 = arith.constant 8 : i32
        %eq3A = arith.constant 0 : i32
        %eq3A_159 = arith.cmpi eq, %jit3A_158, %eq3A : i32
        %jit3A_160 = arith.constant 1 : i32
        %select_n3A_161 = arith.select %eq3A_159, %jit3A_160, %jit3A_158 : i32
        %rem3A_162 = arith.remsi %add3A_139, %select_n3A_161 : i32
        %ne3A_163 = arith.constant 0 : i32
        %ne3A_164 = arith.cmpi ne, %rem3A_162, %ne3A_163 : i32
        %lt3A_165 = arith.constant 0 : i32
        %lt3A_166 = arith.cmpi slt, %rem3A_162, %lt3A_165 : i32
        %lt3A_167 = arith.constant 0 : i32
        %lt3A_168 = arith.cmpi slt, %select_n3A_161, %lt3A_167 : i32
        %ne3A_169 = arith.xori %lt3A_166, %lt3A_168 : i1
        %and3A_170 = arith.andi %ne3A_169, %ne3A_164 : i1
        %add3A_171 = arith.addi %rem3A_162, %select_n3A_161 : i32
        %select_n3A_172 = arith.select %and3A_170, %add3A_171, %rem3A_162 : i32
        %mul3A_173 = arith.constant 16 : i32
        %mul3A_174 = arith.muli %select_n3A_172, %mul3A_173 : i32
        %get3A = arith.index_cast %select_n3A : i32 to index
        %get3A_175 = arith.index_cast %mul3A_174 : i32 to index
        %get3A_176 = tpu.vector_load %arg9[%get3A, %get3A_175] {strides = array<i32>} : memref<16x128xf32, #tpu.memory_space<vmem>>, vector<1x16xf32>,
        %get3A_177 = vector.shape_cast %get3A_176 : vector<1x16xf32> to vector<16xf32>
        %swap3A = arith.index_cast %add3A_139 : i32 to index
        %swap3A_178 = arith.constant 0 : index
        %swap3A_179 = tpu.vector_load %arg11[%swap3A, %swap3A_178] {strides = array<i32>} : memref<128x128xf32, #tpu.memory_space<vmem>>, vector<1x16xf32>,
        %swap3A_180 = vector.shape_cast %swap3A_179 : vector<1x16xf32> to vector<16xf32>
        %swap3A_181 = vector.shape_cast %get3A_177 : vector<16xf32> to vector<1x16xf32>
        tpu.vector_store %arg11[%swap3A, %swap3A_178], %swap3A_181 {strides = array<i32>} : memref<128x128xf32, #tpu.memory_space<vmem>>, vector<1x16xf32>,
      }
      %scan3A_120 = arith.constant 128 : i32
      "tpu.region"() ({
        %run_scoped3A = tpu.sem_alloc : memref<!tpu.dma_semaphore, #tpu.memory_space<semaphore_mem>>
        %dma_start3A_135 = arith.constant 0 : i32
        %dma_start3A_136 = arith.constant 0 : i32
        %dma_start3A_137 = tpu.memref_slice %arg14[%dma_start3A_135, %dma_start3A_136] : memref<10000x128xf32, #tpu.memory_space<vmem_shared>> -> memref<10000x128xf32, #tpu.memory_space<vmem_shared>>
        tpu.enqueue_indirect_dma source(%arg11 : memref<128x128xf32, #tpu.memory_space<vmem>>) target(%dma_start3A_137 : memref<10000x128xf32, #tpu.memory_space<vmem_shared>>) offsets(%arg7 : memref<128xi32, #tpu.memory_space<vmem>>) semaphore(%run_scoped3A : memref<!tpu.dma_semaphore, #tpu.memory_space<semaphore_mem>>) {add = true}
        %dma_wait3A_138 = arith.constant 0 : i32
        %dma_wait3A_139 = arith.constant 0 : i32
        %dma_wait3A_140 = tpu.memref_slice %arg14[%dma_wait3A_138, %dma_wait3A_139] : memref<10000x128xf32, #tpu.memory_space<vmem_shared>> -> memref<10000x128xf32, #tpu.memory_space<vmem_shared>>
        tpu.wait_indirect_dma semaphore(%run_scoped3A : memref<!tpu.dma_semaphore, #tpu.memory_space<semaphore_mem>>) src(%arg11 : memref<128x128xf32, #tpu.memory_space<vmem>>) dst(%dma_wait3A_140 : memref<10000x128xf32, #tpu.memory_space<vmem_shared>>)
        tpu.yield
      }) : () -> ()
      "tpu.region"() ({
        %run_scoped3A = tpu.sem_alloc : memref<!tpu.dma_semaphore, #tpu.memory_space<semaphore_mem>>
        %dma_start3A_135 = arith.constant 0 : i32
        %dma_start3A_136 = arith.constant 0 : i32
        %dma_start3A_137 = tpu.memref_slice %arg14[%dma_start3A_135, %dma_start3A_136] : memref<10000x128xf32, #tpu.memory_space<vmem_shared>> -> memref<10000x128xf32, #tpu.memory_space<vmem_shared>>
        tpu.enqueue_indirect_dma source(%arg12 : memref<128x128xf32, #tpu.memory_space<vmem>>) target(%dma_start3A_137 : memref<10000x128xf32, #tpu.memory_space<vmem_shared>>) offsets(%arg5 : memref<128xi32, #tpu.memory_space<vmem>>) semaphore(%run_scoped3A : memref<!tpu.dma_semaphore, #tpu.memory_space<semaphore_mem>>) {add = true}
        %dma_wait3A_138 = arith.constant 0 : i32
        %dma_wait3A_139 = arith.constant 0 : i32
        %dma_wait3A_140 = tpu.memref_slice %arg14[%dma_wait3A_138, %dma_wait3A_139] : memref<10000x128xf32, #tpu.memory_space<vmem_shared>> -> memref<10000x128xf32, #tpu.memory_space<vmem_shared>>
        tpu.wait_indirect_dma semaphore(%run_scoped3A : memref<!tpu.dma_semaphore, #tpu.memory_space<semaphore_mem>>) src(%arg12 : memref<128x128xf32, #tpu.memory_space<vmem>>) dst(%dma_wait3A_140 : memref<10000x128xf32, #tpu.memory_space<vmem_shared>>)
        tpu.yield
      }) : () -> ()
      %add3A_121 = arith.constant 32 : i32
      %add3A_122 = arith.addi %add3A_95, %add3A_121 : i32
      %lt3A_123 = arith.constant 625 : i32
      %lt3A_124 = arith.cmpi slt, %add3A_122, %lt3A_123 : i32
      %convert_element_type3A_125 = arith.extui %lt3A_124 : i1 to i32
      %cond3A_126 = arith.constant 0 : i32
      %cond3A_127 = arith.cmpi ne, %convert_element_type3A_125, %cond3A_126 : i32
      scf.if %cond3A_127 {
        %add3A_135 = arith.constant 32 : i32
        %add3A_136 = arith.addi %add3A_95, %add3A_135 : i32
        %mul3A_137 = arith.constant 625 : i32
        %mul3A_138 = arith.muli %arg0, %mul3A_137 : i32
        %add3A_139 = arith.addi %mul3A_138, %add3A_136 : i32
        %mul3A_140 = arith.constant 128 : i32
        %mul3A_141 = arith.muli %add3A_139, %mul3A_140 : i32
        %dma_start3A_142 = tpu.memref_slice %arg2[%mul3A_141] : memref<320000xi32, #tpu.memory_space<hbm>> -> memref<128xi32, #tpu.memory_space<hbm>>
        %dma_start3A_143 = tpu.memref_slice %arg2[%mul3A_141] : memref<320000xi32, #tpu.memory_space<hbm>> -> memref<128xi32, #tpu.memory_space<hbm>>
        tpu.enqueue_dma source(%dma_start3A_143 : memref<128xi32, #tpu.memory_space<hbm>>) target(%arg5 : memref<128xi32, #tpu.memory_space<vmem>>) target_semaphore(%arg15 : memref<!tpu.dma_semaphore, #tpu.memory_space<semaphore_mem>>)
        %add3A_144 = arith.constant 160000 : i32
        %add3A_145 = arith.addi %add3A_144, %mul3A_141 : i32
        %dma_start3A_146 = tpu.memref_slice %arg2[%add3A_145] : memref<320000xi32, #tpu.memory_space<hbm>> -> memref<128xi32, #tpu.memory_space<hbm>>
        %dma_start3A_147 = tpu.memref_slice %arg2[%add3A_145] : memref<320000xi32, #tpu.memory_space<hbm>> -> memref<128xi32, #tpu.memory_space<hbm>>
        tpu.enqueue_dma source(%dma_start3A_147 : memref<128xi32, #tpu.memory_space<hbm>>) target(%arg7 : memref<128xi32, #tpu.memory_space<vmem>>) target_semaphore(%arg15 : memref<!tpu.dma_semaphore, #tpu.memory_space<semaphore_mem>>)
        %mul3A_148 = arith.constant 16 : i32
        %mul3A_149 = arith.muli %add3A_139, %mul3A_148 : i32
        %dma_start3A_150 = arith.constant 0 : i32
        %dma_start3A_151 = tpu.memref_slice %arg3[%mul3A_149, %dma_start3A_150] : memref<20000x128xf32, #tpu.memory_space<hbm>> -> memref<16x128xf32, #tpu.memory_space<hbm>>
        %dma_start3A_152 = arith.constant 0 : i32
        %dma_start3A_153 = tpu.memref_slice %arg3[%mul3A_149, %dma_start3A_152] : memref<20000x128xf32, #tpu.memory_space<hbm>> -> memref<16x128xf32, #tpu.memory_space<hbm>>
        tpu.enqueue_dma source(%dma_start3A_153 : memref<16x128xf32, #tpu.memory_space<hbm>>) target(%arg9 : memref<16x128xf32, #tpu.memory_space<vmem>>) target_semaphore(%arg15 : memref<!tpu.dma_semaphore, #tpu.memory_space<semaphore_mem>>)
      } else {
      }
      %add3A_128 = arith.constant 16 : i32
      %add3A_129 = arith.addi %add3A_95, %add3A_128 : i32
      %lt3A_130 = arith.constant 625 : i32
      %lt3A_131 = arith.cmpi slt, %add3A_129, %lt3A_130 : i32
      %convert_element_type3A_132 = arith.extui %lt3A_131 : i1 to i32
      %cond3A_133 = arith.constant 0 : i32
      %cond3A_134 = arith.cmpi ne, %convert_element_type3A_132, %cond3A_133 : i32
      scf.if %cond3A_134 {
        %add3A_135 = arith.constant 16 : i32
        %add3A_136 = arith.addi %add3A_95, %add3A_135 : i32
        %mul3A_137 = arith.constant 625 : i32
        %mul3A_138 = arith.muli %arg0, %mul3A_137 : i32
        %add3A_139 = arith.addi %mul3A_138, %add3A_136 : i32
        %mul3A_140 = arith.constant 128 : i32
        %mul3A_141 = arith.muli %add3A_139, %mul3A_140 : i32
        %dma_wait3A_142 = tpu.memref_slice %arg2[%mul3A_141] : memref<320000xi32, #tpu.memory_space<hbm>> -> memref<128xi32, #tpu.memory_space<hbm>>
        %dma_wait3A_143 = tpu.memref_slice %arg2[%mul3A_141] : memref<320000xi32, #tpu.memory_space<hbm>> -> memref<128xi32, #tpu.memory_space<hbm>>
        tpu.wait_dma2 semaphore(%arg16 : memref<!tpu.dma_semaphore, #tpu.memory_space<semaphore_mem>>) src(%dma_wait3A_143 : memref<128xi32, #tpu.memory_space<hbm>>) dst(%arg6 : memref<128xi32, #tpu.memory_space<vmem>>)
        %add3A_144 = arith.constant 160000 : i32
        %add3A_145 = arith.addi %add3A_144, %mul3A_141 : i32
        %dma_wait3A_146 = tpu.memref_slice %arg2[%add3A_145] : memref<320000xi32, #tpu.memory_space<hbm>> -> memref<128xi32, #tpu.memory_space<hbm>>
        %dma_wait3A_147 = tpu.memref_slice %arg2[%add3A_145] : memref<320000xi32, #tpu.memory_space<hbm>> -> memref<128xi32, #tpu.memory_space<hbm>>
        tpu.wait_dma2 semaphore(%arg16 : memref<!tpu.dma_semaphore, #tpu.memory_space<semaphore_mem>>) src(%dma_wait3A_147 : memref<128xi32, #tpu.memory_space<hbm>>) dst(%arg8 : memref<128xi32, #tpu.memory_space<vmem>>)
        %mul3A_148 = arith.constant 16 : i32
        %mul3A_149 = arith.muli %add3A_139, %mul3A_148 : i32
        %dma_wait3A_150 = arith.constant 0 : i32
        %dma_wait3A_151 = tpu.memref_slice %arg3[%mul3A_149, %dma_wait3A_150] : memref<20000x128xf32, #tpu.memory_space<hbm>> -> memref<16x128xf32, #tpu.memory_space<hbm>>
        %dma_wait3A_152 = arith.constant 0 : i32
        %dma_wait3A_153 = tpu.memref_slice %arg3[%mul3A_149, %dma_wait3A_152] : memref<20000x128xf32, #tpu.memory_space<hbm>> -> memref<16x128xf32, #tpu.memory_space<hbm>>
        tpu.wait_dma2 semaphore(%arg16 : memref<!tpu.dma_semaphore, #tpu.memory_space<semaphore_mem>>) src(%dma_wait3A_153 : memref<16x128xf32, #tpu.memory_space<hbm>>) dst(%arg10 : memref<16x128xf32, #tpu.memory_space<vmem>>)
        %scan3A_154 = arith.constant 0 : i32
        %scan3A_155 = arith.constant 128 : i32
        %scan3A_156 = arith.addi %scan3A_154, %scan3A_155 : i32
        %scan3A_157 = arith.constant 1 : i32
        scf.for %scan3A_159 = %scan3A_154 to %scan3A_156 step %scan3A_157  : i32 {
          %mul3A_160 = arith.constant 1 : i32
          %mul3A_161 = arith.muli %scan3A_159, %mul3A_160 : i32
          %add3A_162 = arith.constant 0 : i32
          %add3A_163 = arith.addi %add3A_162, %mul3A_161 : i32
          %jit3A = arith.constant 8 : i32
          %div3A_164 = arith.divsi %add3A_163, %jit3A : i32
          %sign3A = arith.constant 0 : i32
          %sign3A_165 = arith.cmpi sgt, %add3A_163, %sign3A : i32
          %sign3A_166 = arith.extui %sign3A_165 : i1 to i32
          %sign3A_167 = arith.constant 0 : i32
          %sign3A_168 = arith.cmpi slt, %add3A_163, %sign3A_167 : i32
          %sign3A_169 = arith.extui %sign3A_168 : i1 to i32
          %sign3A_170 = arith.subi %sign3A_166, %sign3A_169 : i32
          %sign3A_171 = arith.constant 0 : i32
          %sign3A_172 = arith.cmpi sgt, %jit3A, %sign3A_171 : i32
          %sign3A_173 = arith.extui %sign3A_172 : i1 to i32
          %sign3A_174 = arith.constant 0 : i32
          %sign3A_175 = arith.cmpi slt, %jit3A, %sign3A_174 : i32
          %sign3A_176 = arith.extui %sign3A_175 : i1 to i32
          %sign3A_177 = arith.subi %sign3A_173, %sign3A_176 : i32
          %ne3A = arith.cmpi ne, %sign3A_170, %sign3A_177 : i32
          %rem3A = arith.remsi %add3A_163, %jit3A : i32
          %ne3A_178 = arith.constant 0 : i32
          %ne3A_179 = arith.cmpi ne, %rem3A, %ne3A_178 : i32
          %and3A = arith.andi %ne3A, %ne3A_179 : i1
          %sub3A_180 = arith.constant 1 : i32
          %sub3A_181 = arith.subi %div3A_164, %sub3A_180 : i32
          %select_n3A = arith.select %and3A, %sub3A_181, %div3A_164 : i32
          %jit3A_182 = arith.constant 8 : i32
          %eq3A = arith.constant 0 : i32
          %eq3A_183 = arith.cmpi eq, %jit3A_182, %eq3A : i32
          %jit3A_184 = arith.constant 1 : i32
          %select_n3A_185 = arith.select %eq3A_183, %jit3A_184, %jit3A_182 : i32
          %rem3A_186 = arith.remsi %add3A_163, %select_n3A_185 : i32
          %ne3A_187 = arith.constant 0 : i32
          %ne3A_188 = arith.cmpi ne, %rem3A_186, %ne3A_187 : i32
          %lt3A_189 = arith.constant 0 : i32
          %lt3A_190 = arith.cmpi slt, %rem3A_186, %lt3A_189 : i32
          %lt3A_191 = arith.constant 0 : i32
          %lt3A_192 = arith.cmpi slt, %select_n3A_185, %lt3A_191 : i32
          %ne3A_193 = arith.xori %lt3A_190, %lt3A_192 : i1
          %and3A_194 = arith.andi %ne3A_193, %ne3A_188 : i1
          %add3A_195 = arith.addi %rem3A_186, %select_n3A_185 : i32
          %select_n3A_196 = arith.select %and3A_194, %add3A_195, %rem3A_186 : i32
          %mul3A_197 = arith.constant 16 : i32
          %mul3A_198 = arith.muli %select_n3A_196, %mul3A_197 : i32
          %get3A = arith.index_cast %select_n3A : i32 to index
          %get3A_199 = arith.index_cast %mul3A_198 : i32 to index
          %get3A_200 = tpu.vector_load %arg10[%get3A, %get3A_199] {strides = array<i32>} : memref<16x128xf32, #tpu.memory_space<vmem>>, vector<1x16xf32>,
          %get3A_201 = vector.shape_cast %get3A_200 : vector<1x16xf32> to vector<16xf32>
          %swap3A = arith.index_cast %add3A_163 : i32 to index
          %swap3A_202 = arith.constant 0 : index
          %swap3A_203 = tpu.vector_load %arg11[%swap3A, %swap3A_202] {strides = array<i32>} : memref<128x128xf32, #tpu.memory_space<vmem>>, vector<1x16xf32>,
          %swap3A_204 = vector.shape_cast %swap3A_203 : vector<1x16xf32> to vector<16xf32>
          %swap3A_205 = vector.shape_cast %get3A_201 : vector<16xf32> to vector<1x16xf32>
          tpu.vector_store %arg11[%swap3A, %swap3A_202], %swap3A_205 {strides = array<i32>} : memref<128x128xf32, #tpu.memory_space<vmem>>, vector<1x16xf32>,
        }
        %scan3A_158 = arith.constant 128 : i32
        "tpu.region"() ({
          %run_scoped3A = tpu.sem_alloc : memref<!tpu.dma_semaphore, #tpu.memory_space<semaphore_mem>>
          %dma_start3A_159 = arith.constant 0 : i32
          %dma_start3A_160 = arith.constant 0 : i32
          %dma_start3A_161 = tpu.memref_slice %arg14[%dma_start3A_159, %dma_start3A_160] : memref<10000x128xf32, #tpu.memory_space<vmem_shared>> -> memref<10000x128xf32, #tpu.memory_space<vmem_shared>>
          tpu.enqueue_indirect_dma source(%arg11 : memref<128x128xf32, #tpu.memory_space<vmem>>) target(%dma_start3A_161 : memref<10000x128xf32, #tpu.memory_space<vmem_shared>>) offsets(%arg8 : memref<128xi32, #tpu.memory_space<vmem>>) semaphore(%run_scoped3A : memref<!tpu.dma_semaphore, #tpu.memory_space<semaphore_mem>>) {add = true}
          %dma_wait3A_162 = arith.constant 0 : i32
          %dma_wait3A_163 = arith.constant 0 : i32
          %dma_wait3A_164 = tpu.memref_slice %arg14[%dma_wait3A_162, %dma_wait3A_163] : memref<10000x128xf32, #tpu.memory_space<vmem_shared>> -> memref<10000x128xf32, #tpu.memory_space<vmem_shared>>
          tpu.wait_indirect_dma semaphore(%run_scoped3A : memref<!tpu.dma_semaphore, #tpu.memory_space<semaphore_mem>>) src(%arg11 : memref<128x128xf32, #tpu.memory_space<vmem>>) dst(%dma_wait3A_164 : memref<10000x128xf32, #tpu.memory_space<vmem_shared>>)
          tpu.yield
        }) : () -> ()
        "tpu.region"() ({
          %run_scoped3A = tpu.sem_alloc : memref<!tpu.dma_semaphore, #tpu.memory_space<semaphore_mem>>
          %dma_start3A_159 = arith.constant 0 : i32
          %dma_start3A_160 = arith.constant 0 : i32
          %dma_start3A_161 = tpu.memref_slice %arg14[%dma_start3A_159, %dma_start3A_160] : memref<10000x128xf32, #tpu.memory_space<vmem_shared>> -> memref<10000x128xf32, #tpu.memory_space<vmem_shared>>
          tpu.enqueue_indirect_dma source(%arg12 : memref<128x128xf32, #tpu.memory_space<vmem>>) target(%dma_start3A_161 : memref<10000x128xf32, #tpu.memory_space<vmem_shared>>) offsets(%arg6 : memref<128xi32, #tpu.memory_space<vmem>>) semaphore(%run_scoped3A : memref<!tpu.dma_semaphore, #tpu.memory_space<semaphore_mem>>) {add = true}
          %dma_wait3A_162 = arith.constant 0 : i32
          %dma_wait3A_163 = arith.constant 0 : i32
          %dma_wait3A_164 = tpu.memref_slice %arg14[%dma_wait3A_162, %dma_wait3A_163] : memref<10000x128xf32, #tpu.memory_space<vmem_shared>> -> memref<10000x128xf32, #tpu.memory_space<vmem_shared>>
          tpu.wait_indirect_dma semaphore(%run_scoped3A : memref<!tpu.dma_semaphore, #tpu.memory_space<semaphore_mem>>) src(%arg12 : memref<128x128xf32, #tpu.memory_space<vmem>>) dst(%dma_wait3A_164 : memref<10000x128xf32, #tpu.memory_space<vmem_shared>>)
          tpu.yield
        }) : () -> ()
      } else {
      }
    }
    %while3A_71 = arith.constant 1 : i32
    scf.for %while3A_93 = %while3A_69 to %while3A_65 step %while3A_71  : i32 {
      %mul3A_94 = arith.muli %while3A_93, %while3A_62 : i32
      %add3A_95 = arith.addi %arg1, %mul3A_94 : i32
      %add3A_96 = arith.constant 16 : i32
      %add3A_97 = arith.addi %add3A_95, %add3A_96 : i32
      %lt3A = arith.constant 625 : i32
      %lt3A_98 = arith.cmpi slt, %add3A_97, %lt3A : i32
      %convert_element_type3A = arith.extui %lt3A_98 : i1 to i32
      %cond3A = arith.constant 0 : i32
      %cond3A_99 = arith.cmpi ne, %convert_element_type3A, %cond3A : i32
      scf.if %cond3A_99 {
        %add3A_135 = arith.constant 16 : i32
        %add3A_136 = arith.addi %add3A_95, %add3A_135 : i32
        %mul3A_137 = arith.constant 625 : i32
        %mul3A_138 = arith.muli %arg0, %mul3A_137 : i32
        %add3A_139 = arith.addi %mul3A_138, %add3A_136 : i32
        %mul3A_140 = arith.constant 128 : i32
        %mul3A_141 = arith.muli %add3A_139, %mul3A_140 : i32
        %dma_start3A_142 = tpu.memref_slice %arg2[%mul3A_141] : memref<320000xi32, #tpu.memory_space<hbm>> -> memref<128xi32, #tpu.memory_space<hbm>>
        %dma_start3A_143 = tpu.memref_slice %arg2[%mul3A_141] : memref<320000xi32, #tpu.memory_space<hbm>> -> memref<128xi32, #tpu.memory_space<hbm>>
        tpu.enqueue_dma source(%dma_start3A_143 : memref<128xi32, #tpu.memory_space<hbm>>) target(%arg6 : memref<128xi32, #tpu.memory_space<vmem>>) target_semaphore(%arg16 : memref<!tpu.dma_semaphore, #tpu.memory_space<semaphore_mem>>)
        %add3A_144 = arith.constant 160000 : i32
        %add3A_145 = arith.addi %add3A_144, %mul3A_141 : i32
        %dma_start3A_146 = tpu.memref_slice %arg2[%add3A_145] : memref<320000xi32, #tpu.memory_space<hbm>> -> memref<128xi32, #tpu.memory_space<hbm>>
        %dma_start3A_147 = tpu.memref_slice %arg2[%add3A_145] : memref<320000xi32, #tpu.memory_space<hbm>> -> memref<128xi32, #tpu.memory_space<hbm>>
        tpu.enqueue_dma source(%dma_start3A_147 : memref<128xi32, #tpu.memory_space<hbm>>) target(%arg8 : memref<128xi32, #tpu.memory_space<vmem>>) target_semaphore(%arg16 : memref<!tpu.dma_semaphore, #tpu.memory_space<semaphore_mem>>)
        %mul3A_148 = arith.constant 16 : i32
        %mul3A_149 = arith.muli %add3A_139, %mul3A_148 : i32
        %dma_start3A_150 = arith.constant 0 : i32
        %dma_start3A_151 = tpu.memref_slice %arg3[%mul3A_149, %dma_start3A_150] : memref<20000x128xf32, #tpu.memory_space<hbm>> -> memref<16x128xf32, #tpu.memory_space<hbm>>
        %dma_start3A_152 = arith.constant 0 : i32
        %dma_start3A_153 = tpu.memref_slice %arg3[%mul3A_149, %dma_start3A_152] : memref<20000x128xf32, #tpu.memory_space<hbm>> -> memref<16x128xf32, #tpu.memory_space<hbm>>
        tpu.enqueue_dma source(%dma_start3A_153 : memref<16x128xf32, #tpu.memory_space<hbm>>) target(%arg10 : memref<16x128xf32, #tpu.memory_space<vmem>>) target_semaphore(%arg16 : memref<!tpu.dma_semaphore, #tpu.memory_space<semaphore_mem>>)
      } else {
      }
      %mul3A_100 = arith.constant 625 : i32
      %mul3A_101 = arith.muli %arg0, %mul3A_100 : i32
      %add3A_102 = arith.addi %mul3A_101, %add3A_95 : i32
      %mul3A_103 = arith.constant 128 : i32
      %mul3A_104 = arith.muli %add3A_102, %mul3A_103 : i32
      %dma_wait3A = tpu.memref_slice %arg2[%mul3A_104] : memref<320000xi32, #tpu.memory_space<hbm>> -> memref<128xi32, #tpu.memory_space<hbm>>
      %dma_wait3A_105 = tpu.memref_slice %arg2[%mul3A_104] : memref<320000xi32, #tpu.memory_space<hbm>> -> memref<128xi32, #tpu.memory_space<hbm>>
      tpu.wait_dma2 semaphore(%arg15 : memref<!tpu.dma_semaphore, #tpu.memory_space<semaphore_mem>>) src(%dma_wait3A_105 : memref<128xi32, #tpu.memory_space<hbm>>) dst(%arg5 : memref<128xi32, #tpu.memory_space<vmem>>)
      %add3A_106 = arith.constant 160000 : i32
      %add3A_107 = arith.addi %add3A_106, %mul3A_104 : i32
      %dma_wait3A_108 = tpu.memref_slice %arg2[%add3A_107] : memref<320000xi32, #tpu.memory_space<hbm>> -> memref<128xi32, #tpu.memory_space<hbm>>
      %dma_wait3A_109 = tpu.memref_slice %arg2[%add3A_107] : memref<320000xi32, #tpu.memory_space<hbm>> -> memref<128xi32, #tpu.memory_space<hbm>>
      tpu.wait_dma2 semaphore(%arg15 : memref<!tpu.dma_semaphore, #tpu.memory_space<semaphore_mem>>) src(%dma_wait3A_109 : memref<128xi32, #tpu.memory_space<hbm>>) dst(%arg7 : memref<128xi32, #tpu.memory_space<vmem>>)
      %mul3A_110 = arith.constant 16 : i32
      %mul3A_111 = arith.muli %add3A_102, %mul3A_110 : i32
      %dma_wait3A_112 = arith.constant 0 : i32
      %dma_wait3A_113 = tpu.memref_slice %arg3[%mul3A_111, %dma_wait3A_112] : memref<20000x128xf32, #tpu.memory_space<hbm>> -> memref<16x128xf32, #tpu.memory_space<hbm>>
      %dma_wait3A_114 = arith.constant 0 : i32
      %dma_wait3A_115 = tpu.memref_slice %arg3[%mul3A_111, %dma_wait3A_114] : memref<20000x128xf32, #tpu.memory_space<hbm>> -> memref<16x128xf32, #tpu.memory_space<hbm>>
      tpu.wait_dma2 semaphore(%arg15 : memref<!tpu.dma_semaphore, #tpu.memory_space<semaphore_mem>>) src(%dma_wait3A_115 : memref<16x128xf32, #tpu.memory_space<hbm>>) dst(%arg9 : memref<16x128xf32, #tpu.memory_space<vmem>>)
      %scan3A_116 = arith.constant 0 : i32
      %scan3A_117 = arith.constant 128 : i32
      %scan3A_118 = arith.addi %scan3A_116, %scan3A_117 : i32
      %scan3A_119 = arith.constant 1 : i32
      scf.for %scan3A_135 = %scan3A_116 to %scan3A_118 step %scan3A_119  : i32 {
        %mul3A_136 = arith.constant 1 : i32
        %mul3A_137 = arith.muli %scan3A_135, %mul3A_136 : i32
        %add3A_138 = arith.constant 0 : i32
        %add3A_139 = arith.addi %add3A_138, %mul3A_137 : i32
        %jit3A = arith.constant 8 : i32
        %div3A_140 = arith.divsi %add3A_139, %jit3A : i32
        %sign3A = arith.constant 0 : i32
        %sign3A_141 = arith.cmpi sgt, %add3A_139, %sign3A : i32
        %sign3A_142 = arith.extui %sign3A_141 : i1 to i32
        %sign3A_143 = arith.constant 0 : i32
        %sign3A_144 = arith.cmpi slt, %add3A_139, %sign3A_143 : i32
        %sign3A_145 = arith.extui %sign3A_144 : i1 to i32
        %sign3A_146 = arith.subi %sign3A_142, %sign3A_145 : i32
        %sign3A_147 = arith.constant 0 : i32
        %sign3A_148 = arith.cmpi sgt, %jit3A, %sign3A_147 : i32
        %sign3A_149 = arith.extui %sign3A_148 : i1 to i32
        %sign3A_150 = arith.constant 0 : i32
        %sign3A_151 = arith.cmpi slt, %jit3A, %sign3A_150 : i32
        %sign3A_152 = arith.extui %sign3A_151 : i1 to i32
        %sign3A_153 = arith.subi %sign3A_149, %sign3A_152 : i32
        %ne3A = arith.cmpi ne, %sign3A_146, %sign3A_153 : i32
        %rem3A = arith.remsi %add3A_139, %jit3A : i32
        %ne3A_154 = arith.constant 0 : i32
        %ne3A_155 = arith.cmpi ne, %rem3A, %ne3A_154 : i32
        %and3A = arith.andi %ne3A, %ne3A_155 : i1
        %sub3A_156 = arith.constant 1 : i32
        %sub3A_157 = arith.subi %div3A_140, %sub3A_156 : i32
        %select_n3A = arith.select %and3A, %sub3A_157, %div3A_140 : i32
        %jit3A_158 = arith.constant 8 : i32
        %eq3A = arith.constant 0 : i32
        %eq3A_159 = arith.cmpi eq, %jit3A_158, %eq3A : i32
        %jit3A_160 = arith.constant 1 : i32
        %select_n3A_161 = arith.select %eq3A_159, %jit3A_160, %jit3A_158 : i32
        %rem3A_162 = arith.remsi %add3A_139, %select_n3A_161 : i32
        %ne3A_163 = arith.constant 0 : i32
        %ne3A_164 = arith.cmpi ne, %rem3A_162, %ne3A_163 : i32
        %lt3A_165 = arith.constant 0 : i32
        %lt3A_166 = arith.cmpi slt, %rem3A_162, %lt3A_165 : i32
        %lt3A_167 = arith.constant 0 : i32
        %lt3A_168 = arith.cmpi slt, %select_n3A_161, %lt3A_167 : i32
        %ne3A_169 = arith.xori %lt3A_166, %lt3A_168 : i1
        %and3A_170 = arith.andi %ne3A_169, %ne3A_164 : i1
        %add3A_171 = arith.addi %rem3A_162, %select_n3A_161 : i32
        %select_n3A_172 = arith.select %and3A_170, %add3A_171, %rem3A_162 : i32
        %mul3A_173 = arith.constant 16 : i32
        %mul3A_174 = arith.muli %select_n3A_172, %mul3A_173 : i32
        %get3A = arith.index_cast %select_n3A : i32 to index
        %get3A_175 = arith.index_cast %mul3A_174 : i32 to index
        %get3A_176 = tpu.vector_load %arg9[%get3A, %get3A_175] {strides = array<i32>} : memref<16x128xf32, #tpu.memory_space<vmem>>, vector<1x16xf32>,
        %get3A_177 = vector.shape_cast %get3A_176 : vector<1x16xf32> to vector<16xf32>
        %swap3A = arith.index_cast %add3A_139 : i32 to index
        %swap3A_178 = arith.constant 0 : index
        %swap3A_179 = tpu.vector_load %arg11[%swap3A, %swap3A_178] {strides = array<i32>} : memref<128x128xf32, #tpu.memory_space<vmem>>, vector<1x16xf32>,
        %swap3A_180 = vector.shape_cast %swap3A_179 : vector<1x16xf32> to vector<16xf32>
        %swap3A_181 = vector.shape_cast %get3A_177 : vector<16xf32> to vector<1x16xf32>
        tpu.vector_store %arg11[%swap3A, %swap3A_178], %swap3A_181 {strides = array<i32>} : memref<128x128xf32, #tpu.memory_space<vmem>>, vector<1x16xf32>,
      }
      %scan3A_120 = arith.constant 128 : i32
      "tpu.region"() ({
        %run_scoped3A = tpu.sem_alloc : memref<!tpu.dma_semaphore, #tpu.memory_space<semaphore_mem>>
        %dma_start3A_135 = arith.constant 0 : i32
        %dma_start3A_136 = arith.constant 0 : i32
        %dma_start3A_137 = tpu.memref_slice %arg14[%dma_start3A_135, %dma_start3A_136] : memref<10000x128xf32, #tpu.memory_space<vmem_shared>> -> memref<10000x128xf32, #tpu.memory_space<vmem_shared>>
        tpu.enqueue_indirect_dma source(%arg11 : memref<128x128xf32, #tpu.memory_space<vmem>>) target(%dma_start3A_137 : memref<10000x128xf32, #tpu.memory_space<vmem_shared>>) offsets(%arg7 : memref<128xi32, #tpu.memory_space<vmem>>) semaphore(%run_scoped3A : memref<!tpu.dma_semaphore, #tpu.memory_space<semaphore_mem>>) {add = true}
        %dma_wait3A_138 = arith.constant 0 : i32
        %dma_wait3A_139 = arith.constant 0 : i32
        %dma_wait3A_140 = tpu.memref_slice %arg14[%dma_wait3A_138, %dma_wait3A_139] : memref<10000x128xf32, #tpu.memory_space<vmem_shared>> -> memref<10000x128xf32, #tpu.memory_space<vmem_shared>>
        tpu.wait_indirect_dma semaphore(%run_scoped3A : memref<!tpu.dma_semaphore, #tpu.memory_space<semaphore_mem>>) src(%arg11 : memref<128x128xf32, #tpu.memory_space<vmem>>) dst(%dma_wait3A_140 : memref<10000x128xf32, #tpu.memory_space<vmem_shared>>)
        tpu.yield
      }) : () -> ()
      "tpu.region"() ({
        %run_scoped3A = tpu.sem_alloc : memref<!tpu.dma_semaphore, #tpu.memory_space<semaphore_mem>>
        %dma_start3A_135 = arith.constant 0 : i32
        %dma_start3A_136 = arith.constant 0 : i32
        %dma_start3A_137 = tpu.memref_slice %arg14[%dma_start3A_135, %dma_start3A_136] : memref<10000x128xf32, #tpu.memory_space<vmem_shared>> -> memref<10000x128xf32, #tpu.memory_space<vmem_shared>>
        tpu.enqueue_indirect_dma source(%arg12 : memref<128x128xf32, #tpu.memory_space<vmem>>) target(%dma_start3A_137 : memref<10000x128xf32, #tpu.memory_space<vmem_shared>>) offsets(%arg5 : memref<128xi32, #tpu.memory_space<vmem>>) semaphore(%run_scoped3A : memref<!tpu.dma_semaphore, #tpu.memory_space<semaphore_mem>>) {add = true}
        %dma_wait3A_138 = arith.constant 0 : i32
        %dma_wait3A_139 = arith.constant 0 : i32
        %dma_wait3A_140 = tpu.memref_slice %arg14[%dma_wait3A_138, %dma_wait3A_139] : memref<10000x128xf32, #tpu.memory_space<vmem_shared>> -> memref<10000x128xf32, #tpu.memory_space<vmem_shared>>
        tpu.wait_indirect_dma semaphore(%run_scoped3A : memref<!tpu.dma_semaphore, #tpu.memory_space<semaphore_mem>>) src(%arg12 : memref<128x128xf32, #tpu.memory_space<vmem>>) dst(%dma_wait3A_140 : memref<10000x128xf32, #tpu.memory_space<vmem_shared>>)
        tpu.yield
      }) : () -> ()
      %add3A_121 = arith.constant 32 : i32
      %add3A_122 = arith.addi %add3A_95, %add3A_121 : i32
      %lt3A_123 = arith.constant 625 : i32
      %lt3A_124 = arith.cmpi slt, %add3A_122, %lt3A_123 : i32
      %convert_element_type3A_125 = arith.extui %lt3A_124 : i1 to i32
      %cond3A_126 = arith.constant 0 : i32
      %cond3A_127 = arith.cmpi ne, %convert_element_type3A_125, %cond3A_126 : i32
      scf.if %cond3A_127 {
        %add3A_135 = arith.constant 32 : i32
        %add3A_136 = arith.addi %add3A_95, %add3A_135 : i32
        %mul3A_137 = arith.constant 625 : i32
        %mul3A_138 = arith.muli %arg0, %mul3A_137 : i32
        %add3A_139 = arith.addi %mul3A_138, %add3A_136 : i32
        %mul3A_140 = arith.constant 128 : i32
        %mul3A_141 = arith.muli %add3A_139, %mul3A_140 : i32
        %dma_start3A_142 = tpu.memref_slice %arg2[%mul3A_141] : memref<320000xi32, #tpu.memory_space<hbm>> -> memref<128xi32, #tpu.memory_space<hbm>>
        %dma_start3A_143 = tpu.memref_slice %arg2[%mul3A_141] : memref<320000xi32, #tpu.memory_space<hbm>> -> memref<128xi32, #tpu.memory_space<hbm>>
        tpu.enqueue_dma source(%dma_start3A_143 : memref<128xi32, #tpu.memory_space<hbm>>) target(%arg5 : memref<128xi32, #tpu.memory_space<vmem>>) target_semaphore(%arg15 : memref<!tpu.dma_semaphore, #tpu.memory_space<semaphore_mem>>)
        %add3A_144 = arith.constant 160000 : i32
        %add3A_145 = arith.addi %add3A_144, %mul3A_141 : i32
        %dma_start3A_146 = tpu.memref_slice %arg2[%add3A_145] : memref<320000xi32, #tpu.memory_space<hbm>> -> memref<128xi32, #tpu.memory_space<hbm>>
        %dma_start3A_147 = tpu.memref_slice %arg2[%add3A_145] : memref<320000xi32, #tpu.memory_space<hbm>> -> memref<128xi32, #tpu.memory_space<hbm>>
        tpu.enqueue_dma source(%dma_start3A_147 : memref<128xi32, #tpu.memory_space<hbm>>) target(%arg7 : memref<128xi32, #tpu.memory_space<vmem>>) target_semaphore(%arg15 : memref<!tpu.dma_semaphore, #tpu.memory_space<semaphore_mem>>)
        %mul3A_148 = arith.constant 16 : i32
        %mul3A_149 = arith.muli %add3A_139, %mul3A_148 : i32
        %dma_start3A_150 = arith.constant 0 : i32
        %dma_start3A_151 = tpu.memref_slice %arg3[%mul3A_149, %dma_start3A_150] : memref<20000x128xf32, #tpu.memory_space<hbm>> -> memref<16x128xf32, #tpu.memory_space<hbm>>
        %dma_start3A_152 = arith.constant 0 : i32
        %dma_start3A_153 = tpu.memref_slice %arg3[%mul3A_149, %dma_start3A_152] : memref<20000x128xf32, #tpu.memory_space<hbm>> -> memref<16x128xf32, #tpu.memory_space<hbm>>
        tpu.enqueue_dma source(%dma_start3A_153 : memref<16x128xf32, #tpu.memory_space<hbm>>) target(%arg9 : memref<16x128xf32, #tpu.memory_space<vmem>>) target_semaphore(%arg15 : memref<!tpu.dma_semaphore, #tpu.memory_space<semaphore_mem>>)
      } else {
      }
      %add3A_128 = arith.constant 16 : i32
      %add3A_129 = arith.addi %add3A_95, %add3A_128 : i32
      %lt3A_130 = arith.constant 625 : i32
      %lt3A_131 = arith.cmpi slt, %add3A_129, %lt3A_130 : i32
      %convert_element_type3A_132 = arith.extui %lt3A_131 : i1 to i32
      %cond3A_133 = arith.constant 0 : i32
      %cond3A_134 = arith.cmpi ne, %convert_element_type3A_132, %cond3A_133 : i32
      scf.if %cond3A_134 {
        %add3A_135 = arith.constant 16 : i32
        %add3A_136 = arith.addi %add3A_95, %add3A_135 : i32
        %mul3A_137 = arith.constant 625 : i32
        %mul3A_138 = arith.muli %arg0, %mul3A_137 : i32
        %add3A_139 = arith.addi %mul3A_138, %add3A_136 : i32
        %mul3A_140 = arith.constant 128 : i32
        %mul3A_141 = arith.muli %add3A_139, %mul3A_140 : i32
        %dma_wait3A_142 = tpu.memref_slice %arg2[%mul3A_141] : memref<320000xi32, #tpu.memory_space<hbm>> -> memref<128xi32, #tpu.memory_space<hbm>>
        %dma_wait3A_143 = tpu.memref_slice %arg2[%mul3A_141] : memref<320000xi32, #tpu.memory_space<hbm>> -> memref<128xi32, #tpu.memory_space<hbm>>
        tpu.wait_dma2 semaphore(%arg16 : memref<!tpu.dma_semaphore, #tpu.memory_space<semaphore_mem>>) src(%dma_wait3A_143 : memref<128xi32, #tpu.memory_space<hbm>>) dst(%arg6 : memref<128xi32, #tpu.memory_space<vmem>>)
        %add3A_144 = arith.constant 160000 : i32
        %add3A_145 = arith.addi %add3A_144, %mul3A_141 : i32
        %dma_wait3A_146 = tpu.memref_slice %arg2[%add3A_145] : memref<320000xi32, #tpu.memory_space<hbm>> -> memref<128xi32, #tpu.memory_space<hbm>>
        %dma_wait3A_147 = tpu.memref_slice %arg2[%add3A_145] : memref<320000xi32, #tpu.memory_space<hbm>> -> memref<128xi32, #tpu.memory_space<hbm>>
        tpu.wait_dma2 semaphore(%arg16 : memref<!tpu.dma_semaphore, #tpu.memory_space<semaphore_mem>>) src(%dma_wait3A_147 : memref<128xi32, #tpu.memory_space<hbm>>) dst(%arg8 : memref<128xi32, #tpu.memory_space<vmem>>)
        %mul3A_148 = arith.constant 16 : i32
        %mul3A_149 = arith.muli %add3A_139, %mul3A_148 : i32
        %dma_wait3A_150 = arith.constant 0 : i32
        %dma_wait3A_151 = tpu.memref_slice %arg3[%mul3A_149, %dma_wait3A_150] : memref<20000x128xf32, #tpu.memory_space<hbm>> -> memref<16x128xf32, #tpu.memory_space<hbm>>
        %dma_wait3A_152 = arith.constant 0 : i32
        %dma_wait3A_153 = tpu.memref_slice %arg3[%mul3A_149, %dma_wait3A_152] : memref<20000x128xf32, #tpu.memory_space<hbm>> -> memref<16x128xf32, #tpu.memory_space<hbm>>
        tpu.wait_dma2 semaphore(%arg16 : memref<!tpu.dma_semaphore, #tpu.memory_space<semaphore_mem>>) src(%dma_wait3A_153 : memref<16x128xf32, #tpu.memory_space<hbm>>) dst(%arg10 : memref<16x128xf32, #tpu.memory_space<vmem>>)
        %scan3A_154 = arith.constant 0 : i32
        %scan3A_155 = arith.constant 128 : i32
        %scan3A_156 = arith.addi %scan3A_154, %scan3A_155 : i32
        %scan3A_157 = arith.constant 1 : i32
        scf.for %scan3A_159 = %scan3A_154 to %scan3A_156 step %scan3A_157  : i32 {
          %mul3A_160 = arith.constant 1 : i32
          %mul3A_161 = arith.muli %scan3A_159, %mul3A_160 : i32
          %add3A_162 = arith.constant 0 : i32
          %add3A_163 = arith.addi %add3A_162, %mul3A_161 : i32
          %jit3A = arith.constant 8 : i32
          %div3A_164 = arith.divsi %add3A_163, %jit3A : i32
          %sign3A = arith.constant 0 : i32
          %sign3A_165 = arith.cmpi sgt, %add3A_163, %sign3A : i32
          %sign3A_166 = arith.extui %sign3A_165 : i1 to i32
          %sign3A_167 = arith.constant 0 : i32
          %sign3A_168 = arith.cmpi slt, %add3A_163, %sign3A_167 : i32
          %sign3A_169 = arith.extui %sign3A_168 : i1 to i32
          %sign3A_170 = arith.subi %sign3A_166, %sign3A_169 : i32
          %sign3A_171 = arith.constant 0 : i32
          %sign3A_172 = arith.cmpi sgt, %jit3A, %sign3A_171 : i32
          %sign3A_173 = arith.extui %sign3A_172 : i1 to i32
          %sign3A_174 = arith.constant 0 : i32
          %sign3A_175 = arith.cmpi slt, %jit3A, %sign3A_174 : i32
          %sign3A_176 = arith.extui %sign3A_175 : i1 to i32
          %sign3A_177 = arith.subi %sign3A_173, %sign3A_176 : i32
          %ne3A = arith.cmpi ne, %sign3A_170, %sign3A_177 : i32
          %rem3A = arith.remsi %add3A_163, %jit3A : i32
          %ne3A_178 = arith.constant 0 : i32
          %ne3A_179 = arith.cmpi ne, %rem3A, %ne3A_178 : i32
          %and3A = arith.andi %ne3A, %ne3A_179 : i1
          %sub3A_180 = arith.constant 1 : i32
          %sub3A_181 = arith.subi %div3A_164, %sub3A_180 : i32
          %select_n3A = arith.select %and3A, %sub3A_181, %div3A_164 : i32
          %jit3A_182 = arith.constant 8 : i32
          %eq3A = arith.constant 0 : i32
          %eq3A_183 = arith.cmpi eq, %jit3A_182, %eq3A : i32
          %jit3A_184 = arith.constant 1 : i32
          %select_n3A_185 = arith.select %eq3A_183, %jit3A_184, %jit3A_182 : i32
          %rem3A_186 = arith.remsi %add3A_163, %select_n3A_185 : i32
          %ne3A_187 = arith.constant 0 : i32
          %ne3A_188 = arith.cmpi ne, %rem3A_186, %ne3A_187 : i32
          %lt3A_189 = arith.constant 0 : i32
          %lt3A_190 = arith.cmpi slt, %rem3A_186, %lt3A_189 : i32
          %lt3A_191 = arith.constant 0 : i32
          %lt3A_192 = arith.cmpi slt, %select_n3A_185, %lt3A_191 : i32
          %ne3A_193 = arith.xori %lt3A_190, %lt3A_192 : i1
          %and3A_194 = arith.andi %ne3A_193, %ne3A_188 : i1
          %add3A_195 = arith.addi %rem3A_186, %select_n3A_185 : i32
          %select_n3A_196 = arith.select %and3A_194, %add3A_195, %rem3A_186 : i32
          %mul3A_197 = arith.constant 16 : i32
          %mul3A_198 = arith.muli %select_n3A_196, %mul3A_197 : i32
          %get3A = arith.index_cast %select_n3A : i32 to index
          %get3A_199 = arith.index_cast %mul3A_198 : i32 to index
          %get3A_200 = tpu.vector_load %arg10[%get3A, %get3A_199] {strides = array<i32>} : memref<16x128xf32, #tpu.memory_space<vmem>>, vector<1x16xf32>,
          %get3A_201 = vector.shape_cast %get3A_200 : vector<1x16xf32> to vector<16xf32>
          %swap3A = arith.index_cast %add3A_163 : i32 to index
          %swap3A_202 = arith.constant 0 : index
          %swap3A_203 = tpu.vector_load %arg11[%swap3A, %swap3A_202] {strides = array<i32>} : memref<128x128xf32, #tpu.memory_space<vmem>>, vector<1x16xf32>,
          %swap3A_204 = vector.shape_cast %swap3A_203 : vector<1x16xf32> to vector<16xf32>
          %swap3A_205 = vector.shape_cast %get3A_201 : vector<16xf32> to vector<1x16xf32>
          tpu.vector_store %arg11[%swap3A, %swap3A_202], %swap3A_205 {strides = array<i32>} : memref<128x128xf32, #tpu.memory_space<vmem>>, vector<1x16xf32>,
        }
        %scan3A_158 = arith.constant 128 : i32
        "tpu.region"() ({
          %run_scoped3A = tpu.sem_alloc : memref<!tpu.dma_semaphore, #tpu.memory_space<semaphore_mem>>
          %dma_start3A_159 = arith.constant 0 : i32
          %dma_start3A_160 = arith.constant 0 : i32
          %dma_start3A_161 = tpu.memref_slice %arg14[%dma_start3A_159, %dma_start3A_160] : memref<10000x128xf32, #tpu.memory_space<vmem_shared>> -> memref<10000x128xf32, #tpu.memory_space<vmem_shared>>
          tpu.enqueue_indirect_dma source(%arg11 : memref<128x128xf32, #tpu.memory_space<vmem>>) target(%dma_start3A_161 : memref<10000x128xf32, #tpu.memory_space<vmem_shared>>) offsets(%arg8 : memref<128xi32, #tpu.memory_space<vmem>>) semaphore(%run_scoped3A : memref<!tpu.dma_semaphore, #tpu.memory_space<semaphore_mem>>) {add = true}
          %dma_wait3A_162 = arith.constant 0 : i32
          %dma_wait3A_163 = arith.constant 0 : i32
          %dma_wait3A_164 = tpu.memref_slice %arg14[%dma_wait3A_162, %dma_wait3A_163] : memref<10000x128xf32, #tpu.memory_space<vmem_shared>> -> memref<10000x128xf32, #tpu.memory_space<vmem_shared>>
          tpu.wait_indirect_dma semaphore(%run_scoped3A : memref<!tpu.dma_semaphore, #tpu.memory_space<semaphore_mem>>) src(%arg11 : memref<128x128xf32, #tpu.memory_space<vmem>>) dst(%dma_wait3A_164 : memref<10000x128xf32, #tpu.memory_space<vmem_shared>>)
          tpu.yield
        }) : () -> ()
        "tpu.region"() ({
          %run_scoped3A = tpu.sem_alloc : memref<!tpu.dma_semaphore, #tpu.memory_space<semaphore_mem>>
          %dma_start3A_159 = arith.constant 0 : i32
          %dma_start3A_160 = arith.constant 0 : i32
          %dma_start3A_161 = tpu.memref_slice %arg14[%dma_start3A_159, %dma_start3A_160] : memref<10000x128xf32, #tpu.memory_space<vmem_shared>> -> memref<10000x128xf32, #tpu.memory_space<vmem_shared>>
          tpu.enqueue_indirect_dma source(%arg12 : memref<128x128xf32, #tpu.memory_space<vmem>>) target(%dma_start3A_161 : memref<10000x128xf32, #tpu.memory_space<vmem_shared>>) offsets(%arg6 : memref<128xi32, #tpu.memory_space<vmem>>) semaphore(%run_scoped3A : memref<!tpu.dma_semaphore, #tpu.memory_space<semaphore_mem>>) {add = true}
          %dma_wait3A_162 = arith.constant 0 : i32
          %dma_wait3A_163 = arith.constant 0 : i32
          %dma_wait3A_164 = tpu.memref_slice %arg14[%dma_wait3A_162, %dma_wait3A_163] : memref<10000x128xf32, #tpu.memory_space<vmem_shared>> -> memref<10000x128xf32, #tpu.memory_space<vmem_shared>>
          tpu.wait_indirect_dma semaphore(%run_scoped3A : memref<!tpu.dma_semaphore, #tpu.memory_space<semaphore_mem>>) src(%arg12 : memref<128x128xf32, #tpu.memory_space<vmem>>) dst(%dma_wait3A_164 : memref<10000x128xf32, #tpu.memory_space<vmem_shared>>)
          tpu.yield
        }) : () -> ()
      } else {
      }
    }
    %barrier3A_72 = arith.constant 0 : index
    tpu.barrier barrier_id(%barrier3A_72)
    %mul3A_73 = arith.constant 10000 : i32
    %mul3A_74 = arith.muli %arg0, %mul3A_73 : i32
    %sub3A_75 = arith.constant 125 : i32
    %sub3A_76 = arith.subi %sub3A_75, %arg1 : i32
    %sub3A_77 = arith.constant 16 : i32
    %sub3A_78 = arith.constant 1 : i32
    %sub3A_79 = arith.subi %sub3A_77, %sub3A_78 : i32
    %add3A_80 = arith.addi %sub3A_76, %sub3A_79 : i32
    %div3A_81 = arith.constant 16 : i32
    %div3A_82 = arith.divsi %add3A_80, %div3A_81 : i32
    %while3A_83 = arith.constant 16 : i32
    %while3A_84 = arith.constant 0 : i32
    %while3A_85 = arith.subi %div3A_82, %while3A_84 : i32
    %while3A_86 = arith.addi %while3A_84, %while3A_85 : i32
    %while3A_87 = arith.constant 1 : i32
    %while3A_88 = arith.divsi %while3A_85, %while3A_87 : i32
    %while3A_89 = arith.muli %while3A_88, %while3A_87 : i32
    %while3A_90 = arith.addi %while3A_84, %while3A_89 : i32
    %while3A_91 = arith.constant 1 : i32
    scf.for %while3A_93 = %while3A_84 to %while3A_90 step %while3A_91  : i32 {
      %mul3A_94 = arith.muli %while3A_93, %while3A_83 : i32
      %add3A_95 = arith.addi %arg1, %mul3A_94 : i32
      %mul3A_96 = arith.constant 80 : i32
      %mul3A_97 = arith.muli %add3A_95, %mul3A_96 : i32
      %mul3A_98 = arith.constant 80 : i32
      %mul3A_99 = arith.muli %add3A_95, %mul3A_98 : i32
      %add3A_100 = arith.addi %mul3A_74, %mul3A_99 : i32
      "tpu.region"() ({
        %run_scoped3A = tpu.sem_alloc : memref<!tpu.dma_semaphore, #tpu.memory_space<semaphore_mem>>
        %dma_start3A_101 = arith.constant 0 : i32
        %dma_start3A_102 = tpu.memref_slice %arg4[%add3A_100, %dma_start3A_101] : memref<20000x128xf32, #tpu.memory_space<hbm>> -> memref<80x128xf32, #tpu.memory_space<hbm>>
        %dma_start3A_103 = arith.constant 0 : i32
        %dma_start3A_104 = tpu.memref_slice %arg14[%mul3A_97, %dma_start3A_103] : memref<10000x128xf32, #tpu.memory_space<vmem_shared>> -> memref<80x128xf32, #tpu.memory_space<vmem_shared>>
        tpu.enqueue_dma source(%dma_start3A_104 : memref<80x128xf32, #tpu.memory_space<vmem_shared>>) target(%dma_start3A_102 : memref<80x128xf32, #tpu.memory_space<hbm>>) target_semaphore(%run_scoped3A : memref<!tpu.dma_semaphore, #tpu.memory_space<semaphore_mem>>)
        %dma_wait3A = arith.constant 0 : i32
        %dma_wait3A_105 = tpu.memref_slice %arg4[%add3A_100, %dma_wait3A] : memref<20000x128xf32, #tpu.memory_space<hbm>> -> memref<80x128xf32, #tpu.memory_space<hbm>>
        %dma_wait3A_106 = arith.constant 0 : i32
        %dma_wait3A_107 = tpu.memref_slice %arg14[%mul3A_97, %dma_wait3A_106] : memref<10000x128xf32, #tpu.memory_space<vmem_shared>> -> memref<80x128xf32, #tpu.memory_space<vmem_shared>>
        tpu.wait_dma2 semaphore(%run_scoped3A : memref<!tpu.dma_semaphore, #tpu.memory_space<semaphore_mem>>) src(%dma_wait3A_107 : memref<80x128xf32, #tpu.memory_space<vmem_shared>>) dst(%dma_wait3A_105 : memref<80x128xf32, #tpu.memory_space<hbm>>)
        tpu.yield
      }) : () -> ()
    }
    %while3A_92 = arith.constant 1 : i32
    scf.for %while3A_93 = %while3A_90 to %while3A_86 step %while3A_92  : i32 {
      %mul3A_94 = arith.muli %while3A_93, %while3A_83 : i32
      %add3A_95 = arith.addi %arg1, %mul3A_94 : i32
      %mul3A_96 = arith.constant 80 : i32
      %mul3A_97 = arith.muli %add3A_95, %mul3A_96 : i32
      %mul3A_98 = arith.constant 80 : i32
      %mul3A_99 = arith.muli %add3A_95, %mul3A_98 : i32
      %add3A_100 = arith.addi %mul3A_74, %mul3A_99 : i32
      "tpu.region"() ({
        %run_scoped3A = tpu.sem_alloc : memref<!tpu.dma_semaphore, #tpu.memory_space<semaphore_mem>>
        %dma_start3A_101 = arith.constant 0 : i32
        %dma_start3A_102 = tpu.memref_slice %arg4[%add3A_100, %dma_start3A_101] : memref<20000x128xf32, #tpu.memory_space<hbm>> -> memref<80x128xf32, #tpu.memory_space<hbm>>
        %dma_start3A_103 = arith.constant 0 : i32
        %dma_start3A_104 = tpu.memref_slice %arg14[%mul3A_97, %dma_start3A_103] : memref<10000x128xf32, #tpu.memory_space<vmem_shared>> -> memref<80x128xf32, #tpu.memory_space<vmem_shared>>
        tpu.enqueue_dma source(%dma_start3A_104 : memref<80x128xf32, #tpu.memory_space<vmem_shared>>) target(%dma_start3A_102 : memref<80x128xf32, #tpu.memory_space<hbm>>) target_semaphore(%run_scoped3A : memref<!tpu.dma_semaphore, #tpu.memory_space<semaphore_mem>>)
        %dma_wait3A = arith.constant 0 : i32
        %dma_wait3A_105 = tpu.memref_slice %arg4[%add3A_100, %dma_wait3A] : memref<20000x128xf32, #tpu.memory_space<hbm>> -> memref<80x128xf32, #tpu.memory_space<hbm>>
        %dma_wait3A_106 = arith.constant 0 : i32
        %dma_wait3A_107 = tpu.memref_slice %arg14[%mul3A_97, %dma_wait3A_106] : memref<10000x128xf32, #tpu.memory_space<vmem_shared>> -> memref<80x128xf32, #tpu.memory_space<vmem_shared>>
        tpu.wait_dma2 semaphore(%run_scoped3A : memref<!tpu.dma_semaphore, #tpu.memory_space<semaphore_mem>>) src(%dma_wait3A_107 : memref<80x128xf32, #tpu.memory_space<vmem_shared>>) dst(%dma_wait3A_105 : memref<80x128xf32, #tpu.memory_space<hbm>>)
        tpu.yield
      }) : () -> ()
    }
    return
  }
}

#map = affine_map<(d0, d1) -> (0, 0)>
#map1 = affine_map<(d0, d1) -> (0)>
module attributes {stable_mosaic.version = 14 : i64} {
  func.func @_agg_kernel(%arg0: i32, %arg1: i32, %arg2: memref<20000x128xf32, #tpu.memory_space<hbm>>, %arg3: memref<320000xi32, #tpu.memory_space<hbm>>, %arg4: memref<20000x128xf32, #tpu.memory_space<hbm>>, %arg5: memref<128xi32, #tpu.memory_space<vmem>>, %arg6: memref<128xi32, #tpu.memory_space<vmem>>, %arg7: memref<128xi32, #tpu.memory_space<vmem>>, %arg8: memref<128xi32, #tpu.memory_space<vmem>>, %arg9: memref<128xi32, #tpu.memory_space<vmem>>, %arg10: memref<128xi32, #tpu.memory_space<vmem>>, %arg11: memref<128x128xf32, #tpu.memory_space<vmem>>, %arg12: memref<128x128xf32, #tpu.memory_space<vmem>>, %arg13: memref<128x128xf32, #tpu.memory_space<vmem>>, %arg14: memref<10000x128xf32, #tpu.memory_space<vmem_shared>>, %arg15: memref<!tpu.dma_semaphore, #tpu.memory_space<semaphore_mem>>, %arg16: memref<!tpu.dma_semaphore, #tpu.memory_space<semaphore_mem>>, %arg17: memref<!tpu.dma_semaphore, #tpu.memory_space<semaphore_mem>>) attributes {dimension_semantics = [#tpu.dimension_semantics<core_parallel>, #tpu.dimension_semantics<subcore_parallel>], iteration_bounds = array<i64: 2, 16>, scalar_prefetch = 0 : i64, scratch_operands = 13 : i64, tpu.core_type = #tpu.core_type<sc_vector_subcore>, window_params = [{transform_indices = #map}, {transform_indices = #map1}, {transform_indices = #map}]} {
    %broadcast_in_dim3A = arith.constant 0.000000e+00 : f32
    %broadcast_in_dim3A_0 = vector.broadcast %broadcast_in_dim3A : f32 to vector<16xf32>
    %broadcast_in_dim3A_1 = arith.constant 1.000000e+00 : f32
    %broadcast_in_dim3A_2 = vector.broadcast %broadcast_in_dim3A_1 : f32 to vector<16xf32>
    %scan3A = arith.constant 0 : i32
    %scan3A_3 = arith.constant 80 : i32
    %scan3A_4 = arith.addi %scan3A, %scan3A_3 : i32
    %scan3A_5 = arith.constant 1 : i32
    scf.for %scan3A_141 = %scan3A to %scan3A_4 step %scan3A_5  : i32 {
      %mul3A_142 = arith.constant 1 : i32
      %mul3A_143 = arith.muli %scan3A_141, %mul3A_142 : i32
      %add3A_144 = arith.constant 0 : i32
      %add3A_145 = arith.addi %add3A_144, %mul3A_143 : i32
      %swap3A_146 = arith.index_cast %add3A_145 : i32 to index
      %swap3A_147 = arith.constant 0 : index
      %swap3A_148 = tpu.vector_load %arg11[%swap3A_146, %swap3A_147] {strides = array<i32>} : memref<128x128xf32, #tpu.memory_space<vmem>>, vector<1x16xf32>,
      %swap3A_149 = vector.shape_cast %swap3A_148 : vector<1x16xf32> to vector<16xf32>
      %swap3A_150 = vector.shape_cast %broadcast_in_dim3A_0 : vector<16xf32> to vector<1x16xf32>
      tpu.vector_store %arg11[%swap3A_146, %swap3A_147], %swap3A_150 {strides = array<i32>} : memref<128x128xf32, #tpu.memory_space<vmem>>, vector<1x16xf32>,
      %swap3A_151 = arith.index_cast %add3A_145 : i32 to index
      %swap3A_152 = arith.constant 16 : index
      %swap3A_153 = tpu.vector_load %arg11[%swap3A_151, %swap3A_152] {strides = array<i32>} : memref<128x128xf32, #tpu.memory_space<vmem>>, vector<1x16xf32>,
      %swap3A_154 = vector.shape_cast %swap3A_153 : vector<1x16xf32> to vector<16xf32>
      %swap3A_155 = vector.shape_cast %broadcast_in_dim3A_0 : vector<16xf32> to vector<1x16xf32>
      tpu.vector_store %arg11[%swap3A_151, %swap3A_152], %swap3A_155 {strides = array<i32>} : memref<128x128xf32, #tpu.memory_space<vmem>>, vector<1x16xf32>,
      %swap3A_156 = arith.index_cast %add3A_145 : i32 to index
      %swap3A_157 = arith.constant 32 : index
      %swap3A_158 = tpu.vector_load %arg11[%swap3A_156, %swap3A_157] {strides = array<i32>} : memref<128x128xf32, #tpu.memory_space<vmem>>, vector<1x16xf32>,
      %swap3A_159 = vector.shape_cast %swap3A_158 : vector<1x16xf32> to vector<16xf32>
      %swap3A_160 = vector.shape_cast %broadcast_in_dim3A_0 : vector<16xf32> to vector<1x16xf32>
      tpu.vector_store %arg11[%swap3A_156, %swap3A_157], %swap3A_160 {strides = array<i32>} : memref<128x128xf32, #tpu.memory_space<vmem>>, vector<1x16xf32>,
      %swap3A_161 = arith.index_cast %add3A_145 : i32 to index
      %swap3A_162 = arith.constant 48 : index
      %swap3A_163 = tpu.vector_load %arg11[%swap3A_161, %swap3A_162] {strides = array<i32>} : memref<128x128xf32, #tpu.memory_space<vmem>>, vector<1x16xf32>,
      %swap3A_164 = vector.shape_cast %swap3A_163 : vector<1x16xf32> to vector<16xf32>
      %swap3A_165 = vector.shape_cast %broadcast_in_dim3A_0 : vector<16xf32> to vector<1x16xf32>
      tpu.vector_store %arg11[%swap3A_161, %swap3A_162], %swap3A_165 {strides = array<i32>} : memref<128x128xf32, #tpu.memory_space<vmem>>, vector<1x16xf32>,
      %swap3A_166 = arith.index_cast %add3A_145 : i32 to index
      %swap3A_167 = arith.constant 64 : index
      %swap3A_168 = tpu.vector_load %arg11[%swap3A_166, %swap3A_167] {strides = array<i32>} : memref<128x128xf32, #tpu.memory_space<vmem>>, vector<1x16xf32>,
      %swap3A_169 = vector.shape_cast %swap3A_168 : vector<1x16xf32> to vector<16xf32>
      %swap3A_170 = vector.shape_cast %broadcast_in_dim3A_0 : vector<16xf32> to vector<1x16xf32>
      tpu.vector_store %arg11[%swap3A_166, %swap3A_167], %swap3A_170 {strides = array<i32>} : memref<128x128xf32, #tpu.memory_space<vmem>>, vector<1x16xf32>,
      %swap3A_171 = arith.index_cast %add3A_145 : i32 to index
      %swap3A_172 = arith.constant 80 : index
      %swap3A_173 = tpu.vector_load %arg11[%swap3A_171, %swap3A_172] {strides = array<i32>} : memref<128x128xf32, #tpu.memory_space<vmem>>, vector<1x16xf32>,
      %swap3A_174 = vector.shape_cast %swap3A_173 : vector<1x16xf32> to vector<16xf32>
      %swap3A_175 = vector.shape_cast %broadcast_in_dim3A_0 : vector<16xf32> to vector<1x16xf32>
      tpu.vector_store %arg11[%swap3A_171, %swap3A_172], %swap3A_175 {strides = array<i32>} : memref<128x128xf32, #tpu.memory_space<vmem>>, vector<1x16xf32>,
      %swap3A_176 = arith.index_cast %add3A_145 : i32 to index
      %swap3A_177 = arith.constant 96 : index
      %swap3A_178 = tpu.vector_load %arg11[%swap3A_176, %swap3A_177] {strides = array<i32>} : memref<128x128xf32, #tpu.memory_space<vmem>>, vector<1x16xf32>,
      %swap3A_179 = vector.shape_cast %swap3A_178 : vector<1x16xf32> to vector<16xf32>
      %swap3A_180 = vector.shape_cast %broadcast_in_dim3A_0 : vector<16xf32> to vector<1x16xf32>
      tpu.vector_store %arg11[%swap3A_176, %swap3A_177], %swap3A_180 {strides = array<i32>} : memref<128x128xf32, #tpu.memory_space<vmem>>, vector<1x16xf32>,
      %swap3A_181 = arith.index_cast %add3A_145 : i32 to index
      %swap3A_182 = arith.constant 112 : index
      %swap3A_183 = tpu.vector_load %arg11[%swap3A_181, %swap3A_182] {strides = array<i32>} : memref<128x128xf32, #tpu.memory_space<vmem>>, vector<1x16xf32>,
      %swap3A_184 = vector.shape_cast %swap3A_183 : vector<1x16xf32> to vector<16xf32>
      %swap3A_185 = vector.shape_cast %broadcast_in_dim3A_0 : vector<16xf32> to vector<1x16xf32>
      tpu.vector_store %arg11[%swap3A_181, %swap3A_182], %swap3A_185 {strides = array<i32>} : memref<128x128xf32, #tpu.memory_space<vmem>>, vector<1x16xf32>,
    }
    %scan3A_6 = arith.constant 80 : i32
    %sub3A = arith.constant 125 : i32
    %sub3A_7 = arith.subi %sub3A, %arg1 : i32
    %sub3A_8 = arith.constant 16 : i32
    %sub3A_9 = arith.constant 1 : i32
    %sub3A_10 = arith.subi %sub3A_8, %sub3A_9 : i32
    %add3A = arith.addi %sub3A_7, %sub3A_10 : i32
    %div3A = arith.constant 16 : i32
    %div3A_11 = arith.divsi %add3A, %div3A : i32
    %while3A = arith.constant 16 : i32
    %while3A_12 = arith.constant 0 : i32
    %while3A_13 = arith.subi %div3A_11, %while3A_12 : i32
    %while3A_14 = arith.addi %while3A_12, %while3A_13 : i32
    %while3A_15 = arith.constant 1 : i32
    %while3A_16 = arith.divsi %while3A_13, %while3A_15 : i32
    %while3A_17 = arith.muli %while3A_16, %while3A_15 : i32
    %while3A_18 = arith.addi %while3A_12, %while3A_17 : i32
    %while3A_19 = arith.constant 1 : i32
    scf.for %while3A_141 = %while3A_12 to %while3A_18 step %while3A_19  : i32 {
      %mul3A_142 = arith.muli %while3A_141, %while3A : i32
      %add3A_143 = arith.addi %arg1, %mul3A_142 : i32
      %mul3A_144 = arith.constant 80 : i32
      %mul3A_145 = arith.muli %add3A_143, %mul3A_144 : i32
      "tpu.region"() ({
        %run_scoped3A = tpu.sem_alloc : memref<!tpu.dma_semaphore, #tpu.memory_space<semaphore_mem>>
        %dma_start3A_146 = arith.constant 0 : i32
        %dma_start3A_147 = arith.constant 0 : i32
        %dma_start3A_148 = tpu.memref_slice %arg11[%dma_start3A_146, %dma_start3A_147] : memref<128x128xf32, #tpu.memory_space<vmem>> -> memref<80x128xf32, #tpu.memory_space<vmem>>
        %dma_start3A_149 = arith.constant 0 : i32
        %dma_start3A_150 = tpu.memref_slice %arg14[%mul3A_145, %dma_start3A_149] : memref<10000x128xf32, #tpu.memory_space<vmem_shared>> -> memref<80x128xf32, #tpu.memory_space<vmem_shared>>
        %dma_start3A_151 = arith.constant 0 : i32
        %dma_start3A_152 = tpu.memref_slice %arg14[%mul3A_145, %dma_start3A_151] : memref<10000x128xf32, #tpu.memory_space<vmem_shared>> -> memref<80x128xf32, #tpu.memory_space<vmem_shared>>
        %dma_start3A_153 = arith.constant 0 : i32
        %dma_start3A_154 = arith.constant 0 : i32
        %dma_start3A_155 = tpu.memref_slice %arg11[%dma_start3A_153, %dma_start3A_154] : memref<128x128xf32, #tpu.memory_space<vmem>> -> memref<80x128xf32, #tpu.memory_space<vmem>>
        tpu.enqueue_dma source(%dma_start3A_155 : memref<80x128xf32, #tpu.memory_space<vmem>>) target(%dma_start3A_152 : memref<80x128xf32, #tpu.memory_space<vmem_shared>>) target_semaphore(%run_scoped3A : memref<!tpu.dma_semaphore, #tpu.memory_space<semaphore_mem>>)
        %dma_wait3A = arith.constant 0 : i32
        %dma_wait3A_156 = arith.constant 0 : i32
        %dma_wait3A_157 = tpu.memref_slice %arg11[%dma_wait3A, %dma_wait3A_156] : memref<128x128xf32, #tpu.memory_space<vmem>> -> memref<80x128xf32, #tpu.memory_space<vmem>>
        %dma_wait3A_158 = arith.constant 0 : i32
        %dma_wait3A_159 = tpu.memref_slice %arg14[%mul3A_145, %dma_wait3A_158] : memref<10000x128xf32, #tpu.memory_space<vmem_shared>> -> memref<80x128xf32, #tpu.memory_space<vmem_shared>>
        %dma_wait3A_160 = arith.constant 0 : i32
        %dma_wait3A_161 = tpu.memref_slice %arg14[%mul3A_145, %dma_wait3A_160] : memref<10000x128xf32, #tpu.memory_space<vmem_shared>> -> memref<80x128xf32, #tpu.memory_space<vmem_shared>>
        %dma_wait3A_162 = arith.constant 0 : i32
        %dma_wait3A_163 = arith.constant 0 : i32
        %dma_wait3A_164 = tpu.memref_slice %arg11[%dma_wait3A_162, %dma_wait3A_163] : memref<128x128xf32, #tpu.memory_space<vmem>> -> memref<80x128xf32, #tpu.memory_space<vmem>>
        tpu.wait_dma2 semaphore(%run_scoped3A : memref<!tpu.dma_semaphore, #tpu.memory_space<semaphore_mem>>) src(%dma_wait3A_164 : memref<80x128xf32, #tpu.memory_space<vmem>>) dst(%dma_wait3A_161 : memref<80x128xf32, #tpu.memory_space<vmem_shared>>)
        tpu.yield
      }) : () -> ()
    }
    %while3A_20 = arith.constant 1 : i32
    scf.for %while3A_141 = %while3A_18 to %while3A_14 step %while3A_20  : i32 {
      %mul3A_142 = arith.muli %while3A_141, %while3A : i32
      %add3A_143 = arith.addi %arg1, %mul3A_142 : i32
      %mul3A_144 = arith.constant 80 : i32
      %mul3A_145 = arith.muli %add3A_143, %mul3A_144 : i32
      "tpu.region"() ({
        %run_scoped3A = tpu.sem_alloc : memref<!tpu.dma_semaphore, #tpu.memory_space<semaphore_mem>>
        %dma_start3A_146 = arith.constant 0 : i32
        %dma_start3A_147 = arith.constant 0 : i32
        %dma_start3A_148 = tpu.memref_slice %arg11[%dma_start3A_146, %dma_start3A_147] : memref<128x128xf32, #tpu.memory_space<vmem>> -> memref<80x128xf32, #tpu.memory_space<vmem>>
        %dma_start3A_149 = arith.constant 0 : i32
        %dma_start3A_150 = tpu.memref_slice %arg14[%mul3A_145, %dma_start3A_149] : memref<10000x128xf32, #tpu.memory_space<vmem_shared>> -> memref<80x128xf32, #tpu.memory_space<vmem_shared>>
        %dma_start3A_151 = arith.constant 0 : i32
        %dma_start3A_152 = tpu.memref_slice %arg14[%mul3A_145, %dma_start3A_151] : memref<10000x128xf32, #tpu.memory_space<vmem_shared>> -> memref<80x128xf32, #tpu.memory_space<vmem_shared>>
        %dma_start3A_153 = arith.constant 0 : i32
        %dma_start3A_154 = arith.constant 0 : i32
        %dma_start3A_155 = tpu.memref_slice %arg11[%dma_start3A_153, %dma_start3A_154] : memref<128x128xf32, #tpu.memory_space<vmem>> -> memref<80x128xf32, #tpu.memory_space<vmem>>
        tpu.enqueue_dma source(%dma_start3A_155 : memref<80x128xf32, #tpu.memory_space<vmem>>) target(%dma_start3A_152 : memref<80x128xf32, #tpu.memory_space<vmem_shared>>) target_semaphore(%run_scoped3A : memref<!tpu.dma_semaphore, #tpu.memory_space<semaphore_mem>>)
        %dma_wait3A = arith.constant 0 : i32
        %dma_wait3A_156 = arith.constant 0 : i32
        %dma_wait3A_157 = tpu.memref_slice %arg11[%dma_wait3A, %dma_wait3A_156] : memref<128x128xf32, #tpu.memory_space<vmem>> -> memref<80x128xf32, #tpu.memory_space<vmem>>
        %dma_wait3A_158 = arith.constant 0 : i32
        %dma_wait3A_159 = tpu.memref_slice %arg14[%mul3A_145, %dma_wait3A_158] : memref<10000x128xf32, #tpu.memory_space<vmem_shared>> -> memref<80x128xf32, #tpu.memory_space<vmem_shared>>
        %dma_wait3A_160 = arith.constant 0 : i32
        %dma_wait3A_161 = tpu.memref_slice %arg14[%mul3A_145, %dma_wait3A_160] : memref<10000x128xf32, #tpu.memory_space<vmem_shared>> -> memref<80x128xf32, #tpu.memory_space<vmem_shared>>
        %dma_wait3A_162 = arith.constant 0 : i32
        %dma_wait3A_163 = arith.constant 0 : i32
        %dma_wait3A_164 = tpu.memref_slice %arg11[%dma_wait3A_162, %dma_wait3A_163] : memref<128x128xf32, #tpu.memory_space<vmem>> -> memref<80x128xf32, #tpu.memory_space<vmem>>
        tpu.wait_dma2 semaphore(%run_scoped3A : memref<!tpu.dma_semaphore, #tpu.memory_space<semaphore_mem>>) src(%dma_wait3A_164 : memref<80x128xf32, #tpu.memory_space<vmem>>) dst(%dma_wait3A_161 : memref<80x128xf32, #tpu.memory_space<vmem_shared>>)
        tpu.yield
      }) : () -> ()
    }
    %barrier3A = arith.constant 0 : index
    tpu.barrier barrier_id(%barrier3A)
    %mul3A = arith.constant 10000 : i32
    %mul3A_21 = arith.muli %arg0, %mul3A : i32
    %mul3A_22 = arith.constant 128 : i32
    %mul3A_23 = arith.muli %arg1, %mul3A_22 : i32
    "tpu.region"() ({
      %run_scoped3A = tpu.sem_alloc : memref<!tpu.dma_semaphore, #tpu.memory_space<semaphore_mem>>
      %dma_start3A_141 = tpu.memref_slice %arg3[%mul3A_23] : memref<320000xi32, #tpu.memory_space<hbm>> -> memref<128xi32, #tpu.memory_space<hbm>>
      %dma_start3A_142 = tpu.memref_slice %arg3[%mul3A_23] : memref<320000xi32, #tpu.memory_space<hbm>> -> memref<128xi32, #tpu.memory_space<hbm>>
      tpu.enqueue_dma source(%dma_start3A_142 : memref<128xi32, #tpu.memory_space<hbm>>) target(%arg5 : memref<128xi32, #tpu.memory_space<vmem>>) target_semaphore(%run_scoped3A : memref<!tpu.dma_semaphore, #tpu.memory_space<semaphore_mem>>)
      %dma_wait3A = tpu.memref_slice %arg3[%mul3A_23] : memref<320000xi32, #tpu.memory_space<hbm>> -> memref<128xi32, #tpu.memory_space<hbm>>
      %dma_wait3A_143 = tpu.memref_slice %arg3[%mul3A_23] : memref<320000xi32, #tpu.memory_space<hbm>> -> memref<128xi32, #tpu.memory_space<hbm>>
      tpu.wait_dma2 semaphore(%run_scoped3A : memref<!tpu.dma_semaphore, #tpu.memory_space<semaphore_mem>>) src(%dma_wait3A_143 : memref<128xi32, #tpu.memory_space<hbm>>) dst(%arg5 : memref<128xi32, #tpu.memory_space<vmem>>)
      tpu.yield
    }) : () -> ()
    %add3A_24 = arith.constant 160000 : i32
    %add3A_25 = arith.addi %add3A_24, %mul3A_23 : i32
    "tpu.region"() ({
      %run_scoped3A = tpu.sem_alloc : memref<!tpu.dma_semaphore, #tpu.memory_space<semaphore_mem>>
      %dma_start3A_141 = tpu.memref_slice %arg3[%add3A_25] : memref<320000xi32, #tpu.memory_space<hbm>> -> memref<128xi32, #tpu.memory_space<hbm>>
      %dma_start3A_142 = tpu.memref_slice %arg3[%add3A_25] : memref<320000xi32, #tpu.memory_space<hbm>> -> memref<128xi32, #tpu.memory_space<hbm>>
      tpu.enqueue_dma source(%dma_start3A_142 : memref<128xi32, #tpu.memory_space<hbm>>) target(%arg8 : memref<128xi32, #tpu.memory_space<vmem>>) target_semaphore(%run_scoped3A : memref<!tpu.dma_semaphore, #tpu.memory_space<semaphore_mem>>)
      %dma_wait3A = tpu.memref_slice %arg3[%add3A_25] : memref<320000xi32, #tpu.memory_space<hbm>> -> memref<128xi32, #tpu.memory_space<hbm>>
      %dma_wait3A_143 = tpu.memref_slice %arg3[%add3A_25] : memref<320000xi32, #tpu.memory_space<hbm>> -> memref<128xi32, #tpu.memory_space<hbm>>
      tpu.wait_dma2 semaphore(%run_scoped3A : memref<!tpu.dma_semaphore, #tpu.memory_space<semaphore_mem>>) src(%dma_wait3A_143 : memref<128xi32, #tpu.memory_space<hbm>>) dst(%arg8 : memref<128xi32, #tpu.memory_space<vmem>>)
      tpu.yield
    }) : () -> ()
    %get3A = arith.constant 0 : index
    %get3A_26 = tpu.vector_load %arg5[%get3A] {strides = array<i32>} : memref<128xi32, #tpu.memory_space<vmem>>, vector<16xi32>,
    %get3A_27 = vector.shape_cast %get3A_26 : vector<16xi32> to vector<16xi32>
    %add3A_28 = vector.broadcast %mul3A_21 : i32 to vector<16xi32>
    %add3A_29 = arith.addi %get3A_27, %add3A_28 : vector<16xi32>
    %swap3A = arith.constant 0 : index
    %swap3A_30 = tpu.vector_load %arg5[%swap3A] {strides = array<i32>} : memref<128xi32, #tpu.memory_space<vmem>>, vector<16xi32>,
    %swap3A_31 = vector.shape_cast %swap3A_30 : vector<16xi32> to vector<16xi32>
    %swap3A_32 = vector.shape_cast %add3A_29 : vector<16xi32> to vector<16xi32>
    tpu.vector_store %arg5[%swap3A], %swap3A_32 {strides = array<i32>} : memref<128xi32, #tpu.memory_space<vmem>>, vector<16xi32>,
    %get3A_33 = arith.constant 16 : index
    %get3A_34 = tpu.vector_load %arg5[%get3A_33] {strides = array<i32>} : memref<128xi32, #tpu.memory_space<vmem>>, vector<16xi32>,
    %get3A_35 = vector.shape_cast %get3A_34 : vector<16xi32> to vector<16xi32>
    %add3A_36 = vector.broadcast %mul3A_21 : i32 to vector<16xi32>
    %add3A_37 = arith.addi %get3A_35, %add3A_36 : vector<16xi32>
    %swap3A_38 = arith.constant 16 : index
    %swap3A_39 = tpu.vector_load %arg5[%swap3A_38] {strides = array<i32>} : memref<128xi32, #tpu.memory_space<vmem>>, vector<16xi32>,
    %swap3A_40 = vector.shape_cast %swap3A_39 : vector<16xi32> to vector<16xi32>
    %swap3A_41 = vector.shape_cast %add3A_37 : vector<16xi32> to vector<16xi32>
    tpu.vector_store %arg5[%swap3A_38], %swap3A_41 {strides = array<i32>} : memref<128xi32, #tpu.memory_space<vmem>>, vector<16xi32>,
    %get3A_42 = arith.constant 32 : index
    %get3A_43 = tpu.vector_load %arg5[%get3A_42] {strides = array<i32>} : memref<128xi32, #tpu.memory_space<vmem>>, vector<16xi32>,
    %get3A_44 = vector.shape_cast %get3A_43 : vector<16xi32> to vector<16xi32>
    %add3A_45 = vector.broadcast %mul3A_21 : i32 to vector<16xi32>
    %add3A_46 = arith.addi %get3A_44, %add3A_45 : vector<16xi32>
    %swap3A_47 = arith.constant 32 : index
    %swap3A_48 = tpu.vector_load %arg5[%swap3A_47] {strides = array<i32>} : memref<128xi32, #tpu.memory_space<vmem>>, vector<16xi32>,
    %swap3A_49 = vector.shape_cast %swap3A_48 : vector<16xi32> to vector<16xi32>
    %swap3A_50 = vector.shape_cast %add3A_46 : vector<16xi32> to vector<16xi32>
    tpu.vector_store %arg5[%swap3A_47], %swap3A_50 {strides = array<i32>} : memref<128xi32, #tpu.memory_space<vmem>>, vector<16xi32>,
    %get3A_51 = arith.constant 48 : index
    %get3A_52 = tpu.vector_load %arg5[%get3A_51] {strides = array<i32>} : memref<128xi32, #tpu.memory_space<vmem>>, vector<16xi32>,
    %get3A_53 = vector.shape_cast %get3A_52 : vector<16xi32> to vector<16xi32>
    %add3A_54 = vector.broadcast %mul3A_21 : i32 to vector<16xi32>
    %add3A_55 = arith.addi %get3A_53, %add3A_54 : vector<16xi32>
    %swap3A_56 = arith.constant 48 : index
    %swap3A_57 = tpu.vector_load %arg5[%swap3A_56] {strides = array<i32>} : memref<128xi32, #tpu.memory_space<vmem>>, vector<16xi32>,
    %swap3A_58 = vector.shape_cast %swap3A_57 : vector<16xi32> to vector<16xi32>
    %swap3A_59 = vector.shape_cast %add3A_55 : vector<16xi32> to vector<16xi32>
    tpu.vector_store %arg5[%swap3A_56], %swap3A_59 {strides = array<i32>} : memref<128xi32, #tpu.memory_space<vmem>>, vector<16xi32>,
    %get3A_60 = arith.constant 64 : index
    %get3A_61 = tpu.vector_load %arg5[%get3A_60] {strides = array<i32>} : memref<128xi32, #tpu.memory_space<vmem>>, vector<16xi32>,
    %get3A_62 = vector.shape_cast %get3A_61 : vector<16xi32> to vector<16xi32>
    %add3A_63 = vector.broadcast %mul3A_21 : i32 to vector<16xi32>
    %add3A_64 = arith.addi %get3A_62, %add3A_63 : vector<16xi32>
    %swap3A_65 = arith.constant 64 : index
    %swap3A_66 = tpu.vector_load %arg5[%swap3A_65] {strides = array<i32>} : memref<128xi32, #tpu.memory_space<vmem>>, vector<16xi32>,
    %swap3A_67 = vector.shape_cast %swap3A_66 : vector<16xi32> to vector<16xi32>
    %swap3A_68 = vector.shape_cast %add3A_64 : vector<16xi32> to vector<16xi32>
    tpu.vector_store %arg5[%swap3A_65], %swap3A_68 {strides = array<i32>} : memref<128xi32, #tpu.memory_space<vmem>>, vector<16xi32>,
    %get3A_69 = arith.constant 80 : index
    %get3A_70 = tpu.vector_load %arg5[%get3A_69] {strides = array<i32>} : memref<128xi32, #tpu.memory_space<vmem>>, vector<16xi32>,
    %get3A_71 = vector.shape_cast %get3A_70 : vector<16xi32> to vector<16xi32>
    %add3A_72 = vector.broadcast %mul3A_21 : i32 to vector<16xi32>
    %add3A_73 = arith.addi %get3A_71, %add3A_72 : vector<16xi32>
    %swap3A_74 = arith.constant 80 : index
    %swap3A_75 = tpu.vector_load %arg5[%swap3A_74] {strides = array<i32>} : memref<128xi32, #tpu.memory_space<vmem>>, vector<16xi32>,
    %swap3A_76 = vector.shape_cast %swap3A_75 : vector<16xi32> to vector<16xi32>
    %swap3A_77 = vector.shape_cast %add3A_73 : vector<16xi32> to vector<16xi32>
    tpu.vector_store %arg5[%swap3A_74], %swap3A_77 {strides = array<i32>} : memref<128xi32, #tpu.memory_space<vmem>>, vector<16xi32>,
    %get3A_78 = arith.constant 96 : index
    %get3A_79 = tpu.vector_load %arg5[%get3A_78] {strides = array<i32>} : memref<128xi32, #tpu.memory_space<vmem>>, vector<16xi32>,
    %get3A_80 = vector.shape_cast %get3A_79 : vector<16xi32> to vector<16xi32>
    %add3A_81 = vector.broadcast %mul3A_21 : i32 to vector<16xi32>
    %add3A_82 = arith.addi %get3A_80, %add3A_81 : vector<16xi32>
    %swap3A_83 = arith.constant 96 : index
    %swap3A_84 = tpu.vector_load %arg5[%swap3A_83] {strides = array<i32>} : memref<128xi32, #tpu.memory_space<vmem>>, vector<16xi32>,
    %swap3A_85 = vector.shape_cast %swap3A_84 : vector<16xi32> to vector<16xi32>
    %swap3A_86 = vector.shape_cast %add3A_82 : vector<16xi32> to vector<16xi32>
    tpu.vector_store %arg5[%swap3A_83], %swap3A_86 {strides = array<i32>} : memref<128xi32, #tpu.memory_space<vmem>>, vector<16xi32>,
    %get3A_87 = arith.constant 112 : index
    %get3A_88 = tpu.vector_load %arg5[%get3A_87] {strides = array<i32>} : memref<128xi32, #tpu.memory_space<vmem>>, vector<16xi32>,
    %get3A_89 = vector.shape_cast %get3A_88 : vector<16xi32> to vector<16xi32>
    %add3A_90 = vector.broadcast %mul3A_21 : i32 to vector<16xi32>
    %add3A_91 = arith.addi %get3A_89, %add3A_90 : vector<16xi32>
    %swap3A_92 = arith.constant 112 : index
    %swap3A_93 = tpu.vector_load %arg5[%swap3A_92] {strides = array<i32>} : memref<128xi32, #tpu.memory_space<vmem>>, vector<16xi32>,
    %swap3A_94 = vector.shape_cast %swap3A_93 : vector<16xi32> to vector<16xi32>
    %swap3A_95 = vector.shape_cast %add3A_91 : vector<16xi32> to vector<16xi32>
    tpu.vector_store %arg5[%swap3A_92], %swap3A_95 {strides = array<i32>} : memref<128xi32, #tpu.memory_space<vmem>>, vector<16xi32>,
    %dma_start3A = arith.constant 0 : i32
    %dma_start3A_96 = arith.constant 0 : i32
    %dma_start3A_97 = tpu.memref_slice %arg2[%dma_start3A, %dma_start3A_96] : memref<20000x128xf32, #tpu.memory_space<hbm>> -> memref<20000x128xf32, #tpu.memory_space<hbm>>
    tpu.enqueue_indirect_dma source(%dma_start3A_97 : memref<20000x128xf32, #tpu.memory_space<hbm>>) target(%arg11 : memref<128x128xf32, #tpu.memory_space<vmem>>) offsets(%arg5 : memref<128xi32, #tpu.memory_space<vmem>>) semaphore(%arg15 : memref<!tpu.dma_semaphore, #tpu.memory_space<semaphore_mem>>)
    %add3A_98 = arith.constant 16 : i32
    %add3A_99 = arith.addi %arg1, %add3A_98 : i32
    %lt3A = arith.constant 1250 : i32
    %lt3A_100 = arith.cmpi slt, %add3A_99, %lt3A : i32
    %convert_element_type3A = arith.extui %lt3A_100 : i1 to i32
    %cond3A = arith.constant 0 : i32
    %cond3A_101 = arith.cmpi ne, %convert_element_type3A, %cond3A : i32
    scf.if %cond3A_101 {
      %add3A_141 = arith.constant 16 : i32
      %add3A_142 = arith.addi %arg1, %add3A_141 : i32
      %mul3A_143 = arith.constant 128 : i32
      %mul3A_144 = arith.muli %add3A_142, %mul3A_143 : i32
      "tpu.region"() ({
        %run_scoped3A = tpu.sem_alloc : memref<!tpu.dma_semaphore, #tpu.memory_space<semaphore_mem>>
        %dma_start3A_222 = tpu.memref_slice %arg3[%mul3A_144] : memref<320000xi32, #tpu.memory_space<hbm>> -> memref<128xi32, #tpu.memory_space<hbm>>
        %dma_start3A_223 = tpu.memref_slice %arg3[%mul3A_144] : memref<320000xi32, #tpu.memory_space<hbm>> -> memref<128xi32, #tpu.memory_space<hbm>>
        tpu.enqueue_dma source(%dma_start3A_223 : memref<128xi32, #tpu.memory_space<hbm>>) target(%arg6 : memref<128xi32, #tpu.memory_space<vmem>>) target_semaphore(%run_scoped3A : memref<!tpu.dma_semaphore, #tpu.memory_space<semaphore_mem>>)
        %dma_wait3A = tpu.memref_slice %arg3[%mul3A_144] : memref<320000xi32, #tpu.memory_space<hbm>> -> memref<128xi32, #tpu.memory_space<hbm>>
        %dma_wait3A_224 = tpu.memref_slice %arg3[%mul3A_144] : memref<320000xi32, #tpu.memory_space<hbm>> -> memref<128xi32, #tpu.memory_space<hbm>>
        tpu.wait_dma2 semaphore(%run_scoped3A : memref<!tpu.dma_semaphore, #tpu.memory_space<semaphore_mem>>) src(%dma_wait3A_224 : memref<128xi32, #tpu.memory_space<hbm>>) dst(%arg6 : memref<128xi32, #tpu.memory_space<vmem>>)
        tpu.yield
      }) : () -> ()
      %add3A_145 = arith.constant 160000 : i32
      %add3A_146 = arith.addi %add3A_145, %mul3A_144 : i32
      "tpu.region"() ({
        %run_scoped3A = tpu.sem_alloc : memref<!tpu.dma_semaphore, #tpu.memory_space<semaphore_mem>>
        %dma_start3A_222 = tpu.memref_slice %arg3[%add3A_146] : memref<320000xi32, #tpu.memory_space<hbm>> -> memref<128xi32, #tpu.memory_space<hbm>>
        %dma_start3A_223 = tpu.memref_slice %arg3[%add3A_146] : memref<320000xi32, #tpu.memory_space<hbm>> -> memref<128xi32, #tpu.memory_space<hbm>>
        tpu.enqueue_dma source(%dma_start3A_223 : memref<128xi32, #tpu.memory_space<hbm>>) target(%arg9 : memref<128xi32, #tpu.memory_space<vmem>>) target_semaphore(%run_scoped3A : memref<!tpu.dma_semaphore, #tpu.memory_space<semaphore_mem>>)
        %dma_wait3A = tpu.memref_slice %arg3[%add3A_146] : memref<320000xi32, #tpu.memory_space<hbm>> -> memref<128xi32, #tpu.memory_space<hbm>>
        %dma_wait3A_224 = tpu.memref_slice %arg3[%add3A_146] : memref<320000xi32, #tpu.memory_space<hbm>> -> memref<128xi32, #tpu.memory_space<hbm>>
        tpu.wait_dma2 semaphore(%run_scoped3A : memref<!tpu.dma_semaphore, #tpu.memory_space<semaphore_mem>>) src(%dma_wait3A_224 : memref<128xi32, #tpu.memory_space<hbm>>) dst(%arg9 : memref<128xi32, #tpu.memory_space<vmem>>)
        tpu.yield
      }) : () -> ()
      %get3A_147 = arith.constant 0 : index
      %get3A_148 = tpu.vector_load %arg6[%get3A_147] {strides = array<i32>} : memref<128xi32, #tpu.memory_space<vmem>>, vector<16xi32>,
      %get3A_149 = vector.shape_cast %get3A_148 : vector<16xi32> to vector<16xi32>
      %add3A_150 = vector.broadcast %mul3A_21 : i32 to vector<16xi32>
      %add3A_151 = arith.addi %get3A_149, %add3A_150 : vector<16xi32>
      %swap3A_152 = arith.constant 0 : index
      %swap3A_153 = tpu.vector_load %arg6[%swap3A_152] {strides = array<i32>} : memref<128xi32, #tpu.memory_space<vmem>>, vector<16xi32>,
      %swap3A_154 = vector.shape_cast %swap3A_153 : vector<16xi32> to vector<16xi32>
      %swap3A_155 = vector.shape_cast %add3A_151 : vector<16xi32> to vector<16xi32>
      tpu.vector_store %arg6[%swap3A_152], %swap3A_155 {strides = array<i32>} : memref<128xi32, #tpu.memory_space<vmem>>, vector<16xi32>,
      %get3A_156 = arith.constant 16 : index
      %get3A_157 = tpu.vector_load %arg6[%get3A_156] {strides = array<i32>} : memref<128xi32, #tpu.memory_space<vmem>>, vector<16xi32>,
      %get3A_158 = vector.shape_cast %get3A_157 : vector<16xi32> to vector<16xi32>
      %add3A_159 = vector.broadcast %mul3A_21 : i32 to vector<16xi32>
      %add3A_160 = arith.addi %get3A_158, %add3A_159 : vector<16xi32>
      %swap3A_161 = arith.constant 16 : index
      %swap3A_162 = tpu.vector_load %arg6[%swap3A_161] {strides = array<i32>} : memref<128xi32, #tpu.memory_space<vmem>>, vector<16xi32>,
      %swap3A_163 = vector.shape_cast %swap3A_162 : vector<16xi32> to vector<16xi32>
      %swap3A_164 = vector.shape_cast %add3A_160 : vector<16xi32> to vector<16xi32>
      tpu.vector_store %arg6[%swap3A_161], %swap3A_164 {strides = array<i32>} : memref<128xi32, #tpu.memory_space<vmem>>, vector<16xi32>,
      %get3A_165 = arith.constant 32 : index
      %get3A_166 = tpu.vector_load %arg6[%get3A_165] {strides = array<i32>} : memref<128xi32, #tpu.memory_space<vmem>>, vector<16xi32>,
      %get3A_167 = vector.shape_cast %get3A_166 : vector<16xi32> to vector<16xi32>
      %add3A_168 = vector.broadcast %mul3A_21 : i32 to vector<16xi32>
      %add3A_169 = arith.addi %get3A_167, %add3A_168 : vector<16xi32>
      %swap3A_170 = arith.constant 32 : index
      %swap3A_171 = tpu.vector_load %arg6[%swap3A_170] {strides = array<i32>} : memref<128xi32, #tpu.memory_space<vmem>>, vector<16xi32>,
      %swap3A_172 = vector.shape_cast %swap3A_171 : vector<16xi32> to vector<16xi32>
      %swap3A_173 = vector.shape_cast %add3A_169 : vector<16xi32> to vector<16xi32>
      tpu.vector_store %arg6[%swap3A_170], %swap3A_173 {strides = array<i32>} : memref<128xi32, #tpu.memory_space<vmem>>, vector<16xi32>,
      %get3A_174 = arith.constant 48 : index
      %get3A_175 = tpu.vector_load %arg6[%get3A_174] {strides = array<i32>} : memref<128xi32, #tpu.memory_space<vmem>>, vector<16xi32>,
      %get3A_176 = vector.shape_cast %get3A_175 : vector<16xi32> to vector<16xi32>
      %add3A_177 = vector.broadcast %mul3A_21 : i32 to vector<16xi32>
      %add3A_178 = arith.addi %get3A_176, %add3A_177 : vector<16xi32>
      %swap3A_179 = arith.constant 48 : index
      %swap3A_180 = tpu.vector_load %arg6[%swap3A_179] {strides = array<i32>} : memref<128xi32, #tpu.memory_space<vmem>>, vector<16xi32>,
      %swap3A_181 = vector.shape_cast %swap3A_180 : vector<16xi32> to vector<16xi32>
      %swap3A_182 = vector.shape_cast %add3A_178 : vector<16xi32> to vector<16xi32>
      tpu.vector_store %arg6[%swap3A_179], %swap3A_182 {strides = array<i32>} : memref<128xi32, #tpu.memory_space<vmem>>, vector<16xi32>,
      %get3A_183 = arith.constant 64 : index
      %get3A_184 = tpu.vector_load %arg6[%get3A_183] {strides = array<i32>} : memref<128xi32, #tpu.memory_space<vmem>>, vector<16xi32>,
      %get3A_185 = vector.shape_cast %get3A_184 : vector<16xi32> to vector<16xi32>
      %add3A_186 = vector.broadcast %mul3A_21 : i32 to vector<16xi32>
      %add3A_187 = arith.addi %get3A_185, %add3A_186 : vector<16xi32>
      %swap3A_188 = arith.constant 64 : index
      %swap3A_189 = tpu.vector_load %arg6[%swap3A_188] {strides = array<i32>} : memref<128xi32, #tpu.memory_space<vmem>>, vector<16xi32>,
      %swap3A_190 = vector.shape_cast %swap3A_189 : vector<16xi32> to vector<16xi32>
      %swap3A_191 = vector.shape_cast %add3A_187 : vector<16xi32> to vector<16xi32>
      tpu.vector_store %arg6[%swap3A_188], %swap3A_191 {strides = array<i32>} : memref<128xi32, #tpu.memory_space<vmem>>, vector<16xi32>,
      %get3A_192 = arith.constant 80 : index
      %get3A_193 = tpu.vector_load %arg6[%get3A_192] {strides = array<i32>} : memref<128xi32, #tpu.memory_space<vmem>>, vector<16xi32>,
      %get3A_194 = vector.shape_cast %get3A_193 : vector<16xi32> to vector<16xi32>
      %add3A_195 = vector.broadcast %mul3A_21 : i32 to vector<16xi32>
      %add3A_196 = arith.addi %get3A_194, %add3A_195 : vector<16xi32>
      %swap3A_197 = arith.constant 80 : index
      %swap3A_198 = tpu.vector_load %arg6[%swap3A_197] {strides = array<i32>} : memref<128xi32, #tpu.memory_space<vmem>>, vector<16xi32>,
      %swap3A_199 = vector.shape_cast %swap3A_198 : vector<16xi32> to vector<16xi32>
      %swap3A_200 = vector.shape_cast %add3A_196 : vector<16xi32> to vector<16xi32>
      tpu.vector_store %arg6[%swap3A_197], %swap3A_200 {strides = array<i32>} : memref<128xi32, #tpu.memory_space<vmem>>, vector<16xi32>,
      %get3A_201 = arith.constant 96 : index
      %get3A_202 = tpu.vector_load %arg6[%get3A_201] {strides = array<i32>} : memref<128xi32, #tpu.memory_space<vmem>>, vector<16xi32>,
      %get3A_203 = vector.shape_cast %get3A_202 : vector<16xi32> to vector<16xi32>
      %add3A_204 = vector.broadcast %mul3A_21 : i32 to vector<16xi32>
      %add3A_205 = arith.addi %get3A_203, %add3A_204 : vector<16xi32>
      %swap3A_206 = arith.constant 96 : index
      %swap3A_207 = tpu.vector_load %arg6[%swap3A_206] {strides = array<i32>} : memref<128xi32, #tpu.memory_space<vmem>>, vector<16xi32>,
      %swap3A_208 = vector.shape_cast %swap3A_207 : vector<16xi32> to vector<16xi32>
      %swap3A_209 = vector.shape_cast %add3A_205 : vector<16xi32> to vector<16xi32>
      tpu.vector_store %arg6[%swap3A_206], %swap3A_209 {strides = array<i32>} : memref<128xi32, #tpu.memory_space<vmem>>, vector<16xi32>,
      %get3A_210 = arith.constant 112 : index
      %get3A_211 = tpu.vector_load %arg6[%get3A_210] {strides = array<i32>} : memref<128xi32, #tpu.memory_space<vmem>>, vector<16xi32>,
      %get3A_212 = vector.shape_cast %get3A_211 : vector<16xi32> to vector<16xi32>
      %add3A_213 = vector.broadcast %mul3A_21 : i32 to vector<16xi32>
      %add3A_214 = arith.addi %get3A_212, %add3A_213 : vector<16xi32>
      %swap3A_215 = arith.constant 112 : index
      %swap3A_216 = tpu.vector_load %arg6[%swap3A_215] {strides = array<i32>} : memref<128xi32, #tpu.memory_space<vmem>>, vector<16xi32>,
      %swap3A_217 = vector.shape_cast %swap3A_216 : vector<16xi32> to vector<16xi32>
      %swap3A_218 = vector.shape_cast %add3A_214 : vector<16xi32> to vector<16xi32>
      tpu.vector_store %arg6[%swap3A_215], %swap3A_218 {strides = array<i32>} : memref<128xi32, #tpu.memory_space<vmem>>, vector<16xi32>,
      %dma_start3A_219 = arith.constant 0 : i32
      %dma_start3A_220 = arith.constant 0 : i32
      %dma_start3A_221 = tpu.memref_slice %arg2[%dma_start3A_219, %dma_start3A_220] : memref<20000x128xf32, #tpu.memory_space<hbm>> -> memref<20000x128xf32, #tpu.memory_space<hbm>>
      tpu.enqueue_indirect_dma source(%dma_start3A_221 : memref<20000x128xf32, #tpu.memory_space<hbm>>) target(%arg12 : memref<128x128xf32, #tpu.memory_space<vmem>>) offsets(%arg6 : memref<128xi32, #tpu.memory_space<vmem>>) semaphore(%arg16 : memref<!tpu.dma_semaphore, #tpu.memory_space<semaphore_mem>>)
    } else {
    }
    %sub3A_102 = arith.constant 1250 : i32
    %sub3A_103 = arith.subi %sub3A_102, %arg1 : i32
    %sub3A_104 = arith.constant 48 : i32
    %sub3A_105 = arith.constant 1 : i32
    %sub3A_106 = arith.subi %sub3A_104, %sub3A_105 : i32
    %add3A_107 = arith.addi %sub3A_103, %sub3A_106 : i32
    %div3A_108 = arith.constant 48 : i32
    %div3A_109 = arith.divsi %add3A_107, %div3A_108 : i32
    %while3A_110 = arith.constant 48 : i32
    %while3A_111 = arith.constant 0 : i32
    %while3A_112 = arith.subi %div3A_109, %while3A_111 : i32
    %while3A_113 = arith.addi %while3A_111, %while3A_112 : i32
    %while3A_114 = arith.constant 1 : i32
    %while3A_115 = arith.divsi %while3A_112, %while3A_114 : i32
    %while3A_116 = arith.muli %while3A_115, %while3A_114 : i32
    %while3A_117 = arith.addi %while3A_111, %while3A_116 : i32
    %while3A_118 = arith.constant 1 : i32
    scf.for %while3A_141 = %while3A_111 to %while3A_117 step %while3A_118  : i32 {
      %mul3A_142 = arith.muli %while3A_141, %while3A_110 : i32
      %add3A_143 = arith.addi %arg1, %mul3A_142 : i32
      %add3A_144 = arith.constant 32 : i32
      %add3A_145 = arith.addi %add3A_143, %add3A_144 : i32
      %lt3A_146 = arith.constant 1250 : i32
      %lt3A_147 = arith.cmpi slt, %add3A_145, %lt3A_146 : i32
      %convert_element_type3A_148 = arith.extui %lt3A_147 : i1 to i32
      %cond3A_149 = arith.constant 0 : i32
      %cond3A_150 = arith.cmpi ne, %convert_element_type3A_148, %cond3A_149 : i32
      scf.if %cond3A_150 {
        %add3A_181 = arith.constant 32 : i32
        %add3A_182 = arith.addi %add3A_143, %add3A_181 : i32
        %mul3A_183 = arith.constant 128 : i32
        %mul3A_184 = arith.muli %add3A_182, %mul3A_183 : i32
        "tpu.region"() ({
          %run_scoped3A = tpu.sem_alloc : memref<!tpu.dma_semaphore, #tpu.memory_space<semaphore_mem>>
          %dma_start3A_262 = tpu.memref_slice %arg3[%mul3A_184] : memref<320000xi32, #tpu.memory_space<hbm>> -> memref<128xi32, #tpu.memory_space<hbm>>
          %dma_start3A_263 = tpu.memref_slice %arg3[%mul3A_184] : memref<320000xi32, #tpu.memory_space<hbm>> -> memref<128xi32, #tpu.memory_space<hbm>>
          tpu.enqueue_dma source(%dma_start3A_263 : memref<128xi32, #tpu.memory_space<hbm>>) target(%arg7 : memref<128xi32, #tpu.memory_space<vmem>>) target_semaphore(%run_scoped3A : memref<!tpu.dma_semaphore, #tpu.memory_space<semaphore_mem>>)
          %dma_wait3A_264 = tpu.memref_slice %arg3[%mul3A_184] : memref<320000xi32, #tpu.memory_space<hbm>> -> memref<128xi32, #tpu.memory_space<hbm>>
          %dma_wait3A_265 = tpu.memref_slice %arg3[%mul3A_184] : memref<320000xi32, #tpu.memory_space<hbm>> -> memref<128xi32, #tpu.memory_space<hbm>>
          tpu.wait_dma2 semaphore(%run_scoped3A : memref<!tpu.dma_semaphore, #tpu.memory_space<semaphore_mem>>) src(%dma_wait3A_265 : memref<128xi32, #tpu.memory_space<hbm>>) dst(%arg7 : memref<128xi32, #tpu.memory_space<vmem>>)
          tpu.yield
        }) : () -> ()
        %add3A_185 = arith.constant 160000 : i32
        %add3A_186 = arith.addi %add3A_185, %mul3A_184 : i32
        "tpu.region"() ({
          %run_scoped3A = tpu.sem_alloc : memref<!tpu.dma_semaphore, #tpu.memory_space<semaphore_mem>>
          %dma_start3A_262 = tpu.memref_slice %arg3[%add3A_186] : memref<320000xi32, #tpu.memory_space<hbm>> -> memref<128xi32, #tpu.memory_space<hbm>>
          %dma_start3A_263 = tpu.memref_slice %arg3[%add3A_186] : memref<320000xi32, #tpu.memory_space<hbm>> -> memref<128xi32, #tpu.memory_space<hbm>>
          tpu.enqueue_dma source(%dma_start3A_263 : memref<128xi32, #tpu.memory_space<hbm>>) target(%arg10 : memref<128xi32, #tpu.memory_space<vmem>>) target_semaphore(%run_scoped3A : memref<!tpu.dma_semaphore, #tpu.memory_space<semaphore_mem>>)
          %dma_wait3A_264 = tpu.memref_slice %arg3[%add3A_186] : memref<320000xi32, #tpu.memory_space<hbm>> -> memref<128xi32, #tpu.memory_space<hbm>>
          %dma_wait3A_265 = tpu.memref_slice %arg3[%add3A_186] : memref<320000xi32, #tpu.memory_space<hbm>> -> memref<128xi32, #tpu.memory_space<hbm>>
          tpu.wait_dma2 semaphore(%run_scoped3A : memref<!tpu.dma_semaphore, #tpu.memory_space<semaphore_mem>>) src(%dma_wait3A_265 : memref<128xi32, #tpu.memory_space<hbm>>) dst(%arg10 : memref<128xi32, #tpu.memory_space<vmem>>)
          tpu.yield
        }) : () -> ()
        %get3A_187 = arith.constant 0 : index
        %get3A_188 = tpu.vector_load %arg7[%get3A_187] {strides = array<i32>} : memref<128xi32, #tpu.memory_space<vmem>>, vector<16xi32>,
        %get3A_189 = vector.shape_cast %get3A_188 : vector<16xi32> to vector<16xi32>
        %add3A_190 = vector.broadcast %mul3A_21 : i32 to vector<16xi32>
        %add3A_191 = arith.addi %get3A_189, %add3A_190 : vector<16xi32>
        %swap3A_192 = arith.constant 0 : index
        %swap3A_193 = tpu.vector_load %arg7[%swap3A_192] {strides = array<i32>} : memref<128xi32, #tpu.memory_space<vmem>>, vector<16xi32>,
        %swap3A_194 = vector.shape_cast %swap3A_193 : vector<16xi32> to vector<16xi32>
        %swap3A_195 = vector.shape_cast %add3A_191 : vector<16xi32> to vector<16xi32>
        tpu.vector_store %arg7[%swap3A_192], %swap3A_195 {strides = array<i32>} : memref<128xi32, #tpu.memory_space<vmem>>, vector<16xi32>,
        %get3A_196 = arith.constant 16 : index
        %get3A_197 = tpu.vector_load %arg7[%get3A_196] {strides = array<i32>} : memref<128xi32, #tpu.memory_space<vmem>>, vector<16xi32>,
        %get3A_198 = vector.shape_cast %get3A_197 : vector<16xi32> to vector<16xi32>
        %add3A_199 = vector.broadcast %mul3A_21 : i32 to vector<16xi32>
        %add3A_200 = arith.addi %get3A_198, %add3A_199 : vector<16xi32>
        %swap3A_201 = arith.constant 16 : index
        %swap3A_202 = tpu.vector_load %arg7[%swap3A_201] {strides = array<i32>} : memref<128xi32, #tpu.memory_space<vmem>>, vector<16xi32>,
        %swap3A_203 = vector.shape_cast %swap3A_202 : vector<16xi32> to vector<16xi32>
        %swap3A_204 = vector.shape_cast %add3A_200 : vector<16xi32> to vector<16xi32>
        tpu.vector_store %arg7[%swap3A_201], %swap3A_204 {strides = array<i32>} : memref<128xi32, #tpu.memory_space<vmem>>, vector<16xi32>,
        %get3A_205 = arith.constant 32 : index
        %get3A_206 = tpu.vector_load %arg7[%get3A_205] {strides = array<i32>} : memref<128xi32, #tpu.memory_space<vmem>>, vector<16xi32>,
        %get3A_207 = vector.shape_cast %get3A_206 : vector<16xi32> to vector<16xi32>
        %add3A_208 = vector.broadcast %mul3A_21 : i32 to vector<16xi32>
        %add3A_209 = arith.addi %get3A_207, %add3A_208 : vector<16xi32>
        %swap3A_210 = arith.constant 32 : index
        %swap3A_211 = tpu.vector_load %arg7[%swap3A_210] {strides = array<i32>} : memref<128xi32, #tpu.memory_space<vmem>>, vector<16xi32>,
        %swap3A_212 = vector.shape_cast %swap3A_211 : vector<16xi32> to vector<16xi32>
        %swap3A_213 = vector.shape_cast %add3A_209 : vector<16xi32> to vector<16xi32>
        tpu.vector_store %arg7[%swap3A_210], %swap3A_213 {strides = array<i32>} : memref<128xi32, #tpu.memory_space<vmem>>, vector<16xi32>,
        %get3A_214 = arith.constant 48 : index
        %get3A_215 = tpu.vector_load %arg7[%get3A_214] {strides = array<i32>} : memref<128xi32, #tpu.memory_space<vmem>>, vector<16xi32>,
        %get3A_216 = vector.shape_cast %get3A_215 : vector<16xi32> to vector<16xi32>
        %add3A_217 = vector.broadcast %mul3A_21 : i32 to vector<16xi32>
        %add3A_218 = arith.addi %get3A_216, %add3A_217 : vector<16xi32>
        %swap3A_219 = arith.constant 48 : index
        %swap3A_220 = tpu.vector_load %arg7[%swap3A_219] {strides = array<i32>} : memref<128xi32, #tpu.memory_space<vmem>>, vector<16xi32>,
        %swap3A_221 = vector.shape_cast %swap3A_220 : vector<16xi32> to vector<16xi32>
        %swap3A_222 = vector.shape_cast %add3A_218 : vector<16xi32> to vector<16xi32>
        tpu.vector_store %arg7[%swap3A_219], %swap3A_222 {strides = array<i32>} : memref<128xi32, #tpu.memory_space<vmem>>, vector<16xi32>,
        %get3A_223 = arith.constant 64 : index
        %get3A_224 = tpu.vector_load %arg7[%get3A_223] {strides = array<i32>} : memref<128xi32, #tpu.memory_space<vmem>>, vector<16xi32>,
        %get3A_225 = vector.shape_cast %get3A_224 : vector<16xi32> to vector<16xi32>
        %add3A_226 = vector.broadcast %mul3A_21 : i32 to vector<16xi32>
        %add3A_227 = arith.addi %get3A_225, %add3A_226 : vector<16xi32>
        %swap3A_228 = arith.constant 64 : index
        %swap3A_229 = tpu.vector_load %arg7[%swap3A_228] {strides = array<i32>} : memref<128xi32, #tpu.memory_space<vmem>>, vector<16xi32>,
        %swap3A_230 = vector.shape_cast %swap3A_229 : vector<16xi32> to vector<16xi32>
        %swap3A_231 = vector.shape_cast %add3A_227 : vector<16xi32> to vector<16xi32>
        tpu.vector_store %arg7[%swap3A_228], %swap3A_231 {strides = array<i32>} : memref<128xi32, #tpu.memory_space<vmem>>, vector<16xi32>,
        %get3A_232 = arith.constant 80 : index
        %get3A_233 = tpu.vector_load %arg7[%get3A_232] {strides = array<i32>} : memref<128xi32, #tpu.memory_space<vmem>>, vector<16xi32>,
        %get3A_234 = vector.shape_cast %get3A_233 : vector<16xi32> to vector<16xi32>
        %add3A_235 = vector.broadcast %mul3A_21 : i32 to vector<16xi32>
        %add3A_236 = arith.addi %get3A_234, %add3A_235 : vector<16xi32>
        %swap3A_237 = arith.constant 80 : index
        %swap3A_238 = tpu.vector_load %arg7[%swap3A_237] {strides = array<i32>} : memref<128xi32, #tpu.memory_space<vmem>>, vector<16xi32>,
        %swap3A_239 = vector.shape_cast %swap3A_238 : vector<16xi32> to vector<16xi32>
        %swap3A_240 = vector.shape_cast %add3A_236 : vector<16xi32> to vector<16xi32>
        tpu.vector_store %arg7[%swap3A_237], %swap3A_240 {strides = array<i32>} : memref<128xi32, #tpu.memory_space<vmem>>, vector<16xi32>,
        %get3A_241 = arith.constant 96 : index
        %get3A_242 = tpu.vector_load %arg7[%get3A_241] {strides = array<i32>} : memref<128xi32, #tpu.memory_space<vmem>>, vector<16xi32>,
        %get3A_243 = vector.shape_cast %get3A_242 : vector<16xi32> to vector<16xi32>
        %add3A_244 = vector.broadcast %mul3A_21 : i32 to vector<16xi32>
        %add3A_245 = arith.addi %get3A_243, %add3A_244 : vector<16xi32>
        %swap3A_246 = arith.constant 96 : index
        %swap3A_247 = tpu.vector_load %arg7[%swap3A_246] {strides = array<i32>} : memref<128xi32, #tpu.memory_space<vmem>>, vector<16xi32>,
        %swap3A_248 = vector.shape_cast %swap3A_247 : vector<16xi32> to vector<16xi32>
        %swap3A_249 = vector.shape_cast %add3A_245 : vector<16xi32> to vector<16xi32>
        tpu.vector_store %arg7[%swap3A_246], %swap3A_249 {strides = array<i32>} : memref<128xi32, #tpu.memory_space<vmem>>, vector<16xi32>,
        %get3A_250 = arith.constant 112 : index
        %get3A_251 = tpu.vector_load %arg7[%get3A_250] {strides = array<i32>} : memref<128xi32, #tpu.memory_space<vmem>>, vector<16xi32>,
        %get3A_252 = vector.shape_cast %get3A_251 : vector<16xi32> to vector<16xi32>
        %add3A_253 = vector.broadcast %mul3A_21 : i32 to vector<16xi32>
        %add3A_254 = arith.addi %get3A_252, %add3A_253 : vector<16xi32>
        %swap3A_255 = arith.constant 112 : index
        %swap3A_256 = tpu.vector_load %arg7[%swap3A_255] {strides = array<i32>} : memref<128xi32, #tpu.memory_space<vmem>>, vector<16xi32>,
        %swap3A_257 = vector.shape_cast %swap3A_256 : vector<16xi32> to vector<16xi32>
        %swap3A_258 = vector.shape_cast %add3A_254 : vector<16xi32> to vector<16xi32>
        tpu.vector_store %arg7[%swap3A_255], %swap3A_258 {strides = array<i32>} : memref<128xi32, #tpu.memory_space<vmem>>, vector<16xi32>,
        %dma_start3A_259 = arith.constant 0 : i32
        %dma_start3A_260 = arith.constant 0 : i32
        %dma_start3A_261 = tpu.memref_slice %arg2[%dma_start3A_259, %dma_start3A_260] : memref<20000x128xf32, #tpu.memory_space<hbm>> -> memref<20000x128xf32, #tpu.memory_space<hbm>>
        tpu.enqueue_indirect_dma source(%dma_start3A_261 : memref<20000x128xf32, #tpu.memory_space<hbm>>) target(%arg13 : memref<128x128xf32, #tpu.memory_space<vmem>>) offsets(%arg7 : memref<128xi32, #tpu.memory_space<vmem>>) semaphore(%arg17 : memref<!tpu.dma_semaphore, #tpu.memory_space<semaphore_mem>>)
      } else {
      }
      %dma_wait3A = arith.constant 0 : i32
      %dma_wait3A_151 = arith.constant 0 : i32
      %dma_wait3A_152 = tpu.memref_slice %arg2[%dma_wait3A, %dma_wait3A_151] : memref<20000x128xf32, #tpu.memory_space<hbm>> -> memref<20000x128xf32, #tpu.memory_space<hbm>>
      tpu.wait_indirect_dma semaphore(%arg15 : memref<!tpu.dma_semaphore, #tpu.memory_space<semaphore_mem>>) src(%dma_wait3A_152 : memref<20000x128xf32, #tpu.memory_space<hbm>>) dst(%arg11 : memref<128x128xf32, #tpu.memory_space<vmem>>)
      "tpu.region"() ({
        %run_scoped3A = tpu.sem_alloc : memref<!tpu.dma_semaphore, #tpu.memory_space<semaphore_mem>>
        %dma_start3A_181 = arith.constant 0 : i32
        %dma_start3A_182 = arith.constant 0 : i32
        %dma_start3A_183 = tpu.memref_slice %arg14[%dma_start3A_181, %dma_start3A_182] : memref<10000x128xf32, #tpu.memory_space<vmem_shared>> -> memref<10000x128xf32, #tpu.memory_space<vmem_shared>>
        tpu.enqueue_indirect_dma source(%arg11 : memref<128x128xf32, #tpu.memory_space<vmem>>) target(%dma_start3A_183 : memref<10000x128xf32, #tpu.memory_space<vmem_shared>>) offsets(%arg8 : memref<128xi32, #tpu.memory_space<vmem>>) semaphore(%run_scoped3A : memref<!tpu.dma_semaphore, #tpu.memory_space<semaphore_mem>>) {add = true}
        %dma_wait3A_184 = arith.constant 0 : i32
        %dma_wait3A_185 = arith.constant 0 : i32
        %dma_wait3A_186 = tpu.memref_slice %arg14[%dma_wait3A_184, %dma_wait3A_185] : memref<10000x128xf32, #tpu.memory_space<vmem_shared>> -> memref<10000x128xf32, #tpu.memory_space<vmem_shared>>
        tpu.wait_indirect_dma semaphore(%run_scoped3A : memref<!tpu.dma_semaphore, #tpu.memory_space<semaphore_mem>>) src(%arg11 : memref<128x128xf32, #tpu.memory_space<vmem>>) dst(%dma_wait3A_186 : memref<10000x128xf32, #tpu.memory_space<vmem_shared>>)
        tpu.yield
      }) : () -> ()
      %add3A_153 = arith.constant 48 : i32
      %add3A_154 = arith.addi %add3A_143, %add3A_153 : i32
      %lt3A_155 = arith.constant 1250 : i32
      %lt3A_156 = arith.cmpi slt, %add3A_154, %lt3A_155 : i32
      %convert_element_type3A_157 = arith.extui %lt3A_156 : i1 to i32
      %cond3A_158 = arith.constant 0 : i32
      %cond3A_159 = arith.cmpi ne, %convert_element_type3A_157, %cond3A_158 : i32
      scf.if %cond3A_159 {
        %add3A_181 = arith.constant 48 : i32
        %add3A_182 = arith.addi %add3A_143, %add3A_181 : i32
        %mul3A_183 = arith.constant 128 : i32
        %mul3A_184 = arith.muli %add3A_182, %mul3A_183 : i32
        "tpu.region"() ({
          %run_scoped3A = tpu.sem_alloc : memref<!tpu.dma_semaphore, #tpu.memory_space<semaphore_mem>>
          %dma_start3A_262 = tpu.memref_slice %arg3[%mul3A_184] : memref<320000xi32, #tpu.memory_space<hbm>> -> memref<128xi32, #tpu.memory_space<hbm>>
          %dma_start3A_263 = tpu.memref_slice %arg3[%mul3A_184] : memref<320000xi32, #tpu.memory_space<hbm>> -> memref<128xi32, #tpu.memory_space<hbm>>
          tpu.enqueue_dma source(%dma_start3A_263 : memref<128xi32, #tpu.memory_space<hbm>>) target(%arg5 : memref<128xi32, #tpu.memory_space<vmem>>) target_semaphore(%run_scoped3A : memref<!tpu.dma_semaphore, #tpu.memory_space<semaphore_mem>>)
          %dma_wait3A_264 = tpu.memref_slice %arg3[%mul3A_184] : memref<320000xi32, #tpu.memory_space<hbm>> -> memref<128xi32, #tpu.memory_space<hbm>>
          %dma_wait3A_265 = tpu.memref_slice %arg3[%mul3A_184] : memref<320000xi32, #tpu.memory_space<hbm>> -> memref<128xi32, #tpu.memory_space<hbm>>
          tpu.wait_dma2 semaphore(%run_scoped3A : memref<!tpu.dma_semaphore, #tpu.memory_space<semaphore_mem>>) src(%dma_wait3A_265 : memref<128xi32, #tpu.memory_space<hbm>>) dst(%arg5 : memref<128xi32, #tpu.memory_space<vmem>>)
          tpu.yield
        }) : () -> ()
        %add3A_185 = arith.constant 160000 : i32
        %add3A_186 = arith.addi %add3A_185, %mul3A_184 : i32
        "tpu.region"() ({
          %run_scoped3A = tpu.sem_alloc : memref<!tpu.dma_semaphore, #tpu.memory_space<semaphore_mem>>
          %dma_start3A_262 = tpu.memref_slice %arg3[%add3A_186] : memref<320000xi32, #tpu.memory_space<hbm>> -> memref<128xi32, #tpu.memory_space<hbm>>
          %dma_start3A_263 = tpu.memref_slice %arg3[%add3A_186] : memref<320000xi32, #tpu.memory_space<hbm>> -> memref<128xi32, #tpu.memory_space<hbm>>
          tpu.enqueue_dma source(%dma_start3A_263 : memref<128xi32, #tpu.memory_space<hbm>>) target(%arg8 : memref<128xi32, #tpu.memory_space<vmem>>) target_semaphore(%run_scoped3A : memref<!tpu.dma_semaphore, #tpu.memory_space<semaphore_mem>>)
          %dma_wait3A_264 = tpu.memref_slice %arg3[%add3A_186] : memref<320000xi32, #tpu.memory_space<hbm>> -> memref<128xi32, #tpu.memory_space<hbm>>
          %dma_wait3A_265 = tpu.memref_slice %arg3[%add3A_186] : memref<320000xi32, #tpu.memory_space<hbm>> -> memref<128xi32, #tpu.memory_space<hbm>>
          tpu.wait_dma2 semaphore(%run_scoped3A : memref<!tpu.dma_semaphore, #tpu.memory_space<semaphore_mem>>) src(%dma_wait3A_265 : memref<128xi32, #tpu.memory_space<hbm>>) dst(%arg8 : memref<128xi32, #tpu.memory_space<vmem>>)
          tpu.yield
        }) : () -> ()
        %get3A_187 = arith.constant 0 : index
        %get3A_188 = tpu.vector_load %arg5[%get3A_187] {strides = array<i32>} : memref<128xi32, #tpu.memory_space<vmem>>, vector<16xi32>,
        %get3A_189 = vector.shape_cast %get3A_188 : vector<16xi32> to vector<16xi32>
        %add3A_190 = vector.broadcast %mul3A_21 : i32 to vector<16xi32>
        %add3A_191 = arith.addi %get3A_189, %add3A_190 : vector<16xi32>
        %swap3A_192 = arith.constant 0 : index
        %swap3A_193 = tpu.vector_load %arg5[%swap3A_192] {strides = array<i32>} : memref<128xi32, #tpu.memory_space<vmem>>, vector<16xi32>,
        %swap3A_194 = vector.shape_cast %swap3A_193 : vector<16xi32> to vector<16xi32>
        %swap3A_195 = vector.shape_cast %add3A_191 : vector<16xi32> to vector<16xi32>
        tpu.vector_store %arg5[%swap3A_192], %swap3A_195 {strides = array<i32>} : memref<128xi32, #tpu.memory_space<vmem>>, vector<16xi32>,
        %get3A_196 = arith.constant 16 : index
        %get3A_197 = tpu.vector_load %arg5[%get3A_196] {strides = array<i32>} : memref<128xi32, #tpu.memory_space<vmem>>, vector<16xi32>,
        %get3A_198 = vector.shape_cast %get3A_197 : vector<16xi32> to vector<16xi32>
        %add3A_199 = vector.broadcast %mul3A_21 : i32 to vector<16xi32>
        %add3A_200 = arith.addi %get3A_198, %add3A_199 : vector<16xi32>
        %swap3A_201 = arith.constant 16 : index
        %swap3A_202 = tpu.vector_load %arg5[%swap3A_201] {strides = array<i32>} : memref<128xi32, #tpu.memory_space<vmem>>, vector<16xi32>,
        %swap3A_203 = vector.shape_cast %swap3A_202 : vector<16xi32> to vector<16xi32>
        %swap3A_204 = vector.shape_cast %add3A_200 : vector<16xi32> to vector<16xi32>
        tpu.vector_store %arg5[%swap3A_201], %swap3A_204 {strides = array<i32>} : memref<128xi32, #tpu.memory_space<vmem>>, vector<16xi32>,
        %get3A_205 = arith.constant 32 : index
        %get3A_206 = tpu.vector_load %arg5[%get3A_205] {strides = array<i32>} : memref<128xi32, #tpu.memory_space<vmem>>, vector<16xi32>,
        %get3A_207 = vector.shape_cast %get3A_206 : vector<16xi32> to vector<16xi32>
        %add3A_208 = vector.broadcast %mul3A_21 : i32 to vector<16xi32>
        %add3A_209 = arith.addi %get3A_207, %add3A_208 : vector<16xi32>
        %swap3A_210 = arith.constant 32 : index
        %swap3A_211 = tpu.vector_load %arg5[%swap3A_210] {strides = array<i32>} : memref<128xi32, #tpu.memory_space<vmem>>, vector<16xi32>,
        %swap3A_212 = vector.shape_cast %swap3A_211 : vector<16xi32> to vector<16xi32>
        %swap3A_213 = vector.shape_cast %add3A_209 : vector<16xi32> to vector<16xi32>
        tpu.vector_store %arg5[%swap3A_210], %swap3A_213 {strides = array<i32>} : memref<128xi32, #tpu.memory_space<vmem>>, vector<16xi32>,
        %get3A_214 = arith.constant 48 : index
        %get3A_215 = tpu.vector_load %arg5[%get3A_214] {strides = array<i32>} : memref<128xi32, #tpu.memory_space<vmem>>, vector<16xi32>,
        %get3A_216 = vector.shape_cast %get3A_215 : vector<16xi32> to vector<16xi32>
        %add3A_217 = vector.broadcast %mul3A_21 : i32 to vector<16xi32>
        %add3A_218 = arith.addi %get3A_216, %add3A_217 : vector<16xi32>
        %swap3A_219 = arith.constant 48 : index
        %swap3A_220 = tpu.vector_load %arg5[%swap3A_219] {strides = array<i32>} : memref<128xi32, #tpu.memory_space<vmem>>, vector<16xi32>,
        %swap3A_221 = vector.shape_cast %swap3A_220 : vector<16xi32> to vector<16xi32>
        %swap3A_222 = vector.shape_cast %add3A_218 : vector<16xi32> to vector<16xi32>
        tpu.vector_store %arg5[%swap3A_219], %swap3A_222 {strides = array<i32>} : memref<128xi32, #tpu.memory_space<vmem>>, vector<16xi32>,
        %get3A_223 = arith.constant 64 : index
        %get3A_224 = tpu.vector_load %arg5[%get3A_223] {strides = array<i32>} : memref<128xi32, #tpu.memory_space<vmem>>, vector<16xi32>,
        %get3A_225 = vector.shape_cast %get3A_224 : vector<16xi32> to vector<16xi32>
        %add3A_226 = vector.broadcast %mul3A_21 : i32 to vector<16xi32>
        %add3A_227 = arith.addi %get3A_225, %add3A_226 : vector<16xi32>
        %swap3A_228 = arith.constant 64 : index
        %swap3A_229 = tpu.vector_load %arg5[%swap3A_228] {strides = array<i32>} : memref<128xi32, #tpu.memory_space<vmem>>, vector<16xi32>,
        %swap3A_230 = vector.shape_cast %swap3A_229 : vector<16xi32> to vector<16xi32>
        %swap3A_231 = vector.shape_cast %add3A_227 : vector<16xi32> to vector<16xi32>
        tpu.vector_store %arg5[%swap3A_228], %swap3A_231 {strides = array<i32>} : memref<128xi32, #tpu.memory_space<vmem>>, vector<16xi32>,
        %get3A_232 = arith.constant 80 : index
        %get3A_233 = tpu.vector_load %arg5[%get3A_232] {strides = array<i32>} : memref<128xi32, #tpu.memory_space<vmem>>, vector<16xi32>,
        %get3A_234 = vector.shape_cast %get3A_233 : vector<16xi32> to vector<16xi32>
        %add3A_235 = vector.broadcast %mul3A_21 : i32 to vector<16xi32>
        %add3A_236 = arith.addi %get3A_234, %add3A_235 : vector<16xi32>
        %swap3A_237 = arith.constant 80 : index
        %swap3A_238 = tpu.vector_load %arg5[%swap3A_237] {strides = array<i32>} : memref<128xi32, #tpu.memory_space<vmem>>, vector<16xi32>,
        %swap3A_239 = vector.shape_cast %swap3A_238 : vector<16xi32> to vector<16xi32>
        %swap3A_240 = vector.shape_cast %add3A_236 : vector<16xi32> to vector<16xi32>
        tpu.vector_store %arg5[%swap3A_237], %swap3A_240 {strides = array<i32>} : memref<128xi32, #tpu.memory_space<vmem>>, vector<16xi32>,
        %get3A_241 = arith.constant 96 : index
        %get3A_242 = tpu.vector_load %arg5[%get3A_241] {strides = array<i32>} : memref<128xi32, #tpu.memory_space<vmem>>, vector<16xi32>,
        %get3A_243 = vector.shape_cast %get3A_242 : vector<16xi32> to vector<16xi32>
        %add3A_244 = vector.broadcast %mul3A_21 : i32 to vector<16xi32>
        %add3A_245 = arith.addi %get3A_243, %add3A_244 : vector<16xi32>
        %swap3A_246 = arith.constant 96 : index
        %swap3A_247 = tpu.vector_load %arg5[%swap3A_246] {strides = array<i32>} : memref<128xi32, #tpu.memory_space<vmem>>, vector<16xi32>,
        %swap3A_248 = vector.shape_cast %swap3A_247 : vector<16xi32> to vector<16xi32>
        %swap3A_249 = vector.shape_cast %add3A_245 : vector<16xi32> to vector<16xi32>
        tpu.vector_store %arg5[%swap3A_246], %swap3A_249 {strides = array<i32>} : memref<128xi32, #tpu.memory_space<vmem>>, vector<16xi32>,
        %get3A_250 = arith.constant 112 : index
        %get3A_251 = tpu.vector_load %arg5[%get3A_250] {strides = array<i32>} : memref<128xi32, #tpu.memory_space<vmem>>, vector<16xi32>,
        %get3A_252 = vector.shape_cast %get3A_251 : vector<16xi32> to vector<16xi32>
        %add3A_253 = vector.broadcast %mul3A_21 : i32 to vector<16xi32>
        %add3A_254 = arith.addi %get3A_252, %add3A_253 : vector<16xi32>
        %swap3A_255 = arith.constant 112 : index
        %swap3A_256 = tpu.vector_load %arg5[%swap3A_255] {strides = array<i32>} : memref<128xi32, #tpu.memory_space<vmem>>, vector<16xi32>,
        %swap3A_257 = vector.shape_cast %swap3A_256 : vector<16xi32> to vector<16xi32>
        %swap3A_258 = vector.shape_cast %add3A_254 : vector<16xi32> to vector<16xi32>
        tpu.vector_store %arg5[%swap3A_255], %swap3A_258 {strides = array<i32>} : memref<128xi32, #tpu.memory_space<vmem>>, vector<16xi32>,
        %dma_start3A_259 = arith.constant 0 : i32
        %dma_start3A_260 = arith.constant 0 : i32
        %dma_start3A_261 = tpu.memref_slice %arg2[%dma_start3A_259, %dma_start3A_260] : memref<20000x128xf32, #tpu.memory_space<hbm>> -> memref<20000x128xf32, #tpu.memory_space<hbm>>
        tpu.enqueue_indirect_dma source(%dma_start3A_261 : memref<20000x128xf32, #tpu.memory_space<hbm>>) target(%arg11 : memref<128x128xf32, #tpu.memory_space<vmem>>) offsets(%arg5 : memref<128xi32, #tpu.memory_space<vmem>>) semaphore(%arg15 : memref<!tpu.dma_semaphore, #tpu.memory_space<semaphore_mem>>)
      } else {
      }
      %add3A_160 = arith.constant 16 : i32
      %add3A_161 = arith.addi %add3A_143, %add3A_160 : i32
      %lt3A_162 = arith.constant 1250 : i32
      %lt3A_163 = arith.cmpi slt, %add3A_161, %lt3A_162 : i32
      %convert_element_type3A_164 = arith.extui %lt3A_163 : i1 to i32
      %cond3A_165 = arith.constant 0 : i32
      %cond3A_166 = arith.cmpi ne, %convert_element_type3A_164, %cond3A_165 : i32
      scf.if %cond3A_166 {
        %dma_wait3A_181 = arith.constant 0 : i32
        %dma_wait3A_182 = arith.constant 0 : i32
        %dma_wait3A_183 = tpu.memref_slice %arg2[%dma_wait3A_181, %dma_wait3A_182] : memref<20000x128xf32, #tpu.memory_space<hbm>> -> memref<20000x128xf32, #tpu.memory_space<hbm>>
        tpu.wait_indirect_dma semaphore(%arg16 : memref<!tpu.dma_semaphore, #tpu.memory_space<semaphore_mem>>) src(%dma_wait3A_183 : memref<20000x128xf32, #tpu.memory_space<hbm>>) dst(%arg12 : memref<128x128xf32, #tpu.memory_space<vmem>>)
        "tpu.region"() ({
          %run_scoped3A = tpu.sem_alloc : memref<!tpu.dma_semaphore, #tpu.memory_space<semaphore_mem>>
          %dma_start3A_184 = arith.constant 0 : i32
          %dma_start3A_185 = arith.constant 0 : i32
          %dma_start3A_186 = tpu.memref_slice %arg14[%dma_start3A_184, %dma_start3A_185] : memref<10000x128xf32, #tpu.memory_space<vmem_shared>> -> memref<10000x128xf32, #tpu.memory_space<vmem_shared>>
          tpu.enqueue_indirect_dma source(%arg12 : memref<128x128xf32, #tpu.memory_space<vmem>>) target(%dma_start3A_186 : memref<10000x128xf32, #tpu.memory_space<vmem_shared>>) offsets(%arg9 : memref<128xi32, #tpu.memory_space<vmem>>) semaphore(%run_scoped3A : memref<!tpu.dma_semaphore, #tpu.memory_space<semaphore_mem>>) {add = true}
          %dma_wait3A_187 = arith.constant 0 : i32
          %dma_wait3A_188 = arith.constant 0 : i32
          %dma_wait3A_189 = tpu.memref_slice %arg14[%dma_wait3A_187, %dma_wait3A_188] : memref<10000x128xf32, #tpu.memory_space<vmem_shared>> -> memref<10000x128xf32, #tpu.memory_space<vmem_shared>>
          tpu.wait_indirect_dma semaphore(%run_scoped3A : memref<!tpu.dma_semaphore, #tpu.memory_space<semaphore_mem>>) src(%arg12 : memref<128x128xf32, #tpu.memory_space<vmem>>) dst(%dma_wait3A_189 : memref<10000x128xf32, #tpu.memory_space<vmem_shared>>)
          tpu.yield
        }) : () -> ()
      } else {
      }
      %add3A_167 = arith.constant 64 : i32
      %add3A_168 = arith.addi %add3A_143, %add3A_167 : i32
      %lt3A_169 = arith.constant 1250 : i32
      %lt3A_170 = arith.cmpi slt, %add3A_168, %lt3A_169 : i32
      %convert_element_type3A_171 = arith.extui %lt3A_170 : i1 to i32
      %cond3A_172 = arith.constant 0 : i32
      %cond3A_173 = arith.cmpi ne, %convert_element_type3A_171, %cond3A_172 : i32
      scf.if %cond3A_173 {
        %add3A_181 = arith.constant 64 : i32
        %add3A_182 = arith.addi %add3A_143, %add3A_181 : i32
        %mul3A_183 = arith.constant 128 : i32
        %mul3A_184 = arith.muli %add3A_182, %mul3A_183 : i32
        "tpu.region"() ({
          %run_scoped3A = tpu.sem_alloc : memref<!tpu.dma_semaphore, #tpu.memory_space<semaphore_mem>>
          %dma_start3A_262 = tpu.memref_slice %arg3[%mul3A_184] : memref<320000xi32, #tpu.memory_space<hbm>> -> memref<128xi32, #tpu.memory_space<hbm>>
          %dma_start3A_263 = tpu.memref_slice %arg3[%mul3A_184] : memref<320000xi32, #tpu.memory_space<hbm>> -> memref<128xi32, #tpu.memory_space<hbm>>
          tpu.enqueue_dma source(%dma_start3A_263 : memref<128xi32, #tpu.memory_space<hbm>>) target(%arg6 : memref<128xi32, #tpu.memory_space<vmem>>) target_semaphore(%run_scoped3A : memref<!tpu.dma_semaphore, #tpu.memory_space<semaphore_mem>>)
          %dma_wait3A_264 = tpu.memref_slice %arg3[%mul3A_184] : memref<320000xi32, #tpu.memory_space<hbm>> -> memref<128xi32, #tpu.memory_space<hbm>>
          %dma_wait3A_265 = tpu.memref_slice %arg3[%mul3A_184] : memref<320000xi32, #tpu.memory_space<hbm>> -> memref<128xi32, #tpu.memory_space<hbm>>
          tpu.wait_dma2 semaphore(%run_scoped3A : memref<!tpu.dma_semaphore, #tpu.memory_space<semaphore_mem>>) src(%dma_wait3A_265 : memref<128xi32, #tpu.memory_space<hbm>>) dst(%arg6 : memref<128xi32, #tpu.memory_space<vmem>>)
          tpu.yield
        }) : () -> ()
        %add3A_185 = arith.constant 160000 : i32
        %add3A_186 = arith.addi %add3A_185, %mul3A_184 : i32
        "tpu.region"() ({
          %run_scoped3A = tpu.sem_alloc : memref<!tpu.dma_semaphore, #tpu.memory_space<semaphore_mem>>
          %dma_start3A_262 = tpu.memref_slice %arg3[%add3A_186] : memref<320000xi32, #tpu.memory_space<hbm>> -> memref<128xi32, #tpu.memory_space<hbm>>
          %dma_start3A_263 = tpu.memref_slice %arg3[%add3A_186] : memref<320000xi32, #tpu.memory_space<hbm>> -> memref<128xi32, #tpu.memory_space<hbm>>
          tpu.enqueue_dma source(%dma_start3A_263 : memref<128xi32, #tpu.memory_space<hbm>>) target(%arg9 : memref<128xi32, #tpu.memory_space<vmem>>) target_semaphore(%run_scoped3A : memref<!tpu.dma_semaphore, #tpu.memory_space<semaphore_mem>>)
          %dma_wait3A_264 = tpu.memref_slice %arg3[%add3A_186] : memref<320000xi32, #tpu.memory_space<hbm>> -> memref<128xi32, #tpu.memory_space<hbm>>
          %dma_wait3A_265 = tpu.memref_slice %arg3[%add3A_186] : memref<320000xi32, #tpu.memory_space<hbm>> -> memref<128xi32, #tpu.memory_space<hbm>>
          tpu.wait_dma2 semaphore(%run_scoped3A : memref<!tpu.dma_semaphore, #tpu.memory_space<semaphore_mem>>) src(%dma_wait3A_265 : memref<128xi32, #tpu.memory_space<hbm>>) dst(%arg9 : memref<128xi32, #tpu.memory_space<vmem>>)
          tpu.yield
        }) : () -> ()
        %get3A_187 = arith.constant 0 : index
        %get3A_188 = tpu.vector_load %arg6[%get3A_187] {strides = array<i32>} : memref<128xi32, #tpu.memory_space<vmem>>, vector<16xi32>,
        %get3A_189 = vector.shape_cast %get3A_188 : vector<16xi32> to vector<16xi32>
        %add3A_190 = vector.broadcast %mul3A_21 : i32 to vector<16xi32>
        %add3A_191 = arith.addi %get3A_189, %add3A_190 : vector<16xi32>
        %swap3A_192 = arith.constant 0 : index
        %swap3A_193 = tpu.vector_load %arg6[%swap3A_192] {strides = array<i32>} : memref<128xi32, #tpu.memory_space<vmem>>, vector<16xi32>,
        %swap3A_194 = vector.shape_cast %swap3A_193 : vector<16xi32> to vector<16xi32>
        %swap3A_195 = vector.shape_cast %add3A_191 : vector<16xi32> to vector<16xi32>
        tpu.vector_store %arg6[%swap3A_192], %swap3A_195 {strides = array<i32>} : memref<128xi32, #tpu.memory_space<vmem>>, vector<16xi32>,
        %get3A_196 = arith.constant 16 : index
        %get3A_197 = tpu.vector_load %arg6[%get3A_196] {strides = array<i32>} : memref<128xi32, #tpu.memory_space<vmem>>, vector<16xi32>,
        %get3A_198 = vector.shape_cast %get3A_197 : vector<16xi32> to vector<16xi32>
        %add3A_199 = vector.broadcast %mul3A_21 : i32 to vector<16xi32>
        %add3A_200 = arith.addi %get3A_198, %add3A_199 : vector<16xi32>
        %swap3A_201 = arith.constant 16 : index
        %swap3A_202 = tpu.vector_load %arg6[%swap3A_201] {strides = array<i32>} : memref<128xi32, #tpu.memory_space<vmem>>, vector<16xi32>,
        %swap3A_203 = vector.shape_cast %swap3A_202 : vector<16xi32> to vector<16xi32>
        %swap3A_204 = vector.shape_cast %add3A_200 : vector<16xi32> to vector<16xi32>
        tpu.vector_store %arg6[%swap3A_201], %swap3A_204 {strides = array<i32>} : memref<128xi32, #tpu.memory_space<vmem>>, vector<16xi32>,
        %get3A_205 = arith.constant 32 : index
        %get3A_206 = tpu.vector_load %arg6[%get3A_205] {strides = array<i32>} : memref<128xi32, #tpu.memory_space<vmem>>, vector<16xi32>,
        %get3A_207 = vector.shape_cast %get3A_206 : vector<16xi32> to vector<16xi32>
        %add3A_208 = vector.broadcast %mul3A_21 : i32 to vector<16xi32>
        %add3A_209 = arith.addi %get3A_207, %add3A_208 : vector<16xi32>
        %swap3A_210 = arith.constant 32 : index
        %swap3A_211 = tpu.vector_load %arg6[%swap3A_210] {strides = array<i32>} : memref<128xi32, #tpu.memory_space<vmem>>, vector<16xi32>,
        %swap3A_212 = vector.shape_cast %swap3A_211 : vector<16xi32> to vector<16xi32>
        %swap3A_213 = vector.shape_cast %add3A_209 : vector<16xi32> to vector<16xi32>
        tpu.vector_store %arg6[%swap3A_210], %swap3A_213 {strides = array<i32>} : memref<128xi32, #tpu.memory_space<vmem>>, vector<16xi32>,
        %get3A_214 = arith.constant 48 : index
        %get3A_215 = tpu.vector_load %arg6[%get3A_214] {strides = array<i32>} : memref<128xi32, #tpu.memory_space<vmem>>, vector<16xi32>,
        %get3A_216 = vector.shape_cast %get3A_215 : vector<16xi32> to vector<16xi32>
        %add3A_217 = vector.broadcast %mul3A_21 : i32 to vector<16xi32>
        %add3A_218 = arith.addi %get3A_216, %add3A_217 : vector<16xi32>
        %swap3A_219 = arith.constant 48 : index
        %swap3A_220 = tpu.vector_load %arg6[%swap3A_219] {strides = array<i32>} : memref<128xi32, #tpu.memory_space<vmem>>, vector<16xi32>,
        %swap3A_221 = vector.shape_cast %swap3A_220 : vector<16xi32> to vector<16xi32>
        %swap3A_222 = vector.shape_cast %add3A_218 : vector<16xi32> to vector<16xi32>
        tpu.vector_store %arg6[%swap3A_219], %swap3A_222 {strides = array<i32>} : memref<128xi32, #tpu.memory_space<vmem>>, vector<16xi32>,
        %get3A_223 = arith.constant 64 : index
        %get3A_224 = tpu.vector_load %arg6[%get3A_223] {strides = array<i32>} : memref<128xi32, #tpu.memory_space<vmem>>, vector<16xi32>,
        %get3A_225 = vector.shape_cast %get3A_224 : vector<16xi32> to vector<16xi32>
        %add3A_226 = vector.broadcast %mul3A_21 : i32 to vector<16xi32>
        %add3A_227 = arith.addi %get3A_225, %add3A_226 : vector<16xi32>
        %swap3A_228 = arith.constant 64 : index
        %swap3A_229 = tpu.vector_load %arg6[%swap3A_228] {strides = array<i32>} : memref<128xi32, #tpu.memory_space<vmem>>, vector<16xi32>,
        %swap3A_230 = vector.shape_cast %swap3A_229 : vector<16xi32> to vector<16xi32>
        %swap3A_231 = vector.shape_cast %add3A_227 : vector<16xi32> to vector<16xi32>
        tpu.vector_store %arg6[%swap3A_228], %swap3A_231 {strides = array<i32>} : memref<128xi32, #tpu.memory_space<vmem>>, vector<16xi32>,
        %get3A_232 = arith.constant 80 : index
        %get3A_233 = tpu.vector_load %arg6[%get3A_232] {strides = array<i32>} : memref<128xi32, #tpu.memory_space<vmem>>, vector<16xi32>,
        %get3A_234 = vector.shape_cast %get3A_233 : vector<16xi32> to vector<16xi32>
        %add3A_235 = vector.broadcast %mul3A_21 : i32 to vector<16xi32>
        %add3A_236 = arith.addi %get3A_234, %add3A_235 : vector<16xi32>
        %swap3A_237 = arith.constant 80 : index
        %swap3A_238 = tpu.vector_load %arg6[%swap3A_237] {strides = array<i32>} : memref<128xi32, #tpu.memory_space<vmem>>, vector<16xi32>,
        %swap3A_239 = vector.shape_cast %swap3A_238 : vector<16xi32> to vector<16xi32>
        %swap3A_240 = vector.shape_cast %add3A_236 : vector<16xi32> to vector<16xi32>
        tpu.vector_store %arg6[%swap3A_237], %swap3A_240 {strides = array<i32>} : memref<128xi32, #tpu.memory_space<vmem>>, vector<16xi32>,
        %get3A_241 = arith.constant 96 : index
        %get3A_242 = tpu.vector_load %arg6[%get3A_241] {strides = array<i32>} : memref<128xi32, #tpu.memory_space<vmem>>, vector<16xi32>,
        %get3A_243 = vector.shape_cast %get3A_242 : vector<16xi32> to vector<16xi32>
        %add3A_244 = vector.broadcast %mul3A_21 : i32 to vector<16xi32>
        %add3A_245 = arith.addi %get3A_243, %add3A_244 : vector<16xi32>
        %swap3A_246 = arith.constant 96 : index
        %swap3A_247 = tpu.vector_load %arg6[%swap3A_246] {strides = array<i32>} : memref<128xi32, #tpu.memory_space<vmem>>, vector<16xi32>,
        %swap3A_248 = vector.shape_cast %swap3A_247 : vector<16xi32> to vector<16xi32>
        %swap3A_249 = vector.shape_cast %add3A_245 : vector<16xi32> to vector<16xi32>
        tpu.vector_store %arg6[%swap3A_246], %swap3A_249 {strides = array<i32>} : memref<128xi32, #tpu.memory_space<vmem>>, vector<16xi32>,
        %get3A_250 = arith.constant 112 : index
        %get3A_251 = tpu.vector_load %arg6[%get3A_250] {strides = array<i32>} : memref<128xi32, #tpu.memory_space<vmem>>, vector<16xi32>,
        %get3A_252 = vector.shape_cast %get3A_251 : vector<16xi32> to vector<16xi32>
        %add3A_253 = vector.broadcast %mul3A_21 : i32 to vector<16xi32>
        %add3A_254 = arith.addi %get3A_252, %add3A_253 : vector<16xi32>
        %swap3A_255 = arith.constant 112 : index
        %swap3A_256 = tpu.vector_load %arg6[%swap3A_255] {strides = array<i32>} : memref<128xi32, #tpu.memory_space<vmem>>, vector<16xi32>,
        %swap3A_257 = vector.shape_cast %swap3A_256 : vector<16xi32> to vector<16xi32>
        %swap3A_258 = vector.shape_cast %add3A_254 : vector<16xi32> to vector<16xi32>
        tpu.vector_store %arg6[%swap3A_255], %swap3A_258 {strides = array<i32>} : memref<128xi32, #tpu.memory_space<vmem>>, vector<16xi32>,
        %dma_start3A_259 = arith.constant 0 : i32
        %dma_start3A_260 = arith.constant 0 : i32
        %dma_start3A_261 = tpu.memref_slice %arg2[%dma_start3A_259, %dma_start3A_260] : memref<20000x128xf32, #tpu.memory_space<hbm>> -> memref<20000x128xf32, #tpu.memory_space<hbm>>
        tpu.enqueue_indirect_dma source(%dma_start3A_261 : memref<20000x128xf32, #tpu.memory_space<hbm>>) target(%arg12 : memref<128x128xf32, #tpu.memory_space<vmem>>) offsets(%arg6 : memref<128xi32, #tpu.memory_space<vmem>>) semaphore(%arg16 : memref<!tpu.dma_semaphore, #tpu.memory_space<semaphore_mem>>)
      } else {
      }
      %add3A_174 = arith.constant 32 : i32
      %add3A_175 = arith.addi %add3A_143, %add3A_174 : i32
      %lt3A_176 = arith.constant 1250 : i32
      %lt3A_177 = arith.cmpi slt, %add3A_175, %lt3A_176 : i32
      %convert_element_type3A_178 = arith.extui %lt3A_177 : i1 to i32
      %cond3A_179 = arith.constant 0 : i32
      %cond3A_180 = arith.cmpi ne, %convert_element_type3A_178, %cond3A_179 : i32
      scf.if %cond3A_180 {
        %dma_wait3A_181 = arith.constant 0 : i32
        %dma_wait3A_182 = arith.constant 0 : i32
        %dma_wait3A_183 = tpu.memref_slice %arg2[%dma_wait3A_181, %dma_wait3A_182] : memref<20000x128xf32, #tpu.memory_space<hbm>> -> memref<20000x128xf32, #tpu.memory_space<hbm>>
        tpu.wait_indirect_dma semaphore(%arg17 : memref<!tpu.dma_semaphore, #tpu.memory_space<semaphore_mem>>) src(%dma_wait3A_183 : memref<20000x128xf32, #tpu.memory_space<hbm>>) dst(%arg13 : memref<128x128xf32, #tpu.memory_space<vmem>>)
        "tpu.region"() ({
          %run_scoped3A = tpu.sem_alloc : memref<!tpu.dma_semaphore, #tpu.memory_space<semaphore_mem>>
          %dma_start3A_184 = arith.constant 0 : i32
          %dma_start3A_185 = arith.constant 0 : i32
          %dma_start3A_186 = tpu.memref_slice %arg14[%dma_start3A_184, %dma_start3A_185] : memref<10000x128xf32, #tpu.memory_space<vmem_shared>> -> memref<10000x128xf32, #tpu.memory_space<vmem_shared>>
          tpu.enqueue_indirect_dma source(%arg13 : memref<128x128xf32, #tpu.memory_space<vmem>>) target(%dma_start3A_186 : memref<10000x128xf32, #tpu.memory_space<vmem_shared>>) offsets(%arg10 : memref<128xi32, #tpu.memory_space<vmem>>) semaphore(%run_scoped3A : memref<!tpu.dma_semaphore, #tpu.memory_space<semaphore_mem>>) {add = true}
          %dma_wait3A_187 = arith.constant 0 : i32
          %dma_wait3A_188 = arith.constant 0 : i32
          %dma_wait3A_189 = tpu.memref_slice %arg14[%dma_wait3A_187, %dma_wait3A_188] : memref<10000x128xf32, #tpu.memory_space<vmem_shared>> -> memref<10000x128xf32, #tpu.memory_space<vmem_shared>>
          tpu.wait_indirect_dma semaphore(%run_scoped3A : memref<!tpu.dma_semaphore, #tpu.memory_space<semaphore_mem>>) src(%arg13 : memref<128x128xf32, #tpu.memory_space<vmem>>) dst(%dma_wait3A_189 : memref<10000x128xf32, #tpu.memory_space<vmem_shared>>)
          tpu.yield
        }) : () -> ()
      } else {
      }
    }
    %while3A_119 = arith.constant 1 : i32
    scf.for %while3A_141 = %while3A_117 to %while3A_113 step %while3A_119  : i32 {
      %mul3A_142 = arith.muli %while3A_141, %while3A_110 : i32
      %add3A_143 = arith.addi %arg1, %mul3A_142 : i32
      %add3A_144 = arith.constant 32 : i32
      %add3A_145 = arith.addi %add3A_143, %add3A_144 : i32
      %lt3A_146 = arith.constant 1250 : i32
      %lt3A_147 = arith.cmpi slt, %add3A_145, %lt3A_146 : i32
      %convert_element_type3A_148 = arith.extui %lt3A_147 : i1 to i32
      %cond3A_149 = arith.constant 0 : i32
      %cond3A_150 = arith.cmpi ne, %convert_element_type3A_148, %cond3A_149 : i32
      scf.if %cond3A_150 {
        %add3A_181 = arith.constant 32 : i32
        %add3A_182 = arith.addi %add3A_143, %add3A_181 : i32
        %mul3A_183 = arith.constant 128 : i32
        %mul3A_184 = arith.muli %add3A_182, %mul3A_183 : i32
        "tpu.region"() ({
          %run_scoped3A = tpu.sem_alloc : memref<!tpu.dma_semaphore, #tpu.memory_space<semaphore_mem>>
          %dma_start3A_262 = tpu.memref_slice %arg3[%mul3A_184] : memref<320000xi32, #tpu.memory_space<hbm>> -> memref<128xi32, #tpu.memory_space<hbm>>
          %dma_start3A_263 = tpu.memref_slice %arg3[%mul3A_184] : memref<320000xi32, #tpu.memory_space<hbm>> -> memref<128xi32, #tpu.memory_space<hbm>>
          tpu.enqueue_dma source(%dma_start3A_263 : memref<128xi32, #tpu.memory_space<hbm>>) target(%arg7 : memref<128xi32, #tpu.memory_space<vmem>>) target_semaphore(%run_scoped3A : memref<!tpu.dma_semaphore, #tpu.memory_space<semaphore_mem>>)
          %dma_wait3A_264 = tpu.memref_slice %arg3[%mul3A_184] : memref<320000xi32, #tpu.memory_space<hbm>> -> memref<128xi32, #tpu.memory_space<hbm>>
          %dma_wait3A_265 = tpu.memref_slice %arg3[%mul3A_184] : memref<320000xi32, #tpu.memory_space<hbm>> -> memref<128xi32, #tpu.memory_space<hbm>>
          tpu.wait_dma2 semaphore(%run_scoped3A : memref<!tpu.dma_semaphore, #tpu.memory_space<semaphore_mem>>) src(%dma_wait3A_265 : memref<128xi32, #tpu.memory_space<hbm>>) dst(%arg7 : memref<128xi32, #tpu.memory_space<vmem>>)
          tpu.yield
        }) : () -> ()
        %add3A_185 = arith.constant 160000 : i32
        %add3A_186 = arith.addi %add3A_185, %mul3A_184 : i32
        "tpu.region"() ({
          %run_scoped3A = tpu.sem_alloc : memref<!tpu.dma_semaphore, #tpu.memory_space<semaphore_mem>>
          %dma_start3A_262 = tpu.memref_slice %arg3[%add3A_186] : memref<320000xi32, #tpu.memory_space<hbm>> -> memref<128xi32, #tpu.memory_space<hbm>>
          %dma_start3A_263 = tpu.memref_slice %arg3[%add3A_186] : memref<320000xi32, #tpu.memory_space<hbm>> -> memref<128xi32, #tpu.memory_space<hbm>>
          tpu.enqueue_dma source(%dma_start3A_263 : memref<128xi32, #tpu.memory_space<hbm>>) target(%arg10 : memref<128xi32, #tpu.memory_space<vmem>>) target_semaphore(%run_scoped3A : memref<!tpu.dma_semaphore, #tpu.memory_space<semaphore_mem>>)
          %dma_wait3A_264 = tpu.memref_slice %arg3[%add3A_186] : memref<320000xi32, #tpu.memory_space<hbm>> -> memref<128xi32, #tpu.memory_space<hbm>>
          %dma_wait3A_265 = tpu.memref_slice %arg3[%add3A_186] : memref<320000xi32, #tpu.memory_space<hbm>> -> memref<128xi32, #tpu.memory_space<hbm>>
          tpu.wait_dma2 semaphore(%run_scoped3A : memref<!tpu.dma_semaphore, #tpu.memory_space<semaphore_mem>>) src(%dma_wait3A_265 : memref<128xi32, #tpu.memory_space<hbm>>) dst(%arg10 : memref<128xi32, #tpu.memory_space<vmem>>)
          tpu.yield
        }) : () -> ()
        %get3A_187 = arith.constant 0 : index
        %get3A_188 = tpu.vector_load %arg7[%get3A_187] {strides = array<i32>} : memref<128xi32, #tpu.memory_space<vmem>>, vector<16xi32>,
        %get3A_189 = vector.shape_cast %get3A_188 : vector<16xi32> to vector<16xi32>
        %add3A_190 = vector.broadcast %mul3A_21 : i32 to vector<16xi32>
        %add3A_191 = arith.addi %get3A_189, %add3A_190 : vector<16xi32>
        %swap3A_192 = arith.constant 0 : index
        %swap3A_193 = tpu.vector_load %arg7[%swap3A_192] {strides = array<i32>} : memref<128xi32, #tpu.memory_space<vmem>>, vector<16xi32>,
        %swap3A_194 = vector.shape_cast %swap3A_193 : vector<16xi32> to vector<16xi32>
        %swap3A_195 = vector.shape_cast %add3A_191 : vector<16xi32> to vector<16xi32>
        tpu.vector_store %arg7[%swap3A_192], %swap3A_195 {strides = array<i32>} : memref<128xi32, #tpu.memory_space<vmem>>, vector<16xi32>,
        %get3A_196 = arith.constant 16 : index
        %get3A_197 = tpu.vector_load %arg7[%get3A_196] {strides = array<i32>} : memref<128xi32, #tpu.memory_space<vmem>>, vector<16xi32>,
        %get3A_198 = vector.shape_cast %get3A_197 : vector<16xi32> to vector<16xi32>
        %add3A_199 = vector.broadcast %mul3A_21 : i32 to vector<16xi32>
        %add3A_200 = arith.addi %get3A_198, %add3A_199 : vector<16xi32>
        %swap3A_201 = arith.constant 16 : index
        %swap3A_202 = tpu.vector_load %arg7[%swap3A_201] {strides = array<i32>} : memref<128xi32, #tpu.memory_space<vmem>>, vector<16xi32>,
        %swap3A_203 = vector.shape_cast %swap3A_202 : vector<16xi32> to vector<16xi32>
        %swap3A_204 = vector.shape_cast %add3A_200 : vector<16xi32> to vector<16xi32>
        tpu.vector_store %arg7[%swap3A_201], %swap3A_204 {strides = array<i32>} : memref<128xi32, #tpu.memory_space<vmem>>, vector<16xi32>,
        %get3A_205 = arith.constant 32 : index
        %get3A_206 = tpu.vector_load %arg7[%get3A_205] {strides = array<i32>} : memref<128xi32, #tpu.memory_space<vmem>>, vector<16xi32>,
        %get3A_207 = vector.shape_cast %get3A_206 : vector<16xi32> to vector<16xi32>
        %add3A_208 = vector.broadcast %mul3A_21 : i32 to vector<16xi32>
        %add3A_209 = arith.addi %get3A_207, %add3A_208 : vector<16xi32>
        %swap3A_210 = arith.constant 32 : index
        %swap3A_211 = tpu.vector_load %arg7[%swap3A_210] {strides = array<i32>} : memref<128xi32, #tpu.memory_space<vmem>>, vector<16xi32>,
        %swap3A_212 = vector.shape_cast %swap3A_211 : vector<16xi32> to vector<16xi32>
        %swap3A_213 = vector.shape_cast %add3A_209 : vector<16xi32> to vector<16xi32>
        tpu.vector_store %arg7[%swap3A_210], %swap3A_213 {strides = array<i32>} : memref<128xi32, #tpu.memory_space<vmem>>, vector<16xi32>,
        %get3A_214 = arith.constant 48 : index
        %get3A_215 = tpu.vector_load %arg7[%get3A_214] {strides = array<i32>} : memref<128xi32, #tpu.memory_space<vmem>>, vector<16xi32>,
        %get3A_216 = vector.shape_cast %get3A_215 : vector<16xi32> to vector<16xi32>
        %add3A_217 = vector.broadcast %mul3A_21 : i32 to vector<16xi32>
        %add3A_218 = arith.addi %get3A_216, %add3A_217 : vector<16xi32>
        %swap3A_219 = arith.constant 48 : index
        %swap3A_220 = tpu.vector_load %arg7[%swap3A_219] {strides = array<i32>} : memref<128xi32, #tpu.memory_space<vmem>>, vector<16xi32>,
        %swap3A_221 = vector.shape_cast %swap3A_220 : vector<16xi32> to vector<16xi32>
        %swap3A_222 = vector.shape_cast %add3A_218 : vector<16xi32> to vector<16xi32>
        tpu.vector_store %arg7[%swap3A_219], %swap3A_222 {strides = array<i32>} : memref<128xi32, #tpu.memory_space<vmem>>, vector<16xi32>,
        %get3A_223 = arith.constant 64 : index
        %get3A_224 = tpu.vector_load %arg7[%get3A_223] {strides = array<i32>} : memref<128xi32, #tpu.memory_space<vmem>>, vector<16xi32>,
        %get3A_225 = vector.shape_cast %get3A_224 : vector<16xi32> to vector<16xi32>
        %add3A_226 = vector.broadcast %mul3A_21 : i32 to vector<16xi32>
        %add3A_227 = arith.addi %get3A_225, %add3A_226 : vector<16xi32>
        %swap3A_228 = arith.constant 64 : index
        %swap3A_229 = tpu.vector_load %arg7[%swap3A_228] {strides = array<i32>} : memref<128xi32, #tpu.memory_space<vmem>>, vector<16xi32>,
        %swap3A_230 = vector.shape_cast %swap3A_229 : vector<16xi32> to vector<16xi32>
        %swap3A_231 = vector.shape_cast %add3A_227 : vector<16xi32> to vector<16xi32>
        tpu.vector_store %arg7[%swap3A_228], %swap3A_231 {strides = array<i32>} : memref<128xi32, #tpu.memory_space<vmem>>, vector<16xi32>,
        %get3A_232 = arith.constant 80 : index
        %get3A_233 = tpu.vector_load %arg7[%get3A_232] {strides = array<i32>} : memref<128xi32, #tpu.memory_space<vmem>>, vector<16xi32>,
        %get3A_234 = vector.shape_cast %get3A_233 : vector<16xi32> to vector<16xi32>
        %add3A_235 = vector.broadcast %mul3A_21 : i32 to vector<16xi32>
        %add3A_236 = arith.addi %get3A_234, %add3A_235 : vector<16xi32>
        %swap3A_237 = arith.constant 80 : index
        %swap3A_238 = tpu.vector_load %arg7[%swap3A_237] {strides = array<i32>} : memref<128xi32, #tpu.memory_space<vmem>>, vector<16xi32>,
        %swap3A_239 = vector.shape_cast %swap3A_238 : vector<16xi32> to vector<16xi32>
        %swap3A_240 = vector.shape_cast %add3A_236 : vector<16xi32> to vector<16xi32>
        tpu.vector_store %arg7[%swap3A_237], %swap3A_240 {strides = array<i32>} : memref<128xi32, #tpu.memory_space<vmem>>, vector<16xi32>,
        %get3A_241 = arith.constant 96 : index
        %get3A_242 = tpu.vector_load %arg7[%get3A_241] {strides = array<i32>} : memref<128xi32, #tpu.memory_space<vmem>>, vector<16xi32>,
        %get3A_243 = vector.shape_cast %get3A_242 : vector<16xi32> to vector<16xi32>
        %add3A_244 = vector.broadcast %mul3A_21 : i32 to vector<16xi32>
        %add3A_245 = arith.addi %get3A_243, %add3A_244 : vector<16xi32>
        %swap3A_246 = arith.constant 96 : index
        %swap3A_247 = tpu.vector_load %arg7[%swap3A_246] {strides = array<i32>} : memref<128xi32, #tpu.memory_space<vmem>>, vector<16xi32>,
        %swap3A_248 = vector.shape_cast %swap3A_247 : vector<16xi32> to vector<16xi32>
        %swap3A_249 = vector.shape_cast %add3A_245 : vector<16xi32> to vector<16xi32>
        tpu.vector_store %arg7[%swap3A_246], %swap3A_249 {strides = array<i32>} : memref<128xi32, #tpu.memory_space<vmem>>, vector<16xi32>,
        %get3A_250 = arith.constant 112 : index
        %get3A_251 = tpu.vector_load %arg7[%get3A_250] {strides = array<i32>} : memref<128xi32, #tpu.memory_space<vmem>>, vector<16xi32>,
        %get3A_252 = vector.shape_cast %get3A_251 : vector<16xi32> to vector<16xi32>
        %add3A_253 = vector.broadcast %mul3A_21 : i32 to vector<16xi32>
        %add3A_254 = arith.addi %get3A_252, %add3A_253 : vector<16xi32>
        %swap3A_255 = arith.constant 112 : index
        %swap3A_256 = tpu.vector_load %arg7[%swap3A_255] {strides = array<i32>} : memref<128xi32, #tpu.memory_space<vmem>>, vector<16xi32>,
        %swap3A_257 = vector.shape_cast %swap3A_256 : vector<16xi32> to vector<16xi32>
        %swap3A_258 = vector.shape_cast %add3A_254 : vector<16xi32> to vector<16xi32>
        tpu.vector_store %arg7[%swap3A_255], %swap3A_258 {strides = array<i32>} : memref<128xi32, #tpu.memory_space<vmem>>, vector<16xi32>,
        %dma_start3A_259 = arith.constant 0 : i32
        %dma_start3A_260 = arith.constant 0 : i32
        %dma_start3A_261 = tpu.memref_slice %arg2[%dma_start3A_259, %dma_start3A_260] : memref<20000x128xf32, #tpu.memory_space<hbm>> -> memref<20000x128xf32, #tpu.memory_space<hbm>>
        tpu.enqueue_indirect_dma source(%dma_start3A_261 : memref<20000x128xf32, #tpu.memory_space<hbm>>) target(%arg13 : memref<128x128xf32, #tpu.memory_space<vmem>>) offsets(%arg7 : memref<128xi32, #tpu.memory_space<vmem>>) semaphore(%arg17 : memref<!tpu.dma_semaphore, #tpu.memory_space<semaphore_mem>>)
      } else {
      }
      %dma_wait3A = arith.constant 0 : i32
      %dma_wait3A_151 = arith.constant 0 : i32
      %dma_wait3A_152 = tpu.memref_slice %arg2[%dma_wait3A, %dma_wait3A_151] : memref<20000x128xf32, #tpu.memory_space<hbm>> -> memref<20000x128xf32, #tpu.memory_space<hbm>>
      tpu.wait_indirect_dma semaphore(%arg15 : memref<!tpu.dma_semaphore, #tpu.memory_space<semaphore_mem>>) src(%dma_wait3A_152 : memref<20000x128xf32, #tpu.memory_space<hbm>>) dst(%arg11 : memref<128x128xf32, #tpu.memory_space<vmem>>)
      "tpu.region"() ({
        %run_scoped3A = tpu.sem_alloc : memref<!tpu.dma_semaphore, #tpu.memory_space<semaphore_mem>>
        %dma_start3A_181 = arith.constant 0 : i32
        %dma_start3A_182 = arith.constant 0 : i32
        %dma_start3A_183 = tpu.memref_slice %arg14[%dma_start3A_181, %dma_start3A_182] : memref<10000x128xf32, #tpu.memory_space<vmem_shared>> -> memref<10000x128xf32, #tpu.memory_space<vmem_shared>>
        tpu.enqueue_indirect_dma source(%arg11 : memref<128x128xf32, #tpu.memory_space<vmem>>) target(%dma_start3A_183 : memref<10000x128xf32, #tpu.memory_space<vmem_shared>>) offsets(%arg8 : memref<128xi32, #tpu.memory_space<vmem>>) semaphore(%run_scoped3A : memref<!tpu.dma_semaphore, #tpu.memory_space<semaphore_mem>>) {add = true}
        %dma_wait3A_184 = arith.constant 0 : i32
        %dma_wait3A_185 = arith.constant 0 : i32
        %dma_wait3A_186 = tpu.memref_slice %arg14[%dma_wait3A_184, %dma_wait3A_185] : memref<10000x128xf32, #tpu.memory_space<vmem_shared>> -> memref<10000x128xf32, #tpu.memory_space<vmem_shared>>
        tpu.wait_indirect_dma semaphore(%run_scoped3A : memref<!tpu.dma_semaphore, #tpu.memory_space<semaphore_mem>>) src(%arg11 : memref<128x128xf32, #tpu.memory_space<vmem>>) dst(%dma_wait3A_186 : memref<10000x128xf32, #tpu.memory_space<vmem_shared>>)
        tpu.yield
      }) : () -> ()
      %add3A_153 = arith.constant 48 : i32
      %add3A_154 = arith.addi %add3A_143, %add3A_153 : i32
      %lt3A_155 = arith.constant 1250 : i32
      %lt3A_156 = arith.cmpi slt, %add3A_154, %lt3A_155 : i32
      %convert_element_type3A_157 = arith.extui %lt3A_156 : i1 to i32
      %cond3A_158 = arith.constant 0 : i32
      %cond3A_159 = arith.cmpi ne, %convert_element_type3A_157, %cond3A_158 : i32
      scf.if %cond3A_159 {
        %add3A_181 = arith.constant 48 : i32
        %add3A_182 = arith.addi %add3A_143, %add3A_181 : i32
        %mul3A_183 = arith.constant 128 : i32
        %mul3A_184 = arith.muli %add3A_182, %mul3A_183 : i32
        "tpu.region"() ({
          %run_scoped3A = tpu.sem_alloc : memref<!tpu.dma_semaphore, #tpu.memory_space<semaphore_mem>>
          %dma_start3A_262 = tpu.memref_slice %arg3[%mul3A_184] : memref<320000xi32, #tpu.memory_space<hbm>> -> memref<128xi32, #tpu.memory_space<hbm>>
          %dma_start3A_263 = tpu.memref_slice %arg3[%mul3A_184] : memref<320000xi32, #tpu.memory_space<hbm>> -> memref<128xi32, #tpu.memory_space<hbm>>
          tpu.enqueue_dma source(%dma_start3A_263 : memref<128xi32, #tpu.memory_space<hbm>>) target(%arg5 : memref<128xi32, #tpu.memory_space<vmem>>) target_semaphore(%run_scoped3A : memref<!tpu.dma_semaphore, #tpu.memory_space<semaphore_mem>>)
          %dma_wait3A_264 = tpu.memref_slice %arg3[%mul3A_184] : memref<320000xi32, #tpu.memory_space<hbm>> -> memref<128xi32, #tpu.memory_space<hbm>>
          %dma_wait3A_265 = tpu.memref_slice %arg3[%mul3A_184] : memref<320000xi32, #tpu.memory_space<hbm>> -> memref<128xi32, #tpu.memory_space<hbm>>
          tpu.wait_dma2 semaphore(%run_scoped3A : memref<!tpu.dma_semaphore, #tpu.memory_space<semaphore_mem>>) src(%dma_wait3A_265 : memref<128xi32, #tpu.memory_space<hbm>>) dst(%arg5 : memref<128xi32, #tpu.memory_space<vmem>>)
          tpu.yield
        }) : () -> ()
        %add3A_185 = arith.constant 160000 : i32
        %add3A_186 = arith.addi %add3A_185, %mul3A_184 : i32
        "tpu.region"() ({
          %run_scoped3A = tpu.sem_alloc : memref<!tpu.dma_semaphore, #tpu.memory_space<semaphore_mem>>
          %dma_start3A_262 = tpu.memref_slice %arg3[%add3A_186] : memref<320000xi32, #tpu.memory_space<hbm>> -> memref<128xi32, #tpu.memory_space<hbm>>
          %dma_start3A_263 = tpu.memref_slice %arg3[%add3A_186] : memref<320000xi32, #tpu.memory_space<hbm>> -> memref<128xi32, #tpu.memory_space<hbm>>
          tpu.enqueue_dma source(%dma_start3A_263 : memref<128xi32, #tpu.memory_space<hbm>>) target(%arg8 : memref<128xi32, #tpu.memory_space<vmem>>) target_semaphore(%run_scoped3A : memref<!tpu.dma_semaphore, #tpu.memory_space<semaphore_mem>>)
          %dma_wait3A_264 = tpu.memref_slice %arg3[%add3A_186] : memref<320000xi32, #tpu.memory_space<hbm>> -> memref<128xi32, #tpu.memory_space<hbm>>
          %dma_wait3A_265 = tpu.memref_slice %arg3[%add3A_186] : memref<320000xi32, #tpu.memory_space<hbm>> -> memref<128xi32, #tpu.memory_space<hbm>>
          tpu.wait_dma2 semaphore(%run_scoped3A : memref<!tpu.dma_semaphore, #tpu.memory_space<semaphore_mem>>) src(%dma_wait3A_265 : memref<128xi32, #tpu.memory_space<hbm>>) dst(%arg8 : memref<128xi32, #tpu.memory_space<vmem>>)
          tpu.yield
        }) : () -> ()
        %get3A_187 = arith.constant 0 : index
        %get3A_188 = tpu.vector_load %arg5[%get3A_187] {strides = array<i32>} : memref<128xi32, #tpu.memory_space<vmem>>, vector<16xi32>,
        %get3A_189 = vector.shape_cast %get3A_188 : vector<16xi32> to vector<16xi32>
        %add3A_190 = vector.broadcast %mul3A_21 : i32 to vector<16xi32>
        %add3A_191 = arith.addi %get3A_189, %add3A_190 : vector<16xi32>
        %swap3A_192 = arith.constant 0 : index
        %swap3A_193 = tpu.vector_load %arg5[%swap3A_192] {strides = array<i32>} : memref<128xi32, #tpu.memory_space<vmem>>, vector<16xi32>,
        %swap3A_194 = vector.shape_cast %swap3A_193 : vector<16xi32> to vector<16xi32>
        %swap3A_195 = vector.shape_cast %add3A_191 : vector<16xi32> to vector<16xi32>
        tpu.vector_store %arg5[%swap3A_192], %swap3A_195 {strides = array<i32>} : memref<128xi32, #tpu.memory_space<vmem>>, vector<16xi32>,
        %get3A_196 = arith.constant 16 : index
        %get3A_197 = tpu.vector_load %arg5[%get3A_196] {strides = array<i32>} : memref<128xi32, #tpu.memory_space<vmem>>, vector<16xi32>,
        %get3A_198 = vector.shape_cast %get3A_197 : vector<16xi32> to vector<16xi32>
        %add3A_199 = vector.broadcast %mul3A_21 : i32 to vector<16xi32>
        %add3A_200 = arith.addi %get3A_198, %add3A_199 : vector<16xi32>
        %swap3A_201 = arith.constant 16 : index
        %swap3A_202 = tpu.vector_load %arg5[%swap3A_201] {strides = array<i32>} : memref<128xi32, #tpu.memory_space<vmem>>, vector<16xi32>,
        %swap3A_203 = vector.shape_cast %swap3A_202 : vector<16xi32> to vector<16xi32>
        %swap3A_204 = vector.shape_cast %add3A_200 : vector<16xi32> to vector<16xi32>
        tpu.vector_store %arg5[%swap3A_201], %swap3A_204 {strides = array<i32>} : memref<128xi32, #tpu.memory_space<vmem>>, vector<16xi32>,
        %get3A_205 = arith.constant 32 : index
        %get3A_206 = tpu.vector_load %arg5[%get3A_205] {strides = array<i32>} : memref<128xi32, #tpu.memory_space<vmem>>, vector<16xi32>,
        %get3A_207 = vector.shape_cast %get3A_206 : vector<16xi32> to vector<16xi32>
        %add3A_208 = vector.broadcast %mul3A_21 : i32 to vector<16xi32>
        %add3A_209 = arith.addi %get3A_207, %add3A_208 : vector<16xi32>
        %swap3A_210 = arith.constant 32 : index
        %swap3A_211 = tpu.vector_load %arg5[%swap3A_210] {strides = array<i32>} : memref<128xi32, #tpu.memory_space<vmem>>, vector<16xi32>,
        %swap3A_212 = vector.shape_cast %swap3A_211 : vector<16xi32> to vector<16xi32>
        %swap3A_213 = vector.shape_cast %add3A_209 : vector<16xi32> to vector<16xi32>
        tpu.vector_store %arg5[%swap3A_210], %swap3A_213 {strides = array<i32>} : memref<128xi32, #tpu.memory_space<vmem>>, vector<16xi32>,
        %get3A_214 = arith.constant 48 : index
        %get3A_215 = tpu.vector_load %arg5[%get3A_214] {strides = array<i32>} : memref<128xi32, #tpu.memory_space<vmem>>, vector<16xi32>,
        %get3A_216 = vector.shape_cast %get3A_215 : vector<16xi32> to vector<16xi32>
        %add3A_217 = vector.broadcast %mul3A_21 : i32 to vector<16xi32>
        %add3A_218 = arith.addi %get3A_216, %add3A_217 : vector<16xi32>
        %swap3A_219 = arith.constant 48 : index
        %swap3A_220 = tpu.vector_load %arg5[%swap3A_219] {strides = array<i32>} : memref<128xi32, #tpu.memory_space<vmem>>, vector<16xi32>,
        %swap3A_221 = vector.shape_cast %swap3A_220 : vector<16xi32> to vector<16xi32>
        %swap3A_222 = vector.shape_cast %add3A_218 : vector<16xi32> to vector<16xi32>
        tpu.vector_store %arg5[%swap3A_219], %swap3A_222 {strides = array<i32>} : memref<128xi32, #tpu.memory_space<vmem>>, vector<16xi32>,
        %get3A_223 = arith.constant 64 : index
        %get3A_224 = tpu.vector_load %arg5[%get3A_223] {strides = array<i32>} : memref<128xi32, #tpu.memory_space<vmem>>, vector<16xi32>,
        %get3A_225 = vector.shape_cast %get3A_224 : vector<16xi32> to vector<16xi32>
        %add3A_226 = vector.broadcast %mul3A_21 : i32 to vector<16xi32>
        %add3A_227 = arith.addi %get3A_225, %add3A_226 : vector<16xi32>
        %swap3A_228 = arith.constant 64 : index
        %swap3A_229 = tpu.vector_load %arg5[%swap3A_228] {strides = array<i32>} : memref<128xi32, #tpu.memory_space<vmem>>, vector<16xi32>,
        %swap3A_230 = vector.shape_cast %swap3A_229 : vector<16xi32> to vector<16xi32>
        %swap3A_231 = vector.shape_cast %add3A_227 : vector<16xi32> to vector<16xi32>
        tpu.vector_store %arg5[%swap3A_228], %swap3A_231 {strides = array<i32>} : memref<128xi32, #tpu.memory_space<vmem>>, vector<16xi32>,
        %get3A_232 = arith.constant 80 : index
        %get3A_233 = tpu.vector_load %arg5[%get3A_232] {strides = array<i32>} : memref<128xi32, #tpu.memory_space<vmem>>, vector<16xi32>,
        %get3A_234 = vector.shape_cast %get3A_233 : vector<16xi32> to vector<16xi32>
        %add3A_235 = vector.broadcast %mul3A_21 : i32 to vector<16xi32>
        %add3A_236 = arith.addi %get3A_234, %add3A_235 : vector<16xi32>
        %swap3A_237 = arith.constant 80 : index
        %swap3A_238 = tpu.vector_load %arg5[%swap3A_237] {strides = array<i32>} : memref<128xi32, #tpu.memory_space<vmem>>, vector<16xi32>,
        %swap3A_239 = vector.shape_cast %swap3A_238 : vector<16xi32> to vector<16xi32>
        %swap3A_240 = vector.shape_cast %add3A_236 : vector<16xi32> to vector<16xi32>
        tpu.vector_store %arg5[%swap3A_237], %swap3A_240 {strides = array<i32>} : memref<128xi32, #tpu.memory_space<vmem>>, vector<16xi32>,
        %get3A_241 = arith.constant 96 : index
        %get3A_242 = tpu.vector_load %arg5[%get3A_241] {strides = array<i32>} : memref<128xi32, #tpu.memory_space<vmem>>, vector<16xi32>,
        %get3A_243 = vector.shape_cast %get3A_242 : vector<16xi32> to vector<16xi32>
        %add3A_244 = vector.broadcast %mul3A_21 : i32 to vector<16xi32>
        %add3A_245 = arith.addi %get3A_243, %add3A_244 : vector<16xi32>
        %swap3A_246 = arith.constant 96 : index
        %swap3A_247 = tpu.vector_load %arg5[%swap3A_246] {strides = array<i32>} : memref<128xi32, #tpu.memory_space<vmem>>, vector<16xi32>,
        %swap3A_248 = vector.shape_cast %swap3A_247 : vector<16xi32> to vector<16xi32>
        %swap3A_249 = vector.shape_cast %add3A_245 : vector<16xi32> to vector<16xi32>
        tpu.vector_store %arg5[%swap3A_246], %swap3A_249 {strides = array<i32>} : memref<128xi32, #tpu.memory_space<vmem>>, vector<16xi32>,
        %get3A_250 = arith.constant 112 : index
        %get3A_251 = tpu.vector_load %arg5[%get3A_250] {strides = array<i32>} : memref<128xi32, #tpu.memory_space<vmem>>, vector<16xi32>,
        %get3A_252 = vector.shape_cast %get3A_251 : vector<16xi32> to vector<16xi32>
        %add3A_253 = vector.broadcast %mul3A_21 : i32 to vector<16xi32>
        %add3A_254 = arith.addi %get3A_252, %add3A_253 : vector<16xi32>
        %swap3A_255 = arith.constant 112 : index
        %swap3A_256 = tpu.vector_load %arg5[%swap3A_255] {strides = array<i32>} : memref<128xi32, #tpu.memory_space<vmem>>, vector<16xi32>,
        %swap3A_257 = vector.shape_cast %swap3A_256 : vector<16xi32> to vector<16xi32>
        %swap3A_258 = vector.shape_cast %add3A_254 : vector<16xi32> to vector<16xi32>
        tpu.vector_store %arg5[%swap3A_255], %swap3A_258 {strides = array<i32>} : memref<128xi32, #tpu.memory_space<vmem>>, vector<16xi32>,
        %dma_start3A_259 = arith.constant 0 : i32
        %dma_start3A_260 = arith.constant 0 : i32
        %dma_start3A_261 = tpu.memref_slice %arg2[%dma_start3A_259, %dma_start3A_260] : memref<20000x128xf32, #tpu.memory_space<hbm>> -> memref<20000x128xf32, #tpu.memory_space<hbm>>
        tpu.enqueue_indirect_dma source(%dma_start3A_261 : memref<20000x128xf32, #tpu.memory_space<hbm>>) target(%arg11 : memref<128x128xf32, #tpu.memory_space<vmem>>) offsets(%arg5 : memref<128xi32, #tpu.memory_space<vmem>>) semaphore(%arg15 : memref<!tpu.dma_semaphore, #tpu.memory_space<semaphore_mem>>)
      } else {
      }
      %add3A_160 = arith.constant 16 : i32
      %add3A_161 = arith.addi %add3A_143, %add3A_160 : i32
      %lt3A_162 = arith.constant 1250 : i32
      %lt3A_163 = arith.cmpi slt, %add3A_161, %lt3A_162 : i32
      %convert_element_type3A_164 = arith.extui %lt3A_163 : i1 to i32
      %cond3A_165 = arith.constant 0 : i32
      %cond3A_166 = arith.cmpi ne, %convert_element_type3A_164, %cond3A_165 : i32
      scf.if %cond3A_166 {
        %dma_wait3A_181 = arith.constant 0 : i32
        %dma_wait3A_182 = arith.constant 0 : i32
        %dma_wait3A_183 = tpu.memref_slice %arg2[%dma_wait3A_181, %dma_wait3A_182] : memref<20000x128xf32, #tpu.memory_space<hbm>> -> memref<20000x128xf32, #tpu.memory_space<hbm>>
        tpu.wait_indirect_dma semaphore(%arg16 : memref<!tpu.dma_semaphore, #tpu.memory_space<semaphore_mem>>) src(%dma_wait3A_183 : memref<20000x128xf32, #tpu.memory_space<hbm>>) dst(%arg12 : memref<128x128xf32, #tpu.memory_space<vmem>>)
        "tpu.region"() ({
          %run_scoped3A = tpu.sem_alloc : memref<!tpu.dma_semaphore, #tpu.memory_space<semaphore_mem>>
          %dma_start3A_184 = arith.constant 0 : i32
          %dma_start3A_185 = arith.constant 0 : i32
          %dma_start3A_186 = tpu.memref_slice %arg14[%dma_start3A_184, %dma_start3A_185] : memref<10000x128xf32, #tpu.memory_space<vmem_shared>> -> memref<10000x128xf32, #tpu.memory_space<vmem_shared>>
          tpu.enqueue_indirect_dma source(%arg12 : memref<128x128xf32, #tpu.memory_space<vmem>>) target(%dma_start3A_186 : memref<10000x128xf32, #tpu.memory_space<vmem_shared>>) offsets(%arg9 : memref<128xi32, #tpu.memory_space<vmem>>) semaphore(%run_scoped3A : memref<!tpu.dma_semaphore, #tpu.memory_space<semaphore_mem>>) {add = true}
          %dma_wait3A_187 = arith.constant 0 : i32
          %dma_wait3A_188 = arith.constant 0 : i32
          %dma_wait3A_189 = tpu.memref_slice %arg14[%dma_wait3A_187, %dma_wait3A_188] : memref<10000x128xf32, #tpu.memory_space<vmem_shared>> -> memref<10000x128xf32, #tpu.memory_space<vmem_shared>>
          tpu.wait_indirect_dma semaphore(%run_scoped3A : memref<!tpu.dma_semaphore, #tpu.memory_space<semaphore_mem>>) src(%arg12 : memref<128x128xf32, #tpu.memory_space<vmem>>) dst(%dma_wait3A_189 : memref<10000x128xf32, #tpu.memory_space<vmem_shared>>)
          tpu.yield
        }) : () -> ()
      } else {
      }
      %add3A_167 = arith.constant 64 : i32
      %add3A_168 = arith.addi %add3A_143, %add3A_167 : i32
      %lt3A_169 = arith.constant 1250 : i32
      %lt3A_170 = arith.cmpi slt, %add3A_168, %lt3A_169 : i32
      %convert_element_type3A_171 = arith.extui %lt3A_170 : i1 to i32
      %cond3A_172 = arith.constant 0 : i32
      %cond3A_173 = arith.cmpi ne, %convert_element_type3A_171, %cond3A_172 : i32
      scf.if %cond3A_173 {
        %add3A_181 = arith.constant 64 : i32
        %add3A_182 = arith.addi %add3A_143, %add3A_181 : i32
        %mul3A_183 = arith.constant 128 : i32
        %mul3A_184 = arith.muli %add3A_182, %mul3A_183 : i32
        "tpu.region"() ({
          %run_scoped3A = tpu.sem_alloc : memref<!tpu.dma_semaphore, #tpu.memory_space<semaphore_mem>>
          %dma_start3A_262 = tpu.memref_slice %arg3[%mul3A_184] : memref<320000xi32, #tpu.memory_space<hbm>> -> memref<128xi32, #tpu.memory_space<hbm>>
          %dma_start3A_263 = tpu.memref_slice %arg3[%mul3A_184] : memref<320000xi32, #tpu.memory_space<hbm>> -> memref<128xi32, #tpu.memory_space<hbm>>
          tpu.enqueue_dma source(%dma_start3A_263 : memref<128xi32, #tpu.memory_space<hbm>>) target(%arg6 : memref<128xi32, #tpu.memory_space<vmem>>) target_semaphore(%run_scoped3A : memref<!tpu.dma_semaphore, #tpu.memory_space<semaphore_mem>>)
          %dma_wait3A_264 = tpu.memref_slice %arg3[%mul3A_184] : memref<320000xi32, #tpu.memory_space<hbm>> -> memref<128xi32, #tpu.memory_space<hbm>>
          %dma_wait3A_265 = tpu.memref_slice %arg3[%mul3A_184] : memref<320000xi32, #tpu.memory_space<hbm>> -> memref<128xi32, #tpu.memory_space<hbm>>
          tpu.wait_dma2 semaphore(%run_scoped3A : memref<!tpu.dma_semaphore, #tpu.memory_space<semaphore_mem>>) src(%dma_wait3A_265 : memref<128xi32, #tpu.memory_space<hbm>>) dst(%arg6 : memref<128xi32, #tpu.memory_space<vmem>>)
          tpu.yield
        }) : () -> ()
        %add3A_185 = arith.constant 160000 : i32
        %add3A_186 = arith.addi %add3A_185, %mul3A_184 : i32
        "tpu.region"() ({
          %run_scoped3A = tpu.sem_alloc : memref<!tpu.dma_semaphore, #tpu.memory_space<semaphore_mem>>
          %dma_start3A_262 = tpu.memref_slice %arg3[%add3A_186] : memref<320000xi32, #tpu.memory_space<hbm>> -> memref<128xi32, #tpu.memory_space<hbm>>
          %dma_start3A_263 = tpu.memref_slice %arg3[%add3A_186] : memref<320000xi32, #tpu.memory_space<hbm>> -> memref<128xi32, #tpu.memory_space<hbm>>
          tpu.enqueue_dma source(%dma_start3A_263 : memref<128xi32, #tpu.memory_space<hbm>>) target(%arg9 : memref<128xi32, #tpu.memory_space<vmem>>) target_semaphore(%run_scoped3A : memref<!tpu.dma_semaphore, #tpu.memory_space<semaphore_mem>>)
          %dma_wait3A_264 = tpu.memref_slice %arg3[%add3A_186] : memref<320000xi32, #tpu.memory_space<hbm>> -> memref<128xi32, #tpu.memory_space<hbm>>
          %dma_wait3A_265 = tpu.memref_slice %arg3[%add3A_186] : memref<320000xi32, #tpu.memory_space<hbm>> -> memref<128xi32, #tpu.memory_space<hbm>>
          tpu.wait_dma2 semaphore(%run_scoped3A : memref<!tpu.dma_semaphore, #tpu.memory_space<semaphore_mem>>) src(%dma_wait3A_265 : memref<128xi32, #tpu.memory_space<hbm>>) dst(%arg9 : memref<128xi32, #tpu.memory_space<vmem>>)
          tpu.yield
        }) : () -> ()
        %get3A_187 = arith.constant 0 : index
        %get3A_188 = tpu.vector_load %arg6[%get3A_187] {strides = array<i32>} : memref<128xi32, #tpu.memory_space<vmem>>, vector<16xi32>,
        %get3A_189 = vector.shape_cast %get3A_188 : vector<16xi32> to vector<16xi32>
        %add3A_190 = vector.broadcast %mul3A_21 : i32 to vector<16xi32>
        %add3A_191 = arith.addi %get3A_189, %add3A_190 : vector<16xi32>
        %swap3A_192 = arith.constant 0 : index
        %swap3A_193 = tpu.vector_load %arg6[%swap3A_192] {strides = array<i32>} : memref<128xi32, #tpu.memory_space<vmem>>, vector<16xi32>,
        %swap3A_194 = vector.shape_cast %swap3A_193 : vector<16xi32> to vector<16xi32>
        %swap3A_195 = vector.shape_cast %add3A_191 : vector<16xi32> to vector<16xi32>
        tpu.vector_store %arg6[%swap3A_192], %swap3A_195 {strides = array<i32>} : memref<128xi32, #tpu.memory_space<vmem>>, vector<16xi32>,
        %get3A_196 = arith.constant 16 : index
        %get3A_197 = tpu.vector_load %arg6[%get3A_196] {strides = array<i32>} : memref<128xi32, #tpu.memory_space<vmem>>, vector<16xi32>,
        %get3A_198 = vector.shape_cast %get3A_197 : vector<16xi32> to vector<16xi32>
        %add3A_199 = vector.broadcast %mul3A_21 : i32 to vector<16xi32>
        %add3A_200 = arith.addi %get3A_198, %add3A_199 : vector<16xi32>
        %swap3A_201 = arith.constant 16 : index
        %swap3A_202 = tpu.vector_load %arg6[%swap3A_201] {strides = array<i32>} : memref<128xi32, #tpu.memory_space<vmem>>, vector<16xi32>,
        %swap3A_203 = vector.shape_cast %swap3A_202 : vector<16xi32> to vector<16xi32>
        %swap3A_204 = vector.shape_cast %add3A_200 : vector<16xi32> to vector<16xi32>
        tpu.vector_store %arg6[%swap3A_201], %swap3A_204 {strides = array<i32>} : memref<128xi32, #tpu.memory_space<vmem>>, vector<16xi32>,
        %get3A_205 = arith.constant 32 : index
        %get3A_206 = tpu.vector_load %arg6[%get3A_205] {strides = array<i32>} : memref<128xi32, #tpu.memory_space<vmem>>, vector<16xi32>,
        %get3A_207 = vector.shape_cast %get3A_206 : vector<16xi32> to vector<16xi32>
        %add3A_208 = vector.broadcast %mul3A_21 : i32 to vector<16xi32>
        %add3A_209 = arith.addi %get3A_207, %add3A_208 : vector<16xi32>
        %swap3A_210 = arith.constant 32 : index
        %swap3A_211 = tpu.vector_load %arg6[%swap3A_210] {strides = array<i32>} : memref<128xi32, #tpu.memory_space<vmem>>, vector<16xi32>,
        %swap3A_212 = vector.shape_cast %swap3A_211 : vector<16xi32> to vector<16xi32>
        %swap3A_213 = vector.shape_cast %add3A_209 : vector<16xi32> to vector<16xi32>
        tpu.vector_store %arg6[%swap3A_210], %swap3A_213 {strides = array<i32>} : memref<128xi32, #tpu.memory_space<vmem>>, vector<16xi32>,
        %get3A_214 = arith.constant 48 : index
        %get3A_215 = tpu.vector_load %arg6[%get3A_214] {strides = array<i32>} : memref<128xi32, #tpu.memory_space<vmem>>, vector<16xi32>,
        %get3A_216 = vector.shape_cast %get3A_215 : vector<16xi32> to vector<16xi32>
        %add3A_217 = vector.broadcast %mul3A_21 : i32 to vector<16xi32>
        %add3A_218 = arith.addi %get3A_216, %add3A_217 : vector<16xi32>
        %swap3A_219 = arith.constant 48 : index
        %swap3A_220 = tpu.vector_load %arg6[%swap3A_219] {strides = array<i32>} : memref<128xi32, #tpu.memory_space<vmem>>, vector<16xi32>,
        %swap3A_221 = vector.shape_cast %swap3A_220 : vector<16xi32> to vector<16xi32>
        %swap3A_222 = vector.shape_cast %add3A_218 : vector<16xi32> to vector<16xi32>
        tpu.vector_store %arg6[%swap3A_219], %swap3A_222 {strides = array<i32>} : memref<128xi32, #tpu.memory_space<vmem>>, vector<16xi32>,
        %get3A_223 = arith.constant 64 : index
        %get3A_224 = tpu.vector_load %arg6[%get3A_223] {strides = array<i32>} : memref<128xi32, #tpu.memory_space<vmem>>, vector<16xi32>,
        %get3A_225 = vector.shape_cast %get3A_224 : vector<16xi32> to vector<16xi32>
        %add3A_226 = vector.broadcast %mul3A_21 : i32 to vector<16xi32>
        %add3A_227 = arith.addi %get3A_225, %add3A_226 : vector<16xi32>
        %swap3A_228 = arith.constant 64 : index
        %swap3A_229 = tpu.vector_load %arg6[%swap3A_228] {strides = array<i32>} : memref<128xi32, #tpu.memory_space<vmem>>, vector<16xi32>,
        %swap3A_230 = vector.shape_cast %swap3A_229 : vector<16xi32> to vector<16xi32>
        %swap3A_231 = vector.shape_cast %add3A_227 : vector<16xi32> to vector<16xi32>
        tpu.vector_store %arg6[%swap3A_228], %swap3A_231 {strides = array<i32>} : memref<128xi32, #tpu.memory_space<vmem>>, vector<16xi32>,
        %get3A_232 = arith.constant 80 : index
        %get3A_233 = tpu.vector_load %arg6[%get3A_232] {strides = array<i32>} : memref<128xi32, #tpu.memory_space<vmem>>, vector<16xi32>,
        %get3A_234 = vector.shape_cast %get3A_233 : vector<16xi32> to vector<16xi32>
        %add3A_235 = vector.broadcast %mul3A_21 : i32 to vector<16xi32>
        %add3A_236 = arith.addi %get3A_234, %add3A_235 : vector<16xi32>
        %swap3A_237 = arith.constant 80 : index
        %swap3A_238 = tpu.vector_load %arg6[%swap3A_237] {strides = array<i32>} : memref<128xi32, #tpu.memory_space<vmem>>, vector<16xi32>,
        %swap3A_239 = vector.shape_cast %swap3A_238 : vector<16xi32> to vector<16xi32>
        %swap3A_240 = vector.shape_cast %add3A_236 : vector<16xi32> to vector<16xi32>
        tpu.vector_store %arg6[%swap3A_237], %swap3A_240 {strides = array<i32>} : memref<128xi32, #tpu.memory_space<vmem>>, vector<16xi32>,
        %get3A_241 = arith.constant 96 : index
        %get3A_242 = tpu.vector_load %arg6[%get3A_241] {strides = array<i32>} : memref<128xi32, #tpu.memory_space<vmem>>, vector<16xi32>,
        %get3A_243 = vector.shape_cast %get3A_242 : vector<16xi32> to vector<16xi32>
        %add3A_244 = vector.broadcast %mul3A_21 : i32 to vector<16xi32>
        %add3A_245 = arith.addi %get3A_243, %add3A_244 : vector<16xi32>
        %swap3A_246 = arith.constant 96 : index
        %swap3A_247 = tpu.vector_load %arg6[%swap3A_246] {strides = array<i32>} : memref<128xi32, #tpu.memory_space<vmem>>, vector<16xi32>,
        %swap3A_248 = vector.shape_cast %swap3A_247 : vector<16xi32> to vector<16xi32>
        %swap3A_249 = vector.shape_cast %add3A_245 : vector<16xi32> to vector<16xi32>
        tpu.vector_store %arg6[%swap3A_246], %swap3A_249 {strides = array<i32>} : memref<128xi32, #tpu.memory_space<vmem>>, vector<16xi32>,
        %get3A_250 = arith.constant 112 : index
        %get3A_251 = tpu.vector_load %arg6[%get3A_250] {strides = array<i32>} : memref<128xi32, #tpu.memory_space<vmem>>, vector<16xi32>,
        %get3A_252 = vector.shape_cast %get3A_251 : vector<16xi32> to vector<16xi32>
        %add3A_253 = vector.broadcast %mul3A_21 : i32 to vector<16xi32>
        %add3A_254 = arith.addi %get3A_252, %add3A_253 : vector<16xi32>
        %swap3A_255 = arith.constant 112 : index
        %swap3A_256 = tpu.vector_load %arg6[%swap3A_255] {strides = array<i32>} : memref<128xi32, #tpu.memory_space<vmem>>, vector<16xi32>,
        %swap3A_257 = vector.shape_cast %swap3A_256 : vector<16xi32> to vector<16xi32>
        %swap3A_258 = vector.shape_cast %add3A_254 : vector<16xi32> to vector<16xi32>
        tpu.vector_store %arg6[%swap3A_255], %swap3A_258 {strides = array<i32>} : memref<128xi32, #tpu.memory_space<vmem>>, vector<16xi32>,
        %dma_start3A_259 = arith.constant 0 : i32
        %dma_start3A_260 = arith.constant 0 : i32
        %dma_start3A_261 = tpu.memref_slice %arg2[%dma_start3A_259, %dma_start3A_260] : memref<20000x128xf32, #tpu.memory_space<hbm>> -> memref<20000x128xf32, #tpu.memory_space<hbm>>
        tpu.enqueue_indirect_dma source(%dma_start3A_261 : memref<20000x128xf32, #tpu.memory_space<hbm>>) target(%arg12 : memref<128x128xf32, #tpu.memory_space<vmem>>) offsets(%arg6 : memref<128xi32, #tpu.memory_space<vmem>>) semaphore(%arg16 : memref<!tpu.dma_semaphore, #tpu.memory_space<semaphore_mem>>)
      } else {
      }
      %add3A_174 = arith.constant 32 : i32
      %add3A_175 = arith.addi %add3A_143, %add3A_174 : i32
      %lt3A_176 = arith.constant 1250 : i32
      %lt3A_177 = arith.cmpi slt, %add3A_175, %lt3A_176 : i32
      %convert_element_type3A_178 = arith.extui %lt3A_177 : i1 to i32
      %cond3A_179 = arith.constant 0 : i32
      %cond3A_180 = arith.cmpi ne, %convert_element_type3A_178, %cond3A_179 : i32
      scf.if %cond3A_180 {
        %dma_wait3A_181 = arith.constant 0 : i32
        %dma_wait3A_182 = arith.constant 0 : i32
        %dma_wait3A_183 = tpu.memref_slice %arg2[%dma_wait3A_181, %dma_wait3A_182] : memref<20000x128xf32, #tpu.memory_space<hbm>> -> memref<20000x128xf32, #tpu.memory_space<hbm>>
        tpu.wait_indirect_dma semaphore(%arg17 : memref<!tpu.dma_semaphore, #tpu.memory_space<semaphore_mem>>) src(%dma_wait3A_183 : memref<20000x128xf32, #tpu.memory_space<hbm>>) dst(%arg13 : memref<128x128xf32, #tpu.memory_space<vmem>>)
        "tpu.region"() ({
          %run_scoped3A = tpu.sem_alloc : memref<!tpu.dma_semaphore, #tpu.memory_space<semaphore_mem>>
          %dma_start3A_184 = arith.constant 0 : i32
          %dma_start3A_185 = arith.constant 0 : i32
          %dma_start3A_186 = tpu.memref_slice %arg14[%dma_start3A_184, %dma_start3A_185] : memref<10000x128xf32, #tpu.memory_space<vmem_shared>> -> memref<10000x128xf32, #tpu.memory_space<vmem_shared>>
          tpu.enqueue_indirect_dma source(%arg13 : memref<128x128xf32, #tpu.memory_space<vmem>>) target(%dma_start3A_186 : memref<10000x128xf32, #tpu.memory_space<vmem_shared>>) offsets(%arg10 : memref<128xi32, #tpu.memory_space<vmem>>) semaphore(%run_scoped3A : memref<!tpu.dma_semaphore, #tpu.memory_space<semaphore_mem>>) {add = true}
          %dma_wait3A_187 = arith.constant 0 : i32
          %dma_wait3A_188 = arith.constant 0 : i32
          %dma_wait3A_189 = tpu.memref_slice %arg14[%dma_wait3A_187, %dma_wait3A_188] : memref<10000x128xf32, #tpu.memory_space<vmem_shared>> -> memref<10000x128xf32, #tpu.memory_space<vmem_shared>>
          tpu.wait_indirect_dma semaphore(%run_scoped3A : memref<!tpu.dma_semaphore, #tpu.memory_space<semaphore_mem>>) src(%arg13 : memref<128x128xf32, #tpu.memory_space<vmem>>) dst(%dma_wait3A_189 : memref<10000x128xf32, #tpu.memory_space<vmem_shared>>)
          tpu.yield
        }) : () -> ()
      } else {
      }
    }
    %barrier3A_120 = arith.constant 0 : index
    tpu.barrier barrier_id(%barrier3A_120)
    %mul3A_121 = arith.constant 10000 : i32
    %mul3A_122 = arith.muli %arg0, %mul3A_121 : i32
    %sub3A_123 = arith.constant 125 : i32
    %sub3A_124 = arith.subi %sub3A_123, %arg1 : i32
    %sub3A_125 = arith.constant 16 : i32
    %sub3A_126 = arith.constant 1 : i32
    %sub3A_127 = arith.subi %sub3A_125, %sub3A_126 : i32
    %add3A_128 = arith.addi %sub3A_124, %sub3A_127 : i32
    %div3A_129 = arith.constant 16 : i32
    %div3A_130 = arith.divsi %add3A_128, %div3A_129 : i32
    %while3A_131 = arith.constant 16 : i32
    %while3A_132 = arith.constant 0 : i32
    %while3A_133 = arith.subi %div3A_130, %while3A_132 : i32
    %while3A_134 = arith.addi %while3A_132, %while3A_133 : i32
    %while3A_135 = arith.constant 1 : i32
    %while3A_136 = arith.divsi %while3A_133, %while3A_135 : i32
    %while3A_137 = arith.muli %while3A_136, %while3A_135 : i32
    %while3A_138 = arith.addi %while3A_132, %while3A_137 : i32
    %while3A_139 = arith.constant 1 : i32
    scf.for %while3A_141 = %while3A_132 to %while3A_138 step %while3A_139  : i32 {
      %mul3A_142 = arith.muli %while3A_141, %while3A_131 : i32
      %add3A_143 = arith.addi %arg1, %mul3A_142 : i32
      %mul3A_144 = arith.constant 80 : i32
      %mul3A_145 = arith.muli %add3A_143, %mul3A_144 : i32
      %mul3A_146 = arith.constant 80 : i32
      %mul3A_147 = arith.muli %add3A_143, %mul3A_146 : i32
      %add3A_148 = arith.addi %mul3A_122, %mul3A_147 : i32
      "tpu.region"() ({
        %run_scoped3A = tpu.sem_alloc : memref<!tpu.dma_semaphore, #tpu.memory_space<semaphore_mem>>
        %dma_start3A_149 = arith.constant 0 : i32
        %dma_start3A_150 = tpu.memref_slice %arg4[%add3A_148, %dma_start3A_149] : memref<20000x128xf32, #tpu.memory_space<hbm>> -> memref<80x128xf32, #tpu.memory_space<hbm>>
        %dma_start3A_151 = arith.constant 0 : i32
        %dma_start3A_152 = tpu.memref_slice %arg14[%mul3A_145, %dma_start3A_151] : memref<10000x128xf32, #tpu.memory_space<vmem_shared>> -> memref<80x128xf32, #tpu.memory_space<vmem_shared>>
        tpu.enqueue_dma source(%dma_start3A_152 : memref<80x128xf32, #tpu.memory_space<vmem_shared>>) target(%dma_start3A_150 : memref<80x128xf32, #tpu.memory_space<hbm>>) target_semaphore(%run_scoped3A : memref<!tpu.dma_semaphore, #tpu.memory_space<semaphore_mem>>)
        %dma_wait3A = arith.constant 0 : i32
        %dma_wait3A_153 = tpu.memref_slice %arg4[%add3A_148, %dma_wait3A] : memref<20000x128xf32, #tpu.memory_space<hbm>> -> memref<80x128xf32, #tpu.memory_space<hbm>>
        %dma_wait3A_154 = arith.constant 0 : i32
        %dma_wait3A_155 = tpu.memref_slice %arg14[%mul3A_145, %dma_wait3A_154] : memref<10000x128xf32, #tpu.memory_space<vmem_shared>> -> memref<80x128xf32, #tpu.memory_space<vmem_shared>>
        tpu.wait_dma2 semaphore(%run_scoped3A : memref<!tpu.dma_semaphore, #tpu.memory_space<semaphore_mem>>) src(%dma_wait3A_155 : memref<80x128xf32, #tpu.memory_space<vmem_shared>>) dst(%dma_wait3A_153 : memref<80x128xf32, #tpu.memory_space<hbm>>)
        tpu.yield
      }) : () -> ()
    }
    %while3A_140 = arith.constant 1 : i32
    scf.for %while3A_141 = %while3A_138 to %while3A_134 step %while3A_140  : i32 {
      %mul3A_142 = arith.muli %while3A_141, %while3A_131 : i32
      %add3A_143 = arith.addi %arg1, %mul3A_142 : i32
      %mul3A_144 = arith.constant 80 : i32
      %mul3A_145 = arith.muli %add3A_143, %mul3A_144 : i32
      %mul3A_146 = arith.constant 80 : i32
      %mul3A_147 = arith.muli %add3A_143, %mul3A_146 : i32
      %add3A_148 = arith.addi %mul3A_122, %mul3A_147 : i32
      "tpu.region"() ({
        %run_scoped3A = tpu.sem_alloc : memref<!tpu.dma_semaphore, #tpu.memory_space<semaphore_mem>>
        %dma_start3A_149 = arith.constant 0 : i32
        %dma_start3A_150 = tpu.memref_slice %arg4[%add3A_148, %dma_start3A_149] : memref<20000x128xf32, #tpu.memory_space<hbm>> -> memref<80x128xf32, #tpu.memory_space<hbm>>
        %dma_start3A_151 = arith.constant 0 : i32
        %dma_start3A_152 = tpu.memref_slice %arg14[%mul3A_145, %dma_start3A_151] : memref<10000x128xf32, #tpu.memory_space<vmem_shared>> -> memref<80x128xf32, #tpu.memory_space<vmem_shared>>
        tpu.enqueue_dma source(%dma_start3A_152 : memref<80x128xf32, #tpu.memory_space<vmem_shared>>) target(%dma_start3A_150 : memref<80x128xf32, #tpu.memory_space<hbm>>) target_semaphore(%run_scoped3A : memref<!tpu.dma_semaphore, #tpu.memory_space<semaphore_mem>>)
        %dma_wait3A = arith.constant 0 : i32
        %dma_wait3A_153 = tpu.memref_slice %arg4[%add3A_148, %dma_wait3A] : memref<20000x128xf32, #tpu.memory_space<hbm>> -> memref<80x128xf32, #tpu.memory_space<hbm>>
        %dma_wait3A_154 = arith.constant 0 : i32
        %dma_wait3A_155 = tpu.memref_slice %arg14[%mul3A_145, %dma_wait3A_154] : memref<10000x128xf32, #tpu.memory_space<vmem_shared>> -> memref<80x128xf32, #tpu.memory_space<vmem_shared>>
        tpu.wait_dma2 semaphore(%run_scoped3A : memref<!tpu.dma_semaphore, #tpu.memory_space<semaphore_mem>>) src(%dma_wait3A_155 : memref<80x128xf32, #tpu.memory_space<vmem_shared>>) dst(%dma_wait3A_153 : memref<80x128xf32, #tpu.memory_space<hbm>>)
        tpu.yield
      }) : () -> ()
    }
    return
  }
}

module attributes {stable_mosaic.version = 14 : i64} {
  func.func @_norm_body(%arg0: i32, %arg1: memref<1000x256xf32, #tpu.memory_space<vmem>>, %arg2: memref<2x1000x128xf32, #tpu.memory_space<vmem>>, %arg3: memref<2x1000x128xf32, #tpu.memory_space<vmem>>) attributes {dimension_semantics = [#tpu.dimension_semantics<arbitrary>], iteration_bounds = array<i64: 10>, scalar_prefetch = 0 : i64, scratch_operands = 0 : i64, tpu.core_type = #tpu.core_type<tc>, window_params = [{transform_indices = @transform_0, window_bounds = array<i64: 1000, 256>}, {transform_indices = @transform_1, window_bounds = array<i64: 2, 1000, 128>}, {transform_indices = @transform_2, window_bounds = array<i64: 2, 1000, 128>}]} {
    %get3A = arith.constant 0 : index
    %get3A_0 = arith.constant 0 : index
    %get3A_1 = arith.constant 32 : index
    %get3A_2 = vector.load %arg2[%get3A, %get3A_0, %get3A_1] : memref<2x1000x128xf32, #tpu.memory_space<vmem>>, vector<1x1000x1xf32>
    %get3A_3 = vector.shape_cast %get3A_2 : vector<1x1000x1xf32> to vector<1000xf32>
    %get3A_4 = arith.constant 1 : index
    %get3A_5 = arith.constant 0 : index
    %get3A_6 = arith.constant 32 : index
    %get3A_7 = vector.load %arg2[%get3A_4, %get3A_5, %get3A_6] : memref<2x1000x128xf32, #tpu.memory_space<vmem>>, vector<1x1000x1xf32>
    %get3A_8 = vector.shape_cast %get3A_7 : vector<1x1000x1xf32> to vector<1000xf32>
    %add3A = arith.addf %get3A_3, %get3A_8 : vector<1000xf32>
    %max3A = arith.constant 1.000000e+00 : f32
    %max3A_9 = vector.broadcast %max3A : f32 to vector<1000xf32>
    %max3A_10 = arith.maximumf %add3A, %max3A_9 : vector<1000xf32>
    %sqrt3A = math.sqrt %max3A_10 : vector<1000xf32>
    %div3A = arith.constant 1.000000e+00 : f32
    %div3A_11 = vector.broadcast %div3A : f32 to vector<1000xf32>
    %div3A_12 = arith.divf %div3A_11, %sqrt3A : vector<1000xf32>
    %get3A_13 = arith.constant 0 : index
    %get3A_14 = arith.constant 0 : index
    %get3A_15 = vector.load %arg1[%get3A_13, %get3A_14] : memref<1000x256xf32, #tpu.memory_space<vmem>>, vector<1000x256xf32>
    %slice3A = vector.extract_strided_slice %get3A_15 {offsets = [0, 0], sizes = [1000, 128], strides = [1, 1]} : vector<1000x256xf32> to vector<1000x128xf32>
    %broadcast_in_dim3A = vector.shape_cast %div3A_12 : vector<1000xf32> to vector<1000x1xf32>
    %mul3A = vector.broadcast %broadcast_in_dim3A : vector<1000x1xf32> to vector<1000x128xf32>
    %mul3A_16 = arith.mulf %slice3A, %mul3A : vector<1000x128xf32>
    %swap3A = arith.constant 0 : index
    %swap3A_17 = arith.constant 0 : index
    %swap3A_18 = arith.constant 0 : index
    %swap3A_19 = vector.load %arg3[%swap3A, %swap3A_17, %swap3A_18] : memref<2x1000x128xf32, #tpu.memory_space<vmem>>, vector<1x1000x128xf32>
    %swap3A_20 = vector.shape_cast %swap3A_19 : vector<1x1000x128xf32> to vector<1000x128xf32>
    %swap3A_21 = vector.shape_cast %mul3A_16 : vector<1000x128xf32> to vector<1x1000x128xf32>
    tpu.vector_store %arg3[%swap3A, %swap3A_17, %swap3A_18], %swap3A_21 {strides = array<i32>} : memref<2x1000x128xf32, #tpu.memory_space<vmem>>, vector<1x1000x128xf32>,
    %slice3A_22 = vector.extract_strided_slice %get3A_15 {offsets = [0, 128], sizes = [1000, 128], strides = [1, 1]} : vector<1000x256xf32> to vector<1000x128xf32>
    %broadcast_in_dim3A_23 = vector.shape_cast %div3A_12 : vector<1000xf32> to vector<1000x1xf32>
    %mul3A_24 = vector.broadcast %broadcast_in_dim3A_23 : vector<1000x1xf32> to vector<1000x128xf32>
    %mul3A_25 = arith.mulf %slice3A_22, %mul3A_24 : vector<1000x128xf32>
    %swap3A_26 = arith.constant 1 : index
    %swap3A_27 = arith.constant 0 : index
    %swap3A_28 = arith.constant 0 : index
    %swap3A_29 = vector.load %arg3[%swap3A_26, %swap3A_27, %swap3A_28] : memref<2x1000x128xf32, #tpu.memory_space<vmem>>, vector<1x1000x128xf32>
    %swap3A_30 = vector.shape_cast %swap3A_29 : vector<1x1000x128xf32> to vector<1000x128xf32>
    %swap3A_31 = vector.shape_cast %mul3A_25 : vector<1000x128xf32> to vector<1x1000x128xf32>
    tpu.vector_store %arg3[%swap3A_26, %swap3A_27, %swap3A_28], %swap3A_31 {strides = array<i32>} : memref<2x1000x128xf32, #tpu.memory_space<vmem>>, vector<1x1000x128xf32>,
    return
  }
  func.func @transform_0(%arg0: i32) -> (i32, i32) {
    %c0_i32 = arith.constant 0 : i32
    %c0_i32_0 = arith.constant 0 : i32
    return %arg0, %c0_i32 : i32, i32
  }
  func.func @transform_1(%arg0: i32) -> (i32, i32, i32) {
    %c0_i32 = arith.constant 0 : i32
    %c0_i32_0 = arith.constant 0 : i32
    %c0_i32_1 = arith.constant 0 : i32
    return %c0_i32, %arg0, %c0_i32_0 : i32, i32, i32
  }
  func.func @transform_2(%arg0: i32) -> (i32, i32, i32) {
    %c0_i32 = arith.constant 0 : i32
    %c0_i32_0 = arith.constant 0 : i32
    %c0_i32_1 = arith.constant 0 : i32
    return %c0_i32, %arg0, %c0_i32_0 : i32, i32, i32
  }
}

module attributes {stable_mosaic.version = 14 : i64} {
  func.func @_final_body(%arg0: i32, %arg1: memref<1000x256xf32, #tpu.memory_space<vmem>>, %arg2: memref<2x1000x128xf32, #tpu.memory_space<vmem>>, %arg3: memref<2x1000x128xf32, #tpu.memory_space<vmem>>, %arg4: memref<272x256xf32, #tpu.memory_space<vmem>>, %arg5: memref<1x256xf32, #tpu.memory_space<vmem>>, %arg6: memref<1000x512xf32, #tpu.memory_space<vmem>>) attributes {dimension_semantics = [#tpu.dimension_semantics<arbitrary>], iteration_bounds = array<i64: 10>, scalar_prefetch = 0 : i64, scratch_operands = 0 : i64, tpu.core_type = #tpu.core_type<tc>, window_params = [{transform_indices = @transform_0, window_bounds = array<i64: 1000, 256>}, {transform_indices = @transform_1, window_bounds = array<i64: 2, 1000, 128>}, {transform_indices = @transform_2, window_bounds = array<i64: 2, 1000, 128>}, {pipeline_mode = #tpu.pipeline_mode<synchronous>, transform_indices = @transform_3, window_bounds = array<i64: 272, 256>}, {pipeline_mode = #tpu.pipeline_mode<synchronous>, transform_indices = @transform_4, window_bounds = array<i64: 1, 256>}, {transform_indices = @transform_5, window_bounds = array<i64: 1000, 512>}]} {
    %get3A = arith.constant 0 : index
    %get3A_0 = arith.constant 0 : index
    %get3A_1 = arith.constant 0 : index
    %get3A_2 = vector.load %arg2[%get3A, %get3A_0, %get3A_1] : memref<2x1000x128xf32, #tpu.memory_space<vmem>>, vector<1x1000x128xf32>
    %get3A_3 = vector.shape_cast %get3A_2 : vector<1x1000x128xf32> to vector<1000x128xf32>
    %get3A_4 = arith.constant 0 : index
    %get3A_5 = arith.constant 0 : index
    %get3A_6 = vector.load %arg4[%get3A_4, %get3A_5] : memref<272x256xf32, #tpu.memory_space<vmem>>, vector<128x256xf32>
    %dot_general3A = arith.constant dense<0.000000e+00> : vector<1000x256xf32>
    %dot_general3A_7 = tpu.matmul %get3A_3, %get3A_6, %dot_general3A {dimension_numbers = #tpu.dot_dimension_numbers<[1], [0], [0], [1], [0, 0, 1, 1], [], []>, transpose_lhs_hint = false} : vector<1000x128xf32>, vector<128x256xf32>, vector<1000x256xf32> -> vector<1000x256xf32>
    %get3A_8 = arith.constant 1 : index
    %get3A_9 = arith.constant 0 : index
    %get3A_10 = arith.constant 0 : index
    %get3A_11 = vector.load %arg2[%get3A_8, %get3A_9, %get3A_10] : memref<2x1000x128xf32, #tpu.memory_space<vmem>>, vector<1x1000x128xf32>
    %get3A_12 = vector.shape_cast %get3A_11 : vector<1x1000x128xf32> to vector<1000x128xf32>
    %get3A_13 = arith.constant 128 : index
    %get3A_14 = arith.constant 0 : index
    %get3A_15 = vector.load %arg4[%get3A_13, %get3A_14] : memref<272x256xf32, #tpu.memory_space<vmem>>, vector<128x256xf32>
    %dot_general3A_16 = arith.constant dense<0.000000e+00> : vector<1000x256xf32>
    %dot_general3A_17 = tpu.matmul %get3A_12, %get3A_15, %dot_general3A_16 {dimension_numbers = #tpu.dot_dimension_numbers<[1], [0], [0], [1], [0, 0, 1, 1], [], []>, transpose_lhs_hint = false} : vector<1000x128xf32>, vector<128x256xf32>, vector<1000x256xf32> -> vector<1000x256xf32>
    %add3A = arith.addf %dot_general3A_7, %dot_general3A_17 : vector<1000x256xf32>
    %get3A_18 = arith.constant 0 : index
    %get3A_19 = arith.constant 0 : index
    %get3A_20 = arith.constant 0 : index
    %get3A_21 = vector.load %arg3[%get3A_18, %get3A_19, %get3A_20] : memref<2x1000x128xf32, #tpu.memory_space<vmem>>, vector<1x1000x16xf32>
    %get3A_22 = vector.shape_cast %get3A_21 : vector<1x1000x16xf32> to vector<1000x16xf32>
    %get3A_23 = arith.constant 1 : index
    %get3A_24 = arith.constant 0 : index
    %get3A_25 = arith.constant 0 : index
    %get3A_26 = vector.load %arg3[%get3A_23, %get3A_24, %get3A_25] : memref<2x1000x128xf32, #tpu.memory_space<vmem>>, vector<1x1000x16xf32>
    %get3A_27 = vector.shape_cast %get3A_26 : vector<1x1000x16xf32> to vector<1000x16xf32>
    %add3A_28 = arith.addf %get3A_22, %get3A_27 : vector<1000x16xf32>
    %get3A_29 = arith.constant 256 : index
    %get3A_30 = arith.constant 0 : index
    %get3A_31 = vector.load %arg4[%get3A_29, %get3A_30] : memref<272x256xf32, #tpu.memory_space<vmem>>, vector<16x256xf32>
    %dot_general3A_32 = arith.constant dense<0.000000e+00> : vector<1000x256xf32>
    %dot_general3A_33 = tpu.matmul %add3A_28, %get3A_31, %dot_general3A_32 {dimension_numbers = #tpu.dot_dimension_numbers<[1], [0], [0], [1], [0, 0, 1, 1], [], []>, transpose_lhs_hint = false} : vector<1000x16xf32>, vector<16x256xf32>, vector<1000x256xf32> -> vector<1000x256xf32>
    %add3A_34 = arith.addf %add3A, %dot_general3A_33 : vector<1000x256xf32>
    %get3A_35 = arith.constant 0 : index
    %get3A_36 = arith.constant 0 : index
    %get3A_37 = arith.constant 16 : index
    %get3A_38 = vector.load %arg3[%get3A_35, %get3A_36, %get3A_37] : memref<2x1000x128xf32, #tpu.memory_space<vmem>>, vector<1x1000x1xf32>
    %get3A_39 = vector.shape_cast %get3A_38 : vector<1x1000x1xf32> to vector<1000xf32>
    %get3A_40 = arith.constant 1 : index
    %get3A_41 = arith.constant 0 : index
    %get3A_42 = arith.constant 16 : index
    %get3A_43 = vector.load %arg3[%get3A_40, %get3A_41, %get3A_42] : memref<2x1000x128xf32, #tpu.memory_space<vmem>>, vector<1x1000x1xf32>
    %get3A_44 = vector.shape_cast %get3A_43 : vector<1x1000x1xf32> to vector<1000xf32>
    %add3A_45 = arith.addf %get3A_39, %get3A_44 : vector<1000xf32>
    %max3A = arith.constant 1.000000e+00 : f32
    %max3A_46 = vector.broadcast %max3A : f32 to vector<1000xf32>
    %max3A_47 = arith.maximumf %add3A_45, %max3A_46 : vector<1000xf32>
    %sqrt3A = math.sqrt %max3A_47 : vector<1000xf32>
    %div3A = arith.constant 1.000000e+00 : f32
    %div3A_48 = vector.broadcast %div3A : f32 to vector<1000xf32>
    %div3A_49 = arith.divf %div3A_48, %sqrt3A : vector<1000xf32>
    %broadcast_in_dim3A = vector.shape_cast %div3A_49 : vector<1000xf32> to vector<1000x1xf32>
    %mul3A = vector.broadcast %broadcast_in_dim3A : vector<1000x1xf32> to vector<1000x256xf32>
    %mul3A_50 = arith.mulf %add3A_34, %mul3A : vector<1000x256xf32>
    %get3A_51 = arith.constant 0 : index
    %get3A_52 = arith.constant 0 : index
    %get3A_53 = vector.load %arg5[%get3A_51, %get3A_52] : memref<1x256xf32, #tpu.memory_space<vmem>>, vector<1x256xf32>
    %get3A_54 = vector.shape_cast %get3A_53 : vector<1x256xf32> to vector<256xf32>
    %broadcast_in_dim3A_55 = vector.shape_cast %get3A_54 : vector<256xf32> to vector<1x256xf32>
    %add3A_56 = vector.broadcast %broadcast_in_dim3A_55 : vector<1x256xf32> to vector<1000x256xf32>
    %add3A_57 = arith.addf %mul3A_50, %add3A_56 : vector<1000x256xf32>
    %get3A_58 = arith.constant 0 : index
    %get3A_59 = arith.constant 0 : index
    %get3A_60 = vector.load %arg1[%get3A_58, %get3A_59] : memref<1000x256xf32, #tpu.memory_space<vmem>>, vector<1000x256xf32>
    %swap3A = arith.constant 0 : index
    %swap3A_61 = arith.constant 0 : index
    %swap3A_62 = vector.load %arg6[%swap3A, %swap3A_61] : memref<1000x512xf32, #tpu.memory_space<vmem>>, vector<1000x256xf32>
    tpu.vector_store %arg6[%swap3A, %swap3A_61], %get3A_60 {strides = array<i32>} : memref<1000x512xf32, #tpu.memory_space<vmem>>, vector<1000x256xf32>,
    %swap3A_63 = arith.constant 0 : index
    %swap3A_64 = arith.constant 256 : index
    %swap3A_65 = vector.load %arg6[%swap3A_63, %swap3A_64] : memref<1000x512xf32, #tpu.memory_space<vmem>>, vector<1000x256xf32>
    tpu.vector_store %arg6[%swap3A_63, %swap3A_64], %add3A_57 {strides = array<i32>} : memref<1000x512xf32, #tpu.memory_space<vmem>>, vector<1000x256xf32>,
    return
  }
  func.func @transform_0(%arg0: i32) -> (i32, i32) {
    %c0_i32 = arith.constant 0 : i32
    %c0_i32_0 = arith.constant 0 : i32
    return %arg0, %c0_i32 : i32, i32
  }
  func.func @transform_1(%arg0: i32) -> (i32, i32, i32) {
    %c0_i32 = arith.constant 0 : i32
    %c0_i32_0 = arith.constant 0 : i32
    %c0_i32_1 = arith.constant 0 : i32
    return %c0_i32, %arg0, %c0_i32_0 : i32, i32, i32
  }
  func.func @transform_2(%arg0: i32) -> (i32, i32, i32) {
    %c0_i32 = arith.constant 0 : i32
    %c0_i32_0 = arith.constant 0 : i32
    %c0_i32_1 = arith.constant 0 : i32
    return %c0_i32, %arg0, %c0_i32_0 : i32, i32, i32
  }
  func.func @transform_3(%arg0: i32) -> (i32, i32) {
    %c0_i32 = arith.constant 0 : i32
    %c0_i32_0 = arith.constant 0 : i32
    %c0_i32_1 = arith.constant 0 : i32
    return %c0_i32, %c0_i32_0 : i32, i32
  }
  func.func @transform_4(%arg0: i32) -> (i32, i32) {
    %c0_i32 = arith.constant 0 : i32
    %c0_i32_0 = arith.constant 0 : i32
    %c0_i32_1 = arith.constant 0 : i32
    return %c0_i32, %c0_i32_0 : i32, i32
  }
  func.func @transform_5(%arg0: i32) -> (i32, i32) {
    %c0_i32 = arith.constant 0 : i32
    %c0_i32_0 = arith.constant 0 : i32
    return %arg0, %c0_i32 : i32, i32
  }
}

</mosaic_0001>

<sc_bundles>
// kernel: kernel.6.cloned.1.call-start
scs
__scs_entry_jumppad:
0x0: {  	(pc) =	sbr.rel $0x88, $3  }
0x1: {  	(tag) =	ssettag $0x0;
	lr =	simm.s32 $0x1  }
0x2: {  	[smem:$0x3F9C] =	sst lr;
	_ =	strace $0xD0000000  }
0x3: {  	_ = 	snop  }
0x4: {  	_ = 	snop  }
0x5: {  	_ = 	snop  }
0x6: {  	_ = 	snop  }
0x7: {  	_ = 	snop  }
__scs_overlays_trampoline_lowered:
0x8: {  	[smem:$0x3FAB] =	sst s0  }
0x9: {  	[smem:$0x3FAC] =	sst s1  }
0xa: {  	[smem:$0x3FAD] =	sst s2  }
0xb: {  	[smem:$0x3FAE] =	sst s3  }
0xc: {  	[smem:$0x3FAF] =	sst s4  }
0xd: {  	[smem:$0x3FB0] =	sst s5  }
0xe: {  	[smem:$0x3FB1] =	sst s6  }
0xf: {  	[smem:$0x3FB2] =	sst s7  }
0x10: {  	[smem:$0x3FB3] =	sst s8  }
0x11: {  	[smem:$0x3FB4] =	sst s9;
	s0 =	simm.s32 @!p0 $0x0  }
0x12: {  	s1 =	sld [smem:$0x3F9A];
	s0 =	simm.s32 @p0 $0x1  }
0x13: {  	[smem:$0x3FB5] =	sst s0;
	s0 =	simm.s32 @!p1 $0x0  }
0x14: {  	s2 =	sld [smem:$0x3F99];
	s0 =	simm.s32 @p1 $0x1  }
0x15: {  	[smem:$0x3FB6] =	sst s0;
	s0 =	simm.s32 @!p2 $0x0  }
0x16: {  	s3 =	sld [smem:$0x3FDB];
	s0 =	simm.s32 @p2 $0x1  }
0x17: {  	s4 =	simm.s32 $0x1BF5;
	[smem:$0x3FB8] =	sst s0  }
0x18: {  	s0 =	sld [smem:$0x3F9B];
	_ =	swait.ge [sflag:s4], $0x0  }
0x19: {  	s7 =	sld [smem:$0x3F9C]  }
0x1a: {  	s8 =	sadd.s32 $0xFFFFE003, lr  }
0x1b: {  	s9 =	sadd.s32 $0xFFFFFEF7, lr;
	s5 =	simm.s32 $0xFFFFFFFF;
	p2 =	slt.u32 s8, $0xFFFFF086  }
0x1c: {  	p1 =	slt.u32 s9, $0xF7A;
	s5 =	simm.s32 @!p2 $0x0  }
0x1d: {  	s5 =	simm.s32 @p1 $0x1;
	p0 =	seq.s32 s7, s2  }
0x1e: {  	s7 =	smul.u32 @!p0 $0xF7A, s2;
	p2 =	seq.s32 @!p0 s5, $0x0  }
0x1f: {  	s9 =	smul.u32 $0xF7A, s1;
	s8 =	simm.s32 @!p0 $0x1BF5;
	p2 =	por !p2, p0  }
0x20: {  	[sflag:s8] =	ssyncset.s32 @!p0 $0xFFFFF086;
	s6 =	sadd.s32 @!p0 s3, s7;
	s7 =	simm.s32 @!p0 $0x108  }
0x21: {  	s3 =	sadd.s32 s3, s9;
	s6 =	sadd.s32 @!p0 $0x88, s6;
	s7 =	simm.s32 @p2 $0x1082  }
0x22: {  	[simem:s7], [sflag:s8] =	dma.local @!p0 [hbm:s6], $0xF7A  }
0x23: {  	s9 =	sor.u32 $0xD0000000, s2;
	s6 =	simm.s32 $0x108;
	_ =	swait.ge @!p0 [sflag:s8], $0x0  }
0x24: {  	s3 =	sadd.s32 $0x88, s3;
	s6 =	simm.s32 @!p1 $0x1082;
	[sflag:s4] =	ssyncset.s32 $0xFFFFF086  }
0x25: {  	[simem:s6], [sflag:s4] =	dma.local [hbm:s3], $0xF7A  }
0x26: {  	[smem:$0x3F9C] =	sst s1;
	(tag) =	ssettag s2;
	_ =	strace s9  }
0x27: {  	s1 =	sld [smem:$0x3FAC]  }
0x28: {  	s2 =	sld [smem:$0x3FAD]  }
0x29: {  	s4 =	sld [smem:$0x3FAF]  }
0x2a: {  	p0 =	seq.s32 s5, $0x0;
	s5 =	sld [smem:$0x3FB0]  }
0x2b: {  	s6 =	sld [smem:$0x3FB1]  }
0x2c: {  	s7 =	sld [smem:$0x3FB2]  }
0x2d: {  	s3 =	simm.s32 $0x108;
	s8 =	sld [smem:$0x3FB3]  }
0x2e: {  	s3 =	simm.s32 @!p0 $0x1082;
	s9 =	sld [smem:$0x3FB4]  }
0x2f: {  	lr =	sadd.s32 s0, s3;
	s0 =	sld [smem:$0x3FAB]  }
0x30: {  	s3 =	sld [smem:$0x3FAE]  }
0x31: {  	[smem:$0x3FB7] =	sst s10  }
0x32: {  	s10 =	sld [smem:$0x3FB5];
	_ =	sdelay $0x3  }
0x33: {  	p0 =	seq.s32 s10, $0x1;
	s10 =	sld [smem:$0x3FB7];
	_ =	sdelay $0x3  }
0x34: {  	[smem:$0x3FB7] =	sst s10  }
0x35: {  	s10 =	sld [smem:$0x3FB6];
	_ =	sdelay $0x3  }
0x36: {  	p1 =	seq.s32 s10, $0x1;
	s10 =	sld [smem:$0x3FB7];
	_ =	sdelay $0x3  }
0x37: {  	[smem:$0x3FB7] =	sst s10  }
0x38: {  	s10 =	sld [smem:$0x3FB8]  }
0x39: {  	_ = 	snop;
	(pc) =	sbr.ind lr, $3  }
0x3a: {  	_ = 	snop  }
0x3b: {  	_ = 	snop  }
0x3c: {  	p2 =	seq.s32 s10, $0x1;
	s10 =	sld [smem:$0x3FB7]  }
0x3d: {  	_ =	shalt  }
0x3e: {  	_ =	shalt  }
0x3f: {  	_ =	shalt  }
0x40: {  	_ =	shalt  }
0x41: {  	_ =	shalt  }
0x42: {  	_ =	shalt  }
0x43: {  	_ =	shalt  }
0x44: {  	_ =	shalt  }
0x45: {  	_ =	shalt  }
0x46: {  	_ =	shalt  }
0x47: {  	_ =	shalt  }
0x48: {  	_ =	shalt  }
0x49: {  	_ =	shalt  }
0x4a: {  	_ =	shalt  }
0x4b: {  	_ =	shalt  }
0x4c: {  	_ =	shalt  }
0x4d: {  	_ =	shalt  }
0x4e: {  	_ =	shalt  }
0x4f: {  	_ =	shalt  }
0x50: {  	_ =	shalt  }
0x51: {  	_ =	shalt  }
0x52: {  	_ =	shalt  }
0x53: {  	_ =	shalt  }
0x54: {  	_ =	shalt  }
0x55: {  	_ =	shalt  }
0x56: {  	_ =	shalt  }
0x57: {  	_ =	shalt  }
0x58: {  	_ =	shalt  }
0x59: {  	_ =	shalt  }
0x5a: {  	_ =	shalt  }
0x5b: {  	_ =	shalt  }
0x5c: {  	_ =	shalt  }
0x5d: {  	_ =	shalt  }
0x5e: {  	_ =	shalt  }
0x5f: {  	_ =	shalt  }
0x60: {  	_ =	shalt  }
0x61: {  	_ =	shalt  }
0x62: {  	_ =	shalt  }
0x63: {  	_ =	shalt  }
0x64: {  	_ =	shalt  }
0x65: {  	_ =	shalt  }
0x66: {  	_ =	shalt  }
0x67: {  	_ =	shalt  }
0x68: {  	_ =	shalt  }
0x69: {  	_ =	shalt  }
0x6a: {  	_ =	shalt  }
0x6b: {  	_ =	shalt  }
0x6c: {  	_ =	shalt  }
0x6d: {  	_ =	shalt  }
0x6e: {  	_ =	shalt  }
0x6f: {  	_ =	shalt  }
0x70: {  	_ =	shalt  }
0x71: {  	_ =	shalt  }
0x72: {  	_ =	shalt  }
0x73: {  	_ =	shalt  }
0x74: {  	_ =	shalt  }
0x75: {  	_ =	shalt  }
0x76: {  	_ =	shalt  }
0x77: {  	_ =	shalt  }
0x78: {  	_ =	shalt  }
0x79: {  	_ =	shalt  }
0x7a: {  	_ =	shalt  }
0x7b: {  	_ =	shalt  }
0x7c: {  	_ =	shalt  }
0x7d: {  	_ =	shalt  }
0x7e: {  	_ =	shalt  }
0x7f: {  	_ =	shalt  }
0x80: {  	_ =	shalt  }
0x81: {  	_ =	shalt  }
0x82: {  	_ =	shalt  }
0x83: {  	_ =	shalt  }
0x84: {  	_ =	shalt  }
0x85: {  	_ =	shalt  }
0x86: {  	_ =	shalt  }
0x87: {  	_ =	shalt  }
.Lfunc_end0:
.L_simem_size_0:
called_computation_lowered:
.L_overlay_start_0:
0x88: {  	s2 =	sld [smem:$0x3FD9]  }
0x89: {  	s3 =	sld [smem:$0x3FFE];
	_ =	sdelay $0x1  }
0x8a: {  	s1 =	srdreg.scid  }
0x8b: {  	s0 =	sand.u32 $0x1, s1  }
0x8c: {  	s17 =	sshll.u32 s0, $0xA;
	s2 =	sadd.s32 s3, s2  }
0x8d: {  	s2 =	sadd.s32 s2, s17  }
0x8e: {  	[smem:$0x3FC3] =	sst s2  }
0x8f: {  	_ = 	snop  }
0x90: {  	s2 =	sld [smem:$0x3FD0];
	(tm) =	ssettm $0x1  }
0x91: {  	s18 =	sld [smem:$0x3FFB];
	_ =	sdelay $0x3  }
0x92: {  	_ =	strace s18  }
0x93: {  	s3 =	sld [smem:$0x3FFC];
	_ =	sdelay $0x3  }
0x94: {  	_ =	strace s3  }
0x95: {  	s3 =	sld [smem:$0x3FFD];
	_ =	sdelay $0x3  }
0x96: {  	_ =	strace s3  }
0x97: {  	_ =	strace $0x8FFFFFFF  }
0x98: {  	s19 =	sld [smem:$0x3FDB];
	_ =	sdelay $0x1  }
0x99: {  	s4 =	simm.s32 $_scs_section_size  }
0x9a: {  	s5 =	simm.s32 $_size__tile_overlayer_lowered;
	s6 =	simm.s32 $_tile_overlayer_lowered  }
0x9b: {  	s22 =	simm.s32 $0x1BFF;
	s21 =	sshll.u32 s6, $0x1;
	s3 =	sadd.s32 s4, s19  }
0x9c: {  	s7 =	simm.s32 $0x0;
	s20 =	sshll.u32 s5, $0x1;
	s5 =	sadd.s32 s21, s3  }
0x9d: {  	[timem:s7], [sflag:s22] =	dma.local [hbm:s5], s20  }
0x9e: {  	_ =	swait.ge [sflag:s22], s20  }
0x9f: {  	s4 =	ssub.s32 $0x0, s20;
	[sflag:s22] =	ssyncset.done $0x0  }
0xa0: {  	[sflag:s22] =	ssyncadd.s32 s4;
	_ =	sdelay $0x1  }
0xa1: {  	s23 =	simm.s32 $0x1B8B  }
0xa2: {  	_ =	swait.ge [sflag:s23], $0x1  }
0xa3: {  	[sflag:s23] =	ssyncset.done $0x0  }
0xa4: {  	s25 =	simm.s32 $0x1B8E;
	s24 =	sld [smem:$0x3FFE];
	[sflag:s23] =	ssyncadd.s32 $0xFFFFFFFF  }
0xa5: {  	s26 =	simm.s32 $execute0_lowered;
	[smem:$0x3FD2] =	sst s25  }
0xa6: {  	s5 =	sshll.u32 s26, $0x1;
	_ =	strace $0x80000046;
	[dreg:$0x1] =	wrdreg $0xFFFFFFFF  }
0xa7: {  	s28 =	simm.s32 $_size_execute0_lowered;
	s3 =	sadd.s32 s3, s5;
	[dreg:$0x0] =	wrdreg $0x0  }
0xa8: {  	s5 =	sshll.u32 s28, $0x1;
	[dreg:$0x2] =	wrdreg s3  }
0xa9: {  	[dreg:$0x3] =	wrdreg s5  }
0xaa: {  	[dreg:$0x4] =	wrdreg $0xC0  }
0xab: {  	_ =	task [dreg:s7], $0x5FFFF  }
0xac: {  	[dreg:$0x1] =	wrdreg $0xFFFFFFFF  }
0xad: {  	[dreg:$0x0] =	wrdreg $0x60  }
0xae: {  	[dreg:$0x2] =	wrdreg s24  }
0xaf: {  	[dreg:$0x3] =	wrdreg s2  }
0xb0: {  	[dreg:$0x4] =	wrdreg $0xBA000  }
0xb1: {  	[dreg:$0x5] =	wrdreg $0x9  }
0xb2: {  	_ =	task.clear_ibuf [dreg:s7], $0x6FFFF;
	_ =	strace $0x90000046  }
0xb3: {  	s29 =	simm.s32 $0x9;
	_ =	strace $0x80000048  }
0xb4: {  	_ =	swait.ge [sflag:s29], $0x1  }
0xb5: {  	[sflag:s29] =	ssyncadd.s32 $0xFFFFFFFF  }
0xb6: {  	_ =	strace $0x90000048  }
0xb7: {  	_ =	sfence  }
0xb8: {  	s30 =	sld [smem:$0x0];
	_ =	sdelay $0x2  }
0xb9: {  	s31 =	sshll.u32 s1, $0xD;
	s1 =	sshrl.u32 s1, $0x2  }
0xba: {  	s3 =	sand.u32 $0x4000, s31;
	s1 =	sadd.s32 s1, s30  }
0xbb: {  	s0 =	sor.u32 s3, s0;
	s1 =	sshll.u32 s1, $0x11  }
0xbc: {  	s0 =	sor.u32 s1, s0  }
0xbd: {  	s0 =	sadd.s32 $0x8F2B, s0  }
0xbe: {  	[sflag:s0] =	ssyncadd.remote.s32 $0x1  }
0xbf: {  	_ =	sfence.sel $0xFFFF  }
0xc0: {  	[dreg:$0x0] =	wrdreg $0xFFFFFFFF;
	(pc) =	sbr.abs _section_cstart, $3  }
0xc1: {  	[dreg:$0x1] =	wrdreg $0xFFFFFFFF  }
0xc2: {  	_ =	task.clear_ibuf [dreg:s7], $0x2FFFF;
	_ =	strace $0x9FFFFFFF  }
0xc3: {  	(tm) =	ssettm $0x7FFFFFFF  }
tec
execute0_lowered:
.L_overlay_start_1:
0x0: {  	(tag) =	ssettag $0x1  }
0x1: {  	s0 =	rddreg [dreg:$0x0]  }
0x2: {  	s1 =	rddreg [dreg:$0x1]  }
0x3: {  	s2 =	rddreg [dreg:$0x2];
	s3 =	simm.s32 $0x0  }
0x4: {  	s4 =	srdreg.scid;
	s16 =	simm.s32 $0x9200;
	s17 =	simm.s32 $0x3  }
0x5: {  	s18 =	simm.s32 $0x100;
	s19 =	simm.s32 $0x200;
	s20 =	simm.s32 $0x1  }
0x6: {  	s21 =	simm.s32 $0x80;
	s22 =	simm.s32 $0x1200;
	s23 =	simm.s32 $0x4  }
0x7: {  	s28 =	simm.s32 $0x0;
	[smem:$0x7FF] =	sst s3;
	s4 =	sand.u32 $0x1, s4  }
0x8: {  	s5 =	sadd.s32 $0x1C00, s0;
	_ =	strace $0x80000047;
	s7 =	smul.u32 $0x27100, s4  }
0x9: {  	s8 =	ssub.s32 $0x2, s4;
	s6 =	smul.u32 $0x271, s4;
	s4 =	stileid.u32  }
0xa: {  	s24 =	sshrl.u32 s8, $0x1;
	s25 =	ssub.s32 $0x8C, s4;
	s13 =	smul.u32 $0xA000, s4  }
0xb: {  	s14 =	smul.u32 $0x500, s4;
	s9 =	sadd.s32 s7, s0;
	s10 =	ssub.s32 s8, s24  }
0xc: {  	s11 =	sadd.s32 s4, s6;
	s7 =	sshrl.u32 s25, $0x4;
	s8 =	sadd.s32 $0x6A20, s0  }
0xd: {  	s24 =	simm.s32 $0x5200;
	s25 =	simm.s32 $0x2;
	s12 =	sshll.u32 s11, $0x4  }
0xe: {  	s26 =	sshll.u32 s11, $0x8;
	s31 =	sshrl.u32 s13, $0x2;
	s10 =	smax.u32 s10, $0x1  }
0xf: {  	s9 =	sadd.s32 s14, s9;
	s29 =	sadd.s32 s5, s12;
	[dreg:$0x7] =	wrdreg s10  }
0x10: {  	s30 =	sadd.s32 s12, s8;
	s0 =	sadd.s32 s1, s26;
	[dreg:$0x4] =	wrdreg s29  }
0x11: {  	s12 =	sadd.s32 $0x20, s6;
	s14 =	sadd.s32 s31, s2;
	[dreg:$0x5] =	wrdreg s30  }
0x12: {  	v0 =	vimm.f32 $0.0e+00;
	v1 =	vimm.f32 $1.000000000e+00;
	s15 =	sadd.s32 $0xBA00, s9;
	s26 =	simm.s32 $0x180;
	[dreg:$0x6] =	wrdreg s0  }
.LBB2_1:
0x13: {  	s29 =	simm.s32 $0x0;
	s0 =	simm.s32 $0x200  }
.LBB2_2:
0x14: {  	p0 =	sne.s32 s0, $0x9E00;
	[tilespmem:s29+$0x9270] =	vst v0  }
0x15: {  	[tilespmem:s29+$0x9200] =	vst v0  }
0x16: {  	[tilespmem:s29+$0x9210] =	vst v0  }
.Ltmp0:
0x17: {  	[tilespmem:s29+$0x9220] =	vst v0;
	(pc) =	sbr.rel @p0 .LBB2_2-.Ltmp0, $4  }
0x18: {  	[tilespmem:s29+$0x9230] =	vst v0  }
0x19: {  	[tilespmem:s29+$0x9240] =	vst v0  }
0x1a: {  	[tilespmem:s29+$0x9250] =	vst v0  }
0x1b: {  	[tilespmem:s29+$0x9260] =	vst v0;
	s29 =	sshra.s32 s0, $0x2;
	s0 =	sadd.s32 $0x200, s0  }
0x1c: {  	[tilespmem:s29+$0x9270] =	vst v0  }
0x1d: {  	[tilespmem:s29+$0x9200] =	vst v0  }
0x1e: {  	[tilespmem:s29+$0x9210] =	vst v0  }
0x1f: {  	[tilespmem:s29+$0x9220] =	vst v0  }
0x20: {  	[tilespmem:s29+$0x9230] =	vst v0  }
0x21: {  	[tilespmem:s29+$0x9240] =	vst v0  }
0x22: {  	[tilespmem:s29+$0x9250] =	vst v0  }
0x23: {  	[tilespmem:s29+$0x9260] =	vst v0;
	s29 =	simm.s32 $0x0;
	s0 =	simm.s32 $0x200  }
.LBB2_4:
0x24: {  	p0 =	sne.s32 s0, $0xFE00;
	[tilespmem:s29+$0x1270] =	vst v0  }
0x25: {  	[tilespmem:s29+$0x1200] =	vst v0  }
0x26: {  	[tilespmem:s29+$0x1210] =	vst v1  }
.Ltmp1:
0x27: {  	[tilespmem:s29+$0x1220] =	vst v0;
	(pc) =	sbr.rel @p0 .LBB2_4-.Ltmp1, $4  }
0x28: {  	[tilespmem:s29+$0x1230] =	vst v0  }
0x29: {  	[tilespmem:s29+$0x1240] =	vst v0  }
0x2a: {  	[tilespmem:s29+$0x1250] =	vst v0  }
0x2b: {  	[tilespmem:s29+$0x1260] =	vst v0;
	s29 =	sshra.s32 s0, $0x2;
	s0 =	sadd.s32 $0x200, s0  }
0x2c: {  	[tilespmem:s29+$0x1270] =	vst v0  }
0x2d: {  	[tilespmem:s29+$0x1200] =	vst v0  }
0x2e: {  	[tilespmem:s29+$0x1210] =	vst v1  }
0x2f: {  	[tilespmem:s29+$0x1220] =	vst v0  }
0x30: {  	[tilespmem:s29+$0x1230] =	vst v0  }
0x31: {  	[tilespmem:s29+$0x1240] =	vst v0  }
0x32: {  	[tilespmem:s29+$0x1250] =	vst v0  }
0x33: {  	[tilespmem:s29+$0x1260] =	vst v0;
	s29 =	simm.s32 $0x0;
	s0 =	simm.s32 $0x200  }
.LBB2_6:
0x34: {  	p0 =	sne.s32 s0, $0xFE00;
	[tilespmem:s29+$0x5270] =	vst v0  }
0x35: {  	[tilespmem:s29+$0x5200] =	vst v0  }
0x36: {  	[tilespmem:s29+$0x5210] =	vst v0  }
.Ltmp2:
0x37: {  	[tilespmem:s29+$0x5220] =	vst v1;
	(pc) =	sbr.rel @p0 .LBB2_6-.Ltmp2, $4  }
0x38: {  	[tilespmem:s29+$0x5230] =	vst v0  }
0x39: {  	[tilespmem:s29+$0x5240] =	vst v0  }
0x3a: {  	[tilespmem:s29+$0x5250] =	vst v0  }
0x3b: {  	[tilespmem:s29+$0x5260] =	vst v0;
	s29 =	sshra.s32 s0, $0x2;
	s0 =	sadd.s32 $0x200, s0  }
0x3c: {  	[tilespmem:s29+$0x5270] =	vst v0  }
0x3d: {  	[tilespmem:s29+$0x5200] =	vst v0  }
0x3e: {  	[tilespmem:s29+$0x5210] =	vst v0  }
0x3f: {  	[tilespmem:s29+$0x5220] =	vst v1  }
0x40: {  	[tilespmem:s29+$0x5230] =	vst v0  }
0x41: {  	[tilespmem:s29+$0x5240] =	vst v0;
	p0 =	sne.s32 s7, $0x1  }
.Ltmp3:
0x42: {  	[tilespmem:s29+$0x5250] =	vst v0;
	(pc) =	sbr.rel @!p0 .LBB2_9-.Ltmp3, $4  }
0x43: {  	[tilespmem:s29+$0x5260] =	vst v0  }
0x44: {  	[spmem:s14] =	stream.linear.scatter [tilespmem:s16], [sflag:$0x3], $0x2800, $0x38;
	[tilespmem:$0x1F280] =	vst v63  }
0x45: {  	_ =	swait.ge [sflag:s17], $0x2800  }
0x46: {  	s0 =	sadd.s32 $0xFFFFFFFF, s7;
	s9 =	smov.u32 s14;
	[sflag:s17] =	ssyncset.done $0x0  }
.LBB2_8:
0x47: {  	p1 =	sne.s32 s0, $0x1;
	[sflag:s17] =	ssyncadd.s32 $0xFFFFD800;
	s9 =	sadd.s32 $0x28000, s9  }
.Ltmp4:
0x48: {  	s0 =	sadd.s32 $0xFFFFFFFF, s0;
	(pc) =	sbr.rel @p1 .LBB2_8-.Ltmp4, $4  }
0x49: {  	_ = 	snop  }
0x4a: {  	[spmem:s9] =	stream.linear.scatter [tilespmem:s16], [sflag:$0x3], $0x2800, $0x38;
	[tilespmem:$0x1F280] =	vst v63  }
0x4b: {  	_ =	swait.ge [sflag:s17], $0x2800  }
0x4c: {  	[sflag:s17] =	ssyncset.done $0x0  }
.LBB2_9:
0x4d: {  	[sflag:s17] =	ssyncadd.s32 $0xFFFFD800  }
0x4e: {  	[bflag:$0x0] =	sbarrier.arrive $0xFFFF  }
0x4f: {  	s29 =	simm.s32 $0x0;
	s0 =	rddreg [dreg:$0x4]  }
0x50: {  	[tilespmem:s29], [sflag:$0x1] =	stream.linear.gather [hbm4b:s0+s29], $0x80, $0x38;
	[tilespmem:$0x1F280] =	vst v63  }
.Ltmp5:
0x51: {  	_ = 	snop;
	(pc) =	sbr.rel .LBB2_10-.Ltmp5, $4  }
0x52: {  	s13 =	rddreg [dreg:$0x5]  }
0x53: {  	[tilespmem:s18], [sflag:$0x1] =	stream.linear.gather [hbm4b:s13+s29], $0x80, $0x38;
	[tilespmem:$0x1F280] =	vst v63  }
0x54: {  	s30 =	simm.s32 $0x0;
	s31 =	rddreg [dreg:$0x6]  }
0x55: {  	[tilespmem:s19], [sflag:$0x1] =	stream.linear.gather [hbm4b:s31+s29], $0x800, $0x38;
	[tilespmem:$0x1F280] =	vst v63  }
.LBB2_18:
0x56: {  	s30 =	sadd.s32 $0x1, s30  }
0x57: {  	p1 =	sne.s32 s30, $0x14  }
.Ltmp6:
0x58: {  	_ = 	snop;
	(pc) =	sbr.rel @!p1 .LBB2_19-.Ltmp6, $1  }
0x59: {  	_ =	sdelay $0x3  }
.LBB2_10:
0x5a: {  	s0 =	sshll.u32 s30, $0x5  }
0x5b: {  	s31 =	sor.u32 s4, s0  }
0x5c: {  	s0 =	sor.u32 $0x10, s31  }
0x5d: {  	p1 =	sgt.u32 s0, $0x270  }
0x5e: {  	s0 =	sadd.s32 @!p1 s6, s0  }
0x5f: {  	s9 =	sshll.u32 @!p1 s0, $0x4  }
0x60: {  	s11 =	simm.s32 @!p1 $0x0;
	s13 =	simm.s32 @!p1 $0x80;
	s10 =	sadd.s32 @!p1 s5, s9  }
0x61: {  	[tilespmem:s13], [sflag:$0x2] =	stream.linear.gather @!p1 [hbm4b:s10+s11], $0x80, $0x38;
	[tilespmem:$0x1F280] =	vst v63  }
0x62: {  	s0 =	sshll.u32 @!p1 s0, $0x8;
	s9 =	sadd.s32 @!p1 s9, s8;
	s10 =	simm.s32 @!p1 $0x180  }
0x63: {  	[tilespmem:s10], [sflag:$0x2] =	stream.linear.gather @!p1 [hbm4b:s9+s11], $0x80, $0x38;
	[tilespmem:$0x1F280] =	vst v63  }
0x64: {  	s0 =	sadd.s32 @!p1 s1, s0;
	s9 =	simm.s32 @!p1 $0xA00  }
0x65: {  	[tilespmem:s9], [sflag:$0x2] =	stream.linear.gather @!p1 [hbm4b:s0+s11], $0x800, $0x38;
	[tilespmem:$0x1F280] =	vst v63  }
0x66: {  	_ =	swait.ge [sflag:s20], $0x80  }
0x67: {  	[sflag:s20] =	ssyncset.done $0x0  }
0x68: {  	[sflag:s20] =	ssyncadd.s32 $0xFFFFFF80  }
0x69: {  	_ =	swait.ge [sflag:s20], $0x80  }
0x6a: {  	[sflag:s20] =	ssyncset.done $0x0  }
0x6b: {  	[sflag:s20] =	ssyncadd.s32 $0xFFFFFF80  }
0x6c: {  	s11 =	sand.u32 $0x1E00, s29;
	_ =	swait.ge [sflag:s20], $0x800  }
0x6d: {  	s13 =	sand.u32 $0x70, s29;
	s0 =	sshrl.u32 s11, $0x2;
	[sflag:s20] =	ssyncset.done $0x0  }
0x6e: {  	s0 =	sor.u32 s13, s0;
	[sflag:s20] =	ssyncadd.s32 $0xFFFFF800  }
0x6f: {  	v2 =	vld [tilespmem:s0+$0x200];
	_ =	sdelay $0x1  }
0x70: {  	s10 =	simm.s32 $0x40  }
0x71: {  	s11 =	simm.s32 $0x10;
	s13 =	sand.u32 $0x1E00, s10  }
0x72: {  	s9 =	sand.u32 $0x70, s11;
	s10 =	sshrl.u32 s13, $0x2;
	s0 =	simm.s32 $0x1200  }
0x73: {  	s10 =	sor.u32 s9, s10;
	[tilespmem:s0+$0x0] =	vst v2  }
0x74: {  	v2 =	vld [tilespmem:s10+$0x200]  }
0x75: {  	s9 =	simm.s32 $0x80;
	s10 =	simm.s32 $0x20  }
.LBB2_11:
0x76: {  	s11 =	sand.u32 $0x1E00, s9  }
0x77: {  	p2 =	sne.s32 s9, $0x1FC0;
	s9 =	sadd.s32 $0x40, s9;
	s13 =	sand.u32 $0x70, s10  }
.Ltmp7:
0x78: {  	s0 =	sadd.s32 $0x80, s0;
	s11 =	sshrl.u32 s11, $0x2;
	(pc) =	sbr.rel @p2 .LBB2_11-.Ltmp7, $3  }
0x79: {  	s11 =	sor.u32 s13, s11;
	[tilespmem:s0+$0x0] =	vst v2  }
0x7a: {  	v2 =	vld [tilespmem:s11+$0x200];
	_ =	sdelay $0x1  }
0x7b: {  	s10 =	sadd.s32 $0x10, s10  }
0x7c: {  	_ = 	snop  }
0x7d: {  	s0 =	sadd.s32 $0x80, s0  }
0x7e: {  	[tilespmem:s0+$0x0] =	vst v2  }
0x7f: {  	[spmem:s2] =	stream.indirect.scatter.add.f32 [tilespmem:s22], [sflag:$0x4], $0x80, s18, s21, $0xb8;
	[tilespmem:$0x1F280] =	vst v63  }
0x80: {  	_ =	swait.ge [sflag:s23], $0x4000  }
0x81: {  	p2 =	sgt.u32 s31, $0x250;
	[sflag:s23] =	ssyncset.done $0x0  }
.Ltmp8:
0x82: {  	[sflag:s23] =	ssyncadd.s32 $0xFFFFC000;
	(pc) =	sbr.rel @p2 .LBB2_14-.Ltmp8, $4  }
0x83: {  	[spmem:s2] =	stream.indirect.scatter.add.f32 [tilespmem:s24], [sflag:$0x4], $0x80, s3, s21, $0xb8;
	[tilespmem:$0x1F280] =	vst v63  }
0x84: {  	_ =	swait.ge [sflag:s23], $0x4000  }
0x85: {  	[sflag:s23] =	ssyncset.done $0x0  }
0x86: {  	[sflag:s23] =	ssyncadd.s32 $0xFFFFC000  }
0x87: {  	s0 =	sadd.s32 s31, s12  }
0x88: {  	s9 =	sshll.u32 s0, $0x4  }
0x89: {  	s10 =	sadd.s32 s5, s9  }
0x8a: {  	[tilespmem:s3], [sflag:$0x1] =	stream.linear.gather [hbm4b:s10+s3], $0x80, $0x38;
	[tilespmem:$0x1F280] =	vst v63  }
.Ltmp9:
0x8b: {  	_ = 	snop;
	(pc) =	sbr.rel .LBB2_15-.Ltmp9, $4  }
0x8c: {  	s0 =	sshll.u32 s0, $0x8;
	s9 =	sadd.s32 s9, s8  }
0x8d: {  	[tilespmem:s18], [sflag:$0x1] =	stream.linear.gather [hbm4b:s9+s3], $0x80, $0x38;
	[tilespmem:$0x1F280] =	vst v63  }
0x8e: {  	s0 =	sadd.s32 s1, s0  }
0x8f: {  	[tilespmem:s19], [sflag:$0x1] =	stream.linear.gather [hbm4b:s0+s3], $0x800, $0x38;
	[tilespmem:$0x1F280] =	vst v63  }
.LBB2_14:
.Ltmp10:
0x90: {  	(pc) =	sbr.rel @p1 .LBB2_18-.Ltmp10, $1  }
0x91: {  	_ =	sdelay $0x3  }
.LBB2_15:
0x92: {  	_ =	swait.ge [sflag:s25], $0x80  }
0x93: {  	[sflag:s25] =	ssyncset.done $0x0  }
0x94: {  	[sflag:s25] =	ssyncadd.s32 $0xFFFFFF80  }
0x95: {  	_ =	swait.ge [sflag:s25], $0x80  }
0x96: {  	[sflag:s25] =	ssyncset.done $0x0  }
0x97: {  	s0 =	simm.s32 $0x0;
	[sflag:s25] =	ssyncadd.s32 $0xFFFFFF80  }
0x98: {  	s9 =	sand.u32 $0x1E00, s0;
	_ =	swait.ge [sflag:s25], $0x800  }
0x99: {  	s0 =	sand.u32 $0x70, s0;
	s9 =	sshrl.u32 s9, $0x2;
	[sflag:s25] =	ssyncset.done $0x0  }
0x9a: {  	s0 =	sor.u32 s0, s9;
	[sflag:s25] =	ssyncadd.s32 $0xFFFFF800  }
0x9b: {  	v2 =	vld [tilespmem:s0+$0xA00];
	_ =	sdelay $0x1  }
0x9c: {  	s13 =	simm.s32 $0x40  }
0x9d: {  	s31 =	simm.s32 $0x10;
	s10 =	sand.u32 $0x1E00, s13  }
0x9e: {  	s10 =	sshrl.u32 s10, $0x2;
	s9 =	sand.u32 $0x70, s31;
	s0 =	simm.s32 $0x1200  }
0x9f: {  	s10 =	sor.u32 s9, s10;
	[tilespmem:s0+$0x0] =	vst v2  }
0xa0: {  	v2 =	vld [tilespmem:s10+$0xA00]  }
0xa1: {  	s9 =	simm.s32 $0x80;
	s10 =	simm.s32 $0x20  }
.LBB2_16:
0xa2: {  	s11 =	sand.u32 $0x1E00, s9  }
0xa3: {  	p1 =	sne.s32 s9, $0x1FC0;
	s9 =	sadd.s32 $0x40, s9;
	s13 =	sand.u32 $0x70, s10  }
.Ltmp11:
0xa4: {  	s0 =	sadd.s32 $0x80, s0;
	s11 =	sshrl.u32 s11, $0x2;
	(pc) =	sbr.rel @p1 .LBB2_16-.Ltmp11, $3  }
0xa5: {  	s11 =	sor.u32 s13, s11;
	[tilespmem:s0+$0x0] =	vst v2  }
0xa6: {  	v2 =	vld [tilespmem:s11+$0xA00];
	_ =	sdelay $0x1  }
0xa7: {  	s10 =	sadd.s32 $0x10, s10  }
0xa8: {  	_ = 	snop  }
0xa9: {  	s0 =	sadd.s32 $0x80, s0  }
0xaa: {  	[tilespmem:s0+$0x0] =	vst v2  }
0xab: {  	[spmem:s2] =	stream.indirect.scatter.add.f32 [tilespmem:s22], [sflag:$0x4], $0x80, s26, s21, $0xb8;
	[tilespmem:$0x1F280] =	vst v63  }
0xac: {  	_ =	swait.ge [sflag:s23], $0x4000  }
0xad: {  	[sflag:s23] =	ssyncset.done $0x0  }
.Ltmp12:
0xae: {  	[sflag:s23] =	ssyncadd.s32 $0xFFFFC000;
	(pc) =	sbr.rel .LBB2_18-.Ltmp12, $4  }
0xaf: {  	[spmem:s2] =	stream.indirect.scatter.add.f32 [tilespmem:s24], [sflag:$0x3], $0x80, s21, s21, $0xb8;
	[tilespmem:$0x1F280] =	vst v63  }
0xb0: {  	_ =	swait.ge [sflag:s17], $0x4000  }
0xb1: {  	[sflag:s17] =	ssyncset.done $0x0  }
0xb2: {  	[sflag:s17] =	ssyncadd.s32 $0xFFFFC000  }
.LBB2_19:
.Ltmp13:
0xb3: {  	(pc) =	sbr.rel @!p0 .LBB2_21-.Ltmp13, $4  }
0xb4: {  	s0 =	sshll.u32 s4, $0x6;
	[bflag:$0x0] =	sbarrier.arrive $0xFFFF  }
0xb5: {  	s9 =	sshrl.u32 s14, $0x3;
	s29 =	sadd.s32 $0xFFFFFFFF, s7;
	s0 =	sor.u32 $0x1C03, s0  }
0xb6: {  	[hbm:s15], [sflag:s0] =	dma.local [spmem:s9], $0x500  }
0xb7: {  	s30 =	smov.u32 s14;
	s9 =	sadd.s32 $0x5000, s15;
	_ =	swait.ge [sflag:s17], $0x500  }
.LBB2_20:
0xb8: {  	[sflag:s17] =	ssyncset.done $0x0;
	s30 =	sadd.s32 $0x28000, s30;
	p0 =	sne.s32 s29, $0x1  }
.Ltmp14:
0xb9: {  	s10 =	sshrl.u32 s30, $0x3;
	[sflag:s17] =	ssyncadd.s32 $0xFFFFFB00;
	(pc) =	sbr.rel @p0 .LBB2_20-.Ltmp14, $3  }
0xba: {  	[hbm:s9], [sflag:s0] =	dma.local [spmem:s10], $0x500  }
0xbb: {  	s29 =	sadd.s32 $0xFFFFFFFF, s29;
	_ =	sdelay $0x1  }
0xbc: {  	s9 =	sadd.s32 $0x5000, s9;
	_ =	swait.ge [sflag:s17], $0x500  }
.LBB2_21:
0xbd: {  	s28 =	sadd.s32 $0x1, s28;
	s0 =	rddreg [dreg:$0x7]  }
0xbe: {  	p0 =	sne.s32 s28, s0  }
.Ltmp15:
0xbf: {  	_ = 	snop;
	(pc) =	sbr.rel @p0 .LBB2_1-.Ltmp15, $3  }
0xc0: {  	_ =	sdelay $0x1  }
0xc1: {  	[sflag:s17] =	ssyncset.done $0x0  }
0xc2: {  	[sflag:s17] =	ssyncadd.s32 $0xFFFFFB00  }
0xc3: {  	_ =	sfence.sel $0x180000  }
0xc4: {  	[bflag:$0x0] =	sbarrier.arrive $0xFFFF  }
0xc5: {  	_ =	strace $0x90000047  }
0xc6: {  	[bflag:$0x2] =	sbarrier.arrive $0xFFFF  }
0xc7: {  	p0 =	sne.s32 s4, $0x0;
	s0 =	rddreg [dreg:$0x3]  }
0xc8: {  	s0 =	sadd.s32 @!p0 $0x100000, s0  }
0xc9: {  	[sflag:s0] =	ssyncadd.tile.s32 @!p0 $0x1;
	_ =	shalt  }
.Lfunc_end2:
_tile_overlayer_lowered:
.L_overlay_start_2:
0xca: {  	(tag) =	ssettag $0x2  }
0xcb: {  	s0 =	rddreg [dreg:$0x0];
	s2 =	stileid.u32  }
0xcc: {  	s1 =	rddreg [dreg:$0x1];
	p0 =	sne.s32 s2, $0x0  }
0xcd: {  	s3 =	rddreg [dreg:$0x2];
	[bflag:$0x3] =	sbarrier.arrive $0xFFFF;
	s2 =	simm.s32 @!p0 $0x1C03  }
0xce: {  	[timem:s3], [sflag:s2] =	dma.local @!p0 [hbm:s0], s1  }
0xcf: {  	s0 =	simm.s32 @!p0 $0x3  }
0xd0: {  	_ =	swait.ge @!p0 [sflag:s0], s1  }
0xd1: {  	s1 =	ssub.s32 @!p0 $0x0, s1;
	[sflag:s0] =	ssyncset.done @!p0 $0x0  }
0xd2: {  	[sflag:s0] =	ssyncadd.s32 @!p0 s1  }
0xd3: {  	[bflag:$0x3] =	sbarrier.arrive $0xFFFF  }
0xd4: {  	_ =	shalt  }

// kernel: kernel.9.cloned.1.call-start
scs
__scs_entry_jumppad:
0x0: {  	(pc) =	sbr.rel $0x88, $3  }
0x1: {  	(tag) =	ssettag $0x0;
	lr =	simm.s32 $0x1  }
0x2: {  	[smem:$0x3F9C] =	sst lr;
	_ =	strace $0xD0000000  }
0x3: {  	_ = 	snop  }
0x4: {  	_ = 	snop  }
0x5: {  	_ = 	snop  }
0x6: {  	_ = 	snop  }
0x7: {  	_ = 	snop  }
__scs_overlays_trampoline_lowered:
0x8: {  	[smem:$0x3FAB] =	sst s0  }
0x9: {  	[smem:$0x3FAC] =	sst s1  }
0xa: {  	[smem:$0x3FAD] =	sst s2  }
0xb: {  	[smem:$0x3FAE] =	sst s3  }
0xc: {  	[smem:$0x3FAF] =	sst s4  }
0xd: {  	[smem:$0x3FB0] =	sst s5  }
0xe: {  	[smem:$0x3FB1] =	sst s6  }
0xf: {  	[smem:$0x3FB2] =	sst s7  }
0x10: {  	[smem:$0x3FB3] =	sst s8  }
0x11: {  	[smem:$0x3FB4] =	sst s9;
	s0 =	simm.s32 @!p0 $0x0  }
0x12: {  	s1 =	sld [smem:$0x3F9A];
	s0 =	simm.s32 @p0 $0x1  }
0x13: {  	[smem:$0x3FB5] =	sst s0;
	s0 =	simm.s32 @!p1 $0x0  }
0x14: {  	s2 =	sld [smem:$0x3F99];
	s0 =	simm.s32 @p1 $0x1  }
0x15: {  	[smem:$0x3FB6] =	sst s0;
	s0 =	simm.s32 @!p2 $0x0  }
0x16: {  	s3 =	sld [smem:$0x3FDB];
	s0 =	simm.s32 @p2 $0x1  }
0x17: {  	s4 =	simm.s32 $0x1BF5;
	[smem:$0x3FB8] =	sst s0  }
0x18: {  	s0 =	sld [smem:$0x3F9B];
	_ =	swait.ge [sflag:s4], $0x0  }
0x19: {  	s7 =	sld [smem:$0x3F9C]  }
0x1a: {  	s8 =	sadd.s32 $0xFFFFE003, lr  }
0x1b: {  	s9 =	sadd.s32 $0xFFFFFEF7, lr;
	s5 =	simm.s32 $0xFFFFFFFF;
	p2 =	slt.u32 s8, $0xFFFFF086  }
0x1c: {  	p1 =	slt.u32 s9, $0xF7A;
	s5 =	simm.s32 @!p2 $0x0  }
0x1d: {  	s5 =	simm.s32 @p1 $0x1;
	p0 =	seq.s32 s7, s2  }
0x1e: {  	s7 =	smul.u32 @!p0 $0xF7A, s2;
	p2 =	seq.s32 @!p0 s5, $0x0  }
0x1f: {  	s9 =	smul.u32 $0xF7A, s1;
	s8 =	simm.s32 @!p0 $0x1BF5;
	p2 =	por !p2, p0  }
0x20: {  	[sflag:s8] =	ssyncset.s32 @!p0 $0xFFFFF086;
	s6 =	sadd.s32 @!p0 s3, s7;
	s7 =	simm.s32 @!p0 $0x108  }
0x21: {  	s3 =	sadd.s32 s3, s9;
	s6 =	sadd.s32 @!p0 $0x88, s6;
	s7 =	simm.s32 @p2 $0x1082  }
0x22: {  	[simem:s7], [sflag:s8] =	dma.local @!p0 [hbm:s6], $0xF7A  }
0x23: {  	s9 =	sor.u32 $0xD0000000, s2;
	s6 =	simm.s32 $0x108;
	_ =	swait.ge @!p0 [sflag:s8], $0x0  }
0x24: {  	s3 =	sadd.s32 $0x88, s3;
	s6 =	simm.s32 @!p1 $0x1082;
	[sflag:s4] =	ssyncset.s32 $0xFFFFF086  }
0x25: {  	[simem:s6], [sflag:s4] =	dma.local [hbm:s3], $0xF7A  }
0x26: {  	[smem:$0x3F9C] =	sst s1;
	(tag) =	ssettag s2;
	_ =	strace s9  }
0x27: {  	s1 =	sld [smem:$0x3FAC]  }
0x28: {  	s2 =	sld [smem:$0x3FAD]  }
0x29: {  	s4 =	sld [smem:$0x3FAF]  }
0x2a: {  	p0 =	seq.s32 s5, $0x0;
	s5 =	sld [smem:$0x3FB0]  }
0x2b: {  	s6 =	sld [smem:$0x3FB1]  }
0x2c: {  	s7 =	sld [smem:$0x3FB2]  }
0x2d: {  	s3 =	simm.s32 $0x108;
	s8 =	sld [smem:$0x3FB3]  }
0x2e: {  	s3 =	simm.s32 @!p0 $0x1082;
	s9 =	sld [smem:$0x3FB4]  }
0x2f: {  	lr =	sadd.s32 s0, s3;
	s0 =	sld [smem:$0x3FAB]  }
0x30: {  	s3 =	sld [smem:$0x3FAE]  }
0x31: {  	[smem:$0x3FB7] =	sst s10  }
0x32: {  	s10 =	sld [smem:$0x3FB5];
	_ =	sdelay $0x3  }
0x33: {  	p0 =	seq.s32 s10, $0x1;
	s10 =	sld [smem:$0x3FB7];
	_ =	sdelay $0x3  }
0x34: {  	[smem:$0x3FB7] =	sst s10  }
0x35: {  	s10 =	sld [smem:$0x3FB6];
	_ =	sdelay $0x3  }
0x36: {  	p1 =	seq.s32 s10, $0x1;
	s10 =	sld [smem:$0x3FB7];
	_ =	sdelay $0x3  }
0x37: {  	[smem:$0x3FB7] =	sst s10  }
0x38: {  	s10 =	sld [smem:$0x3FB8]  }
0x39: {  	_ = 	snop;
	(pc) =	sbr.ind lr, $3  }
0x3a: {  	_ = 	snop  }
0x3b: {  	_ = 	snop  }
0x3c: {  	p2 =	seq.s32 s10, $0x1;
	s10 =	sld [smem:$0x3FB7]  }
0x3d: {  	_ =	shalt  }
0x3e: {  	_ =	shalt  }
0x3f: {  	_ =	shalt  }
0x40: {  	_ =	shalt  }
0x41: {  	_ =	shalt  }
0x42: {  	_ =	shalt  }
0x43: {  	_ =	shalt  }
0x44: {  	_ =	shalt  }
0x45: {  	_ =	shalt  }
0x46: {  	_ =	shalt  }
0x47: {  	_ =	shalt  }
0x48: {  	_ =	shalt  }
0x49: {  	_ =	shalt  }
0x4a: {  	_ =	shalt  }
0x4b: {  	_ =	shalt  }
0x4c: {  	_ =	shalt  }
0x4d: {  	_ =	shalt  }
0x4e: {  	_ =	shalt  }
0x4f: {  	_ =	shalt  }
0x50: {  	_ =	shalt  }
0x51: {  	_ =	shalt  }
0x52: {  	_ =	shalt  }
0x53: {  	_ =	shalt  }
0x54: {  	_ =	shalt  }
0x55: {  	_ =	shalt  }
0x56: {  	_ =	shalt  }
0x57: {  	_ =	shalt  }
0x58: {  	_ =	shalt  }
0x59: {  	_ =	shalt  }
0x5a: {  	_ =	shalt  }
0x5b: {  	_ =	shalt  }
0x5c: {  	_ =	shalt  }
0x5d: {  	_ =	shalt  }
0x5e: {  	_ =	shalt  }
0x5f: {  	_ =	shalt  }
0x60: {  	_ =	shalt  }
0x61: {  	_ =	shalt  }
0x62: {  	_ =	shalt  }
0x63: {  	_ =	shalt  }
0x64: {  	_ =	shalt  }
0x65: {  	_ =	shalt  }
0x66: {  	_ =	shalt  }
0x67: {  	_ =	shalt  }
0x68: {  	_ =	shalt  }
0x69: {  	_ =	shalt  }
0x6a: {  	_ =	shalt  }
0x6b: {  	_ =	shalt  }
0x6c: {  	_ =	shalt  }
0x6d: {  	_ =	shalt  }
0x6e: {  	_ =	shalt  }
0x6f: {  	_ =	shalt  }
0x70: {  	_ =	shalt  }
0x71: {  	_ =	shalt  }
0x72: {  	_ =	shalt  }
0x73: {  	_ =	shalt  }
0x74: {  	_ =	shalt  }
0x75: {  	_ =	shalt  }
0x76: {  	_ =	shalt  }
0x77: {  	_ =	shalt  }
0x78: {  	_ =	shalt  }
0x79: {  	_ =	shalt  }
0x7a: {  	_ =	shalt  }
0x7b: {  	_ =	shalt  }
0x7c: {  	_ =	shalt  }
0x7d: {  	_ =	shalt  }
0x7e: {  	_ =	shalt  }
0x7f: {  	_ =	shalt  }
0x80: {  	_ =	shalt  }
0x81: {  	_ =	shalt  }
0x82: {  	_ =	shalt  }
0x83: {  	_ =	shalt  }
0x84: {  	_ =	shalt  }
0x85: {  	_ =	shalt  }
0x86: {  	_ =	shalt  }
0x87: {  	_ =	shalt  }
.Lfunc_end0:
.L_simem_size_0:
called_computation.1_lowered:
.L_overlay_start_0:
0x88: {  	s2 =	sld [smem:$0x3FD9]  }
0x89: {  	s3 =	sld [smem:$0x3FFE];
	_ =	sdelay $0x1  }
0x8a: {  	s1 =	srdreg.scid  }
0x8b: {  	s0 =	sand.u32 $0x1, s1  }
0x8c: {  	s17 =	sshll.u32 s0, $0xA;
	s2 =	sadd.s32 s3, s2  }
0x8d: {  	s2 =	sadd.s32 s2, s17  }
0x8e: {  	[smem:$0x3FC3] =	sst s2  }
0x8f: {  	_ = 	snop  }
0x90: {  	s2 =	sld [smem:$0x3FD0];
	(tm) =	ssettm $0x1  }
0x91: {  	s18 =	sld [smem:$0x3FFB];
	_ =	sdelay $0x3  }
0x92: {  	_ =	strace s18  }
0x93: {  	s3 =	sld [smem:$0x3FFC];
	_ =	sdelay $0x3  }
0x94: {  	_ =	strace s3  }
0x95: {  	s3 =	sld [smem:$0x3FFD];
	_ =	sdelay $0x3  }
0x96: {  	_ =	strace s3  }
0x97: {  	_ =	strace $0x8FFFFFFF  }
0x98: {  	s19 =	sld [smem:$0x3FDB];
	_ =	sdelay $0x1  }
0x99: {  	s4 =	simm.s32 $_scs_section_size  }
0x9a: {  	s5 =	simm.s32 $_size__tile_overlayer_lowered;
	s6 =	simm.s32 $_tile_overlayer_lowered  }
0x9b: {  	s22 =	simm.s32 $0x1BFF;
	s21 =	sshll.u32 s6, $0x1;
	s3 =	sadd.s32 s4, s19  }
0x9c: {  	s7 =	simm.s32 $0x0;
	s20 =	sshll.u32 s5, $0x1;
	s5 =	sadd.s32 s21, s3  }
0x9d: {  	[timem:s7], [sflag:s22] =	dma.local [hbm:s5], s20  }
0x9e: {  	_ =	swait.ge [sflag:s22], s20  }
0x9f: {  	s4 =	ssub.s32 $0x0, s20;
	[sflag:s22] =	ssyncset.done $0x0  }
0xa0: {  	[sflag:s22] =	ssyncadd.s32 s4;
	_ =	sdelay $0x1  }
0xa1: {  	s23 =	simm.s32 $0x1B8B  }
0xa2: {  	_ =	swait.ge [sflag:s23], $0x1  }
0xa3: {  	[sflag:s23] =	ssyncset.done $0x0  }
0xa4: {  	s25 =	simm.s32 $0x1B8E;
	s24 =	sld [smem:$0x3FFE];
	[sflag:s23] =	ssyncadd.s32 $0xFFFFFFFF  }
0xa5: {  	s26 =	simm.s32 $execute0_lowered;
	[smem:$0x3FD2] =	sst s25  }
0xa6: {  	s5 =	sshll.u32 s26, $0x1;
	_ =	strace $0x80000049;
	[dreg:$0x1] =	wrdreg $0xFFFFFFFF  }
0xa7: {  	s28 =	simm.s32 $_size_execute0_lowered;
	s3 =	sadd.s32 s3, s5;
	[dreg:$0x0] =	wrdreg $0x0  }
0xa8: {  	s5 =	sshll.u32 s28, $0x1;
	[dreg:$0x2] =	wrdreg s3  }
0xa9: {  	[dreg:$0x3] =	wrdreg s5  }
0xaa: {  	[dreg:$0x4] =	wrdreg $0xC0  }
0xab: {  	_ =	task [dreg:s7], $0x5FFFF  }
0xac: {  	[dreg:$0x1] =	wrdreg $0xFFFFFFFF  }
0xad: {  	[dreg:$0x0] =	wrdreg $0x60  }
0xae: {  	[dreg:$0x2] =	wrdreg s2  }
0xaf: {  	[dreg:$0x3] =	wrdreg s24  }
0xb0: {  	[dreg:$0x4] =	wrdreg $0xC3000  }
0xb1: {  	[dreg:$0x5] =	wrdreg $0x9  }
0xb2: {  	_ =	task.clear_ibuf [dreg:s7], $0x6FFFF;
	_ =	strace $0x90000049  }
0xb3: {  	s29 =	simm.s32 $0x9;
	_ =	strace $0x8000004B  }
0xb4: {  	_ =	swait.ge [sflag:s29], $0x1  }
0xb5: {  	[sflag:s29] =	ssyncadd.s32 $0xFFFFFFFF  }
0xb6: {  	_ =	strace $0x9000004B  }
0xb7: {  	_ =	sfence  }
0xb8: {  	s30 =	sld [smem:$0x0];
	_ =	sdelay $0x2  }
0xb9: {  	s31 =	sshll.u32 s1, $0xD;
	s1 =	sshrl.u32 s1, $0x2  }
0xba: {  	s3 =	sand.u32 $0x4000, s31;
	s1 =	sadd.s32 s1, s30  }
0xbb: {  	s0 =	sor.u32 s3, s0;
	s1 =	sshll.u32 s1, $0x11  }
0xbc: {  	s0 =	sor.u32 s1, s0  }
0xbd: {  	s0 =	sadd.s32 $0x8F2B, s0  }
0xbe: {  	[sflag:s0] =	ssyncadd.remote.s32 $0x1  }
0xbf: {  	_ =	sfence.sel $0xFFFF  }
0xc0: {  	[dreg:$0x0] =	wrdreg $0xFFFFFFFF;
	(pc) =	sbr.abs _section_cstart, $3  }
0xc1: {  	[dreg:$0x1] =	wrdreg $0xFFFFFFFF  }
0xc2: {  	_ =	task.clear_ibuf [dreg:s7], $0x2FFFF;
	_ =	strace $0x9FFFFFFF  }
0xc3: {  	(tm) =	ssettm $0x7FFFFFFF  }
tec
execute0_lowered:
.L_overlay_start_1:
0x0: {  	(tag) =	ssettag $0x1  }
0x1: {  	s1 =	rddreg [dreg:$0x0]  }
0x2: {  	s5 =	rddreg [dreg:$0x1]  }
0x3: {  	s2 =	rddreg [dreg:$0x2]  }
0x4: {  	s4 =	simm.s32 $0x0;
	s3 =	srdreg.scid;
	s0 =	stileid.u32  }
0x5: {  	s16 =	simm.s32 $0x180;
	s17 =	simm.s32 $0x80;
	s18 =	simm.s32 $0x200  }
0x6: {  	s19 =	simm.s32 $0x4300;
	s20 =	simm.s32 $0x1;
	s21 =	simm.s32 $0x5  }
0x7: {  	s22 =	simm.s32 $0x2;
	[smem:$0x7FF] =	sst s4;
	s13 =	smul.u32 $0xA000, s0  }
0x8: {  	s6 =	sand.u32 $0x1, s3;
	s8 =	sshll.u32 s0, $0x4;
	s14 =	smul.u32 $0x500, s0  }
0x9: {  	s26 =	ssub.s32 $0x511, s0;
	s28 =	ssub.s32 $0x8C, s0;
	s7 =	smul.u32 $0x27100, s6  }
0xa: {  	_ =	strace $0x8000004A;
	s9 =	sadd.s32 s8, s5;
	s24 =	smul.u32 $0x2710, s6  }
0xb: {  	s23 =	ssub.s32 $0x2, s6;
	s11 =	smul.u32 $0x556, s26;
	s26 =	simm.s32 $0x0  }
0xc: {  	s25 =	sshrl.u32 s23, $0x1;
	s6 =	sadd.s32 $0x1C00, s9;
	s29 =	sadd.s32 $0x6A20, s9  }
0xd: {  	s8 =	sadd.s32 $0x1D00, s9;
	s9 =	sadd.s32 $0x6B20, s9;
	s30 =	sshrl.u32 s13, $0x2  }
0xe: {  	s12 =	sadd.s32 s7, s5;
	s10 =	ssub.s32 s23, s25;
	s5 =	sshrl.u32 s28, $0x4  }
0xf: {  	[dreg:$0x4] =	wrdreg s29;
	s15 =	sshrl.u32 s11, $0x10;
	s11 =	sadd.s32 s30, s2  }
0x10: {  	s23 =	simm.s32 $0x3;
	v0 =	vmov s24;
	s24 =	simm.s32 $0x280;
	s25 =	simm.s32 $0x8300  }
0x11: {  	s10 =	smax.u32 s10, $0x1;
	s31 =	sadd.s32 s14, s12;
	s12 =	smul.u32 $0x300, s15  }
0x12: {  	v1 =	vimm.f32 $0.0e+00;
	s14 =	simm.s32 $0x300;
	s15 =	simm.s32 $0x4;
	s13 =	sadd.s32 $0x59C00, s31  }
.LBB2_1:
0x13: {  	s28 =	simm.s32 $0x0;
	s29 =	simm.s32 $0x200  }
.LBB2_2:
0x14: {  	p0 =	sne.s32 s29, $0x9E00;
	[tilespmem:s28+$0x370] =	vst v1  }
0x15: {  	[tilespmem:s28+$0x300] =	vst v1  }
0x16: {  	[tilespmem:s28+$0x310] =	vst v1  }
.Ltmp0:
0x17: {  	[tilespmem:s28+$0x320] =	vst v1;
	(pc) =	sbr.rel @p0 .LBB2_2-.Ltmp0, $4  }
0x18: {  	[tilespmem:s28+$0x330] =	vst v1  }
0x19: {  	[tilespmem:s28+$0x340] =	vst v1  }
0x1a: {  	[tilespmem:s28+$0x350] =	vst v1  }
0x1b: {  	[tilespmem:s28+$0x360] =	vst v1;
	s28 =	sshra.s32 s29, $0x2;
	s29 =	sadd.s32 $0x200, s29  }
0x1c: {  	[tilespmem:s28+$0x370] =	vst v1  }
0x1d: {  	[tilespmem:s28+$0x300] =	vst v1  }
0x1e: {  	[tilespmem:s28+$0x310] =	vst v1  }
0x1f: {  	[tilespmem:s28+$0x320] =	vst v1  }
0x20: {  	[tilespmem:s28+$0x330] =	vst v1  }
0x21: {  	[tilespmem:s28+$0x340] =	vst v1;
	p0 =	sne.s32 s5, $0x1  }
.Ltmp1:
0x22: {  	[tilespmem:s28+$0x350] =	vst v1;
	(pc) =	sbr.rel @!p0 .LBB2_5-.Ltmp1, $4  }
0x23: {  	[tilespmem:s28+$0x360] =	vst v1  }
0x24: {  	[spmem:s11] =	stream.linear.scatter [tilespmem:s14], [sflag:$0x4], $0x2800, $0x38;
	[tilespmem:$0x1FB80] =	vst v63  }
0x25: {  	_ =	swait.ge [sflag:s15], $0x2800  }
0x26: {  	s28 =	sadd.s32 $0xFFFFFFFF, s5;
	s29 =	smov.u32 s11;
	[sflag:s15] =	ssyncset.done $0x0  }
.LBB2_4:
0x27: {  	p1 =	sne.s32 s28, $0x1;
	[sflag:s15] =	ssyncadd.s32 $0xFFFFD800;
	s29 =	sadd.s32 $0x28000, s29  }
.Ltmp2:
0x28: {  	s28 =	sadd.s32 $0xFFFFFFFF, s28;
	(pc) =	sbr.rel @p1 .LBB2_4-.Ltmp2, $4  }
0x29: {  	_ = 	snop  }
0x2a: {  	[spmem:s29] =	stream.linear.scatter [tilespmem:s14], [sflag:$0x4], $0x2800, $0x38;
	[tilespmem:$0x1FB80] =	vst v63  }
0x2b: {  	_ =	swait.ge [sflag:s15], $0x2800  }
0x2c: {  	[sflag:s15] =	ssyncset.done $0x0  }
.LBB2_5:
0x2d: {  	[sflag:s15] =	ssyncadd.s32 $0xFFFFD800  }
0x2e: {  	s28 =	simm.s32 $0x0;
	[bflag:$0x0] =	sbarrier.arrive $0xFFFF  }
0x2f: {  	[tilespmem:s28], [sflag:$0x4] =	stream.linear.gather [hbm4b:s6+s28], $0x80, $0x38;
	[tilespmem:$0x1FB80] =	vst v63  }
0x30: {  	_ =	swait.ge [sflag:s15], $0x80  }
0x31: {  	[sflag:s15] =	ssyncset.done $0x0  }
0x32: {  	s0 =	rddreg [dreg:$0x4];
	[sflag:s15] =	ssyncadd.s32 $0xFFFFFF80  }
0x33: {  	[tilespmem:s16], [sflag:$0x4] =	stream.linear.gather [hbm4b:s0+s28], $0x80, $0x38;
	[tilespmem:$0x1FB80] =	vst v63  }
0x34: {  	_ =	swait.ge [sflag:s15], $0x80  }
0x35: {  	[sflag:s15] =	ssyncset.done $0x0  }
0x36: {  	[sflag:s15] =	ssyncadd.s32 $0xFFFFFF80  }
0x37: {  	v2 =	vld [tilespmem:$0x0]  }
0x38: {  	v3 =	vld [tilespmem:$0x10]  }
0x39: {  	v4 =	vld [tilespmem:$0x20]  }
0x3a: {  	v5 =	vld [tilespmem:$0x30]  }
0x3b: {  	v6 =	vld [tilespmem:$0x40]  }
0x3c: {  	v7 =	vld [tilespmem:$0x50];
	v2 =	vadd.s32 v0, v2  }
0x3d: {  	[tilespmem:$0x0] =	vst v2;
	v2 =	vadd.s32 v0, v3;
	v3 =	vld [tilespmem:$0x60]  }
0x3e: {  	v58 =	vld [tilespmem:$0x70];
	[tilespmem:$0x10] =	vst v2;
	v2 =	vadd.s32 v0, v4  }
0x3f: {  	[tilespmem:$0x20] =	vst v2;
	v2 =	vadd.s32 v0, v5  }
0x40: {  	[tilespmem:$0x30] =	vst v2;
	v2 =	vadd.s32 v0, v6  }
0x41: {  	[tilespmem:$0x40] =	vst v2;
	v2 =	vadd.s32 v0, v7  }
0x42: {  	[tilespmem:$0x50] =	vst v2;
	v2 =	vadd.s32 v0, v3  }
0x43: {  	[tilespmem:$0x60] =	vst v2;
	v2 =	vadd.s32 v0, v58  }
0x44: {  	[tilespmem:$0x70] =	vst v2  }
0x45: {  	[tilespmem:s14], [sflag:$0x1] =	stream.indirect.gather [hbm4b:s1+s17], $0x80, s28, s17, $0xb8;
	[tilespmem:$0x1FB80] =	vst v63  }
0x46: {  	_ = 	snop  }
0x47: {  	[tilespmem:s17], [sflag:$0x4] =	stream.linear.gather [hbm4b:s8+s28], $0x80, $0x38;
	[tilespmem:$0x1FB80] =	vst v63  }
0x48: {  	_ =	swait.ge [sflag:s15], $0x80  }
0x49: {  	[sflag:s15] =	ssyncset.done $0x0  }
0x4a: {  	[sflag:s15] =	ssyncadd.s32 $0xFFFFFF80  }
0x4b: {  	[tilespmem:s18], [sflag:$0x4] =	stream.linear.gather [hbm4b:s9+s28], $0x80, $0x38;
	[tilespmem:$0x1FB80] =	vst v63  }
0x4c: {  	_ =	swait.ge [sflag:s15], $0x80  }
0x4d: {  	[sflag:s15] =	ssyncset.done $0x0  }
0x4e: {  	[sflag:s15] =	ssyncadd.s32 $0xFFFFFF80  }
0x4f: {  	v2 =	vld [tilespmem:$0x80]  }
0x50: {  	v3 =	vld [tilespmem:$0x90]  }
0x51: {  	v59 =	vld [tilespmem:$0xA0]  }
0x52: {  	v60 =	vld [tilespmem:$0xB0]  }
0x53: {  	v61 =	vld [tilespmem:$0xC0]  }
0x54: {  	v62 =	vld [tilespmem:$0xD0];
	v2 =	vadd.s32 v0, v2  }
0x55: {  	[tilespmem:$0x80] =	vst v2;
	v2 =	vadd.s32 v0, v3;
	v3 =	vld [tilespmem:$0xE0]  }
0x56: {  	v63 =	vld [tilespmem:$0xF0];
	[tilespmem:$0x90] =	vst v2;
	v2 =	vadd.s32 v0, v59  }
0x57: {  	[tilespmem:$0xA0] =	vst v2;
	v2 =	vadd.s32 v0, v60  }
0x58: {  	[tilespmem:$0xB0] =	vst v2;
	v2 =	vadd.s32 v0, v61  }
.Ltmp3:
0x59: {  	[tilespmem:$0xC0] =	vst v2;
	v2 =	vadd.s32 v0, v62;
	(pc) =	sbr.rel .LBB2_6-.Ltmp3, $4  }
0x5a: {  	[tilespmem:$0xD0] =	vst v2;
	v2 =	vadd.s32 v0, v3  }
0x5b: {  	[tilespmem:$0xE0] =	vst v2;
	v2 =	vadd.s32 v0, v63  }
0x5c: {  	s29 =	stileid.u32;
	[tilespmem:$0xF0] =	vst v2  }
0x5d: {  	[tilespmem:s19], [sflag:$0x2] =	stream.indirect.gather [hbm4b:s1+s17], $0x80, s17, s17, $0xb8;
	[tilespmem:$0x1FB80] =	vst v63  }
.LBB2_10:
0x5e: {  	s0 =	sadd.s32 s28, s6  }
0x5f: {  	s3 =	sadd.s32 $0x400, s0  }
0x60: {  	[tilespmem:s17], [sflag:$0x5] =	stream.linear.gather [hbm4b:s3+s4], $0x80, $0x38;
	[tilespmem:$0x1FB80] =	vst v63  }
0x61: {  	_ =	swait.ge [sflag:s21], $0x80  }
0x62: {  	[sflag:s21] =	ssyncset.done $0x0  }
0x63: {  	s0 =	sadd.s32 $0x5220, s0;
	[sflag:s21] =	ssyncadd.s32 $0xFFFFFF80  }
0x64: {  	[tilespmem:s18], [sflag:$0x5] =	stream.linear.gather [hbm4b:s0+s4], $0x80, $0x38;
	[tilespmem:$0x1FB80] =	vst v63  }
0x65: {  	_ =	swait.ge [sflag:s21], $0x80  }
0x66: {  	[sflag:s21] =	ssyncset.done $0x0  }
0x67: {  	[sflag:s21] =	ssyncadd.s32 $0xFFFFFF80  }
0x68: {  	v2 =	vld [tilespmem:$0x80]  }
0x69: {  	v3 =	vld [tilespmem:$0x90]  }
0x6a: {  	v4 =	vld [tilespmem:$0xA0]  }
0x6b: {  	v5 =	vld [tilespmem:$0xB0]  }
0x6c: {  	v6 =	vld [tilespmem:$0xC0]  }
0x6d: {  	v7 =	vld [tilespmem:$0xD0];
	v2 =	vadd.s32 v0, v2  }
0x6e: {  	[tilespmem:$0x80] =	vst v2;
	v2 =	vadd.s32 v0, v3;
	v3 =	vld [tilespmem:$0xE0]  }
0x6f: {  	v63 =	vld [tilespmem:$0xF0];
	[tilespmem:$0x90] =	vst v2;
	v2 =	vadd.s32 v0, v4  }
0x70: {  	[tilespmem:$0xA0] =	vst v2;
	v2 =	vadd.s32 v0, v5  }
0x71: {  	[tilespmem:$0xB0] =	vst v2;
	v2 =	vadd.s32 v0, v6  }
0x72: {  	[tilespmem:$0xC0] =	vst v2;
	v2 =	vadd.s32 v0, v7  }
0x73: {  	[tilespmem:$0xD0] =	vst v2;
	v2 =	vadd.s32 v0, v3  }
0x74: {  	[tilespmem:$0xE0] =	vst v2;
	v2 =	vadd.s32 v0, v63  }
0x75: {  	[tilespmem:$0xF0] =	vst v2  }
0x76: {  	[tilespmem:s19], [sflag:$0x2] =	stream.indirect.gather [hbm4b:s1+s17], $0x80, s17, s17, $0xb8;
	[tilespmem:$0x1FB80] =	vst v63  }
.LBB2_12:
0x77: {  	_ =	swait.ge [sflag:s23], $0x4000  }
0x78: {  	[sflag:s23] =	ssyncset.done $0x0  }
0x79: {  	[sflag:s23] =	ssyncadd.s32 $0xFFFFC000  }
0x7a: {  	[spmem:s2] =	stream.indirect.scatter.add.f32 [tilespmem:s25], [sflag:$0x4], $0x80, s24, s17, $0xb8;
	[tilespmem:$0x1FB80] =	vst v63  }
0x7b: {  	_ =	swait.ge [sflag:s15], $0x4000  }
0x7c: {  	[sflag:s15] =	ssyncset.done $0x0  }
0x7d: {  	[sflag:s15] =	ssyncadd.s32 $0xFFFFC000  }
.LBB2_13:
0x7e: {  	s28 =	sadd.s32 $0x300, s28  }
0x7f: {  	p1 =	sne.s32 s12, s28  }
.Ltmp4:
0x80: {  	_ = 	snop;
	(pc) =	sbr.rel @!p1 .LBB2_14-.Ltmp4, $2  }
0x81: {  	_ =	sdelay $0x2  }
0x82: {  	s29 =	sadd.s32 $0x30, s29  }
.LBB2_6:
0x83: {  	p1 =	sgt.u32 s29, $0x4C1  }
0x84: {  	s30 =	sadd.s32 @!p1 s28, s6  }
0x85: {  	s0 =	simm.s32 @!p1 $0x0;
	s3 =	simm.s32 @!p1 $0x100;
	s31 =	sadd.s32 @!p1 $0x200, s30  }
0x86: {  	[tilespmem:s3], [sflag:$0x5] =	stream.linear.gather @!p1 [hbm4b:s31+s0], $0x80, $0x38;
	[tilespmem:$0x1FB80] =	vst v63  }
0x87: {  	s31 =	simm.s32 @!p1 $0x5  }
0x88: {  	_ =	swait.ge @!p1 [sflag:s31], $0x80  }
0x89: {  	[sflag:s31] =	ssyncset.done @!p1 $0x0  }
0x8a: {  	s7 =	simm.s32 @!p1 $0x280;
	s30 =	sadd.s32 @!p1 $0x5020, s30;
	[sflag:s31] =	ssyncadd.s32 @!p1 $0xFFFFFF80  }
0x8b: {  	[tilespmem:s7], [sflag:$0x5] =	stream.linear.gather @!p1 [hbm4b:s30+s0], $0x80, $0x38;
	[tilespmem:$0x1FB80] =	vst v63  }
0x8c: {  	_ =	swait.ge @!p1 [sflag:s31], $0x80  }
0x8d: {  	[sflag:s31] =	ssyncset.done @!p1 $0x0  }
0x8e: {  	[sflag:s31] =	ssyncadd.s32 @!p1 $0xFFFFFF80  }
0x8f: {  	v2 =	vld @!p1 [tilespmem:$0x100]  }
0x90: {  	v3 =	vld @!p1 [tilespmem:$0x110]  }
0x91: {  	v4 =	vld @!p1 [tilespmem:$0x120]  }
0x92: {  	v5 =	vld @!p1 [tilespmem:$0x130]  }
0x93: {  	v6 =	vld @!p1 [tilespmem:$0x140]  }
0x94: {  	v7 =	vld @!p1 [tilespmem:$0x150];
	v2 =	vadd.s32 @!p1 v0, v2  }
0x95: {  	[tilespmem:$0x100] =	vst @!p1 v2;
	v2 =	vadd.s32 @!p1 v0, v3;
	v3 =	vld @!p1 [tilespmem:$0x160]  }
0x96: {  	[tilespmem:$0x110] =	vst @!p1 v2;
	v2 =	vadd.s32 @!p1 v0, v4;
	v4 =	vld @!p1 [tilespmem:$0x170]  }
0x97: {  	[tilespmem:$0x120] =	vst @!p1 v2;
	v2 =	vadd.s32 @!p1 v0, v5  }
0x98: {  	[tilespmem:$0x130] =	vst @!p1 v2;
	v2 =	vadd.s32 @!p1 v0, v6  }
0x99: {  	[tilespmem:$0x140] =	vst @!p1 v2;
	v2 =	vadd.s32 @!p1 v0, v7  }
0x9a: {  	[tilespmem:$0x150] =	vst @!p1 v2;
	v2 =	vadd.s32 @!p1 v0, v3  }
0x9b: {  	[tilespmem:$0x160] =	vst @!p1 v2;
	v2 =	vadd.s32 @!p1 v0, v4  }
0x9c: {  	s0 =	simm.s32 @!p1 $0x80;
	s7 =	simm.s32 @!p1 $0x8300;
	[tilespmem:$0x170] =	vst @!p1 v2  }
0x9d: {  	[tilespmem:s7], [sflag:$0x3] =	stream.indirect.gather @!p1 [hbm4b:s1+s0], $0x80, s3, s0, $0xb8;
	[tilespmem:$0x1FB80] =	vst v63  }
0x9e: {  	_ =	swait.ge [sflag:s20], $0x4000  }
0x9f: {  	p2 =	sgt.u32 s29, $0x4B1;
	[sflag:s20] =	ssyncset.done $0x0  }
.Ltmp5:
0xa0: {  	[sflag:s20] =	ssyncadd.s32 $0xFFFFC000;
	(pc) =	sbr.rel @p2 .LBB2_8-.Ltmp5, $4  }
0xa1: {  	[spmem:s2] =	stream.indirect.scatter.add.f32 [tilespmem:s14], [sflag:$0x5], $0x80, s16, s17, $0xb8;
	[tilespmem:$0x1FB80] =	vst v63  }
0xa2: {  	_ =	swait.ge [sflag:s21], $0x4000  }
0xa3: {  	[sflag:s21] =	ssyncset.done $0x0  }
0xa4: {  	[sflag:s21] =	ssyncadd.s32 $0xFFFFC000  }
0xa5: {  	s0 =	sadd.s32 s28, s6  }
0xa6: {  	s3 =	sadd.s32 $0x300, s0  }
0xa7: {  	[tilespmem:s4], [sflag:$0x5] =	stream.linear.gather [hbm4b:s3+s4], $0x80, $0x38;
	[tilespmem:$0x1FB80] =	vst v63  }
0xa8: {  	_ =	swait.ge [sflag:s21], $0x80  }
0xa9: {  	[sflag:s21] =	ssyncset.done $0x0  }
0xaa: {  	s0 =	sadd.s32 $0x5120, s0;
	[sflag:s21] =	ssyncadd.s32 $0xFFFFFF80  }
0xab: {  	[tilespmem:s16], [sflag:$0x5] =	stream.linear.gather [hbm4b:s0+s4], $0x80, $0x38;
	[tilespmem:$0x1FB80] =	vst v63  }
0xac: {  	_ =	swait.ge [sflag:s21], $0x80  }
0xad: {  	[sflag:s21] =	ssyncset.done $0x0  }
0xae: {  	[sflag:s21] =	ssyncadd.s32 $0xFFFFFF80  }
0xaf: {  	v2 =	vld [tilespmem:$0x0]  }
0xb0: {  	v3 =	vld [tilespmem:$0x10]  }
0xb1: {  	v4 =	vld [tilespmem:$0x20]  }
0xb2: {  	v5 =	vld [tilespmem:$0x30]  }
0xb3: {  	v6 =	vld [tilespmem:$0x40]  }
0xb4: {  	v7 =	vld [tilespmem:$0x50];
	v2 =	vadd.s32 v0, v2  }
0xb5: {  	[tilespmem:$0x0] =	vst v2;
	v2 =	vadd.s32 v0, v3;
	v3 =	vld [tilespmem:$0x60]  }
0xb6: {  	v63 =	vld [tilespmem:$0x70];
	[tilespmem:$0x10] =	vst v2;
	v2 =	vadd.s32 v0, v4  }
0xb7: {  	[tilespmem:$0x20] =	vst v2;
	v2 =	vadd.s32 v0, v5  }
0xb8: {  	[tilespmem:$0x30] =	vst v2;
	v2 =	vadd.s32 v0, v6  }
.Ltmp6:
0xb9: {  	[tilespmem:$0x40] =	vst v2;
	v2 =	vadd.s32 v0, v7;
	(pc) =	sbr.rel .LBB2_9-.Ltmp6, $4  }
0xba: {  	[tilespmem:$0x50] =	vst v2;
	v2 =	vadd.s32 v0, v3  }
0xbb: {  	[tilespmem:$0x60] =	vst v2;
	v2 =	vadd.s32 v0, v63  }
0xbc: {  	[tilespmem:$0x70] =	vst v2  }
0xbd: {  	[tilespmem:s14], [sflag:$0x1] =	stream.indirect.gather [hbm4b:s1+s17], $0x80, s4, s17, $0xb8;
	[tilespmem:$0x1FB80] =	vst v63  }
.LBB2_8:
0xbe: {  	p2 =	sgt.u32 s29, $0x4D1  }
.Ltmp7:
0xbf: {  	_ = 	snop;
	(pc) =	sbr.rel @p2 .LBB2_13-.Ltmp7, $1  }
0xc0: {  	_ =	sdelay $0x3  }
.LBB2_9:
0xc1: {  	_ =	swait.ge [sflag:s22], $0x4000  }
0xc2: {  	p2 =	sgt.u32 s29, $0x4A1;
	[sflag:s22] =	ssyncset.done $0x0  }
.Ltmp8:
0xc3: {  	[sflag:s22] =	ssyncadd.s32 $0xFFFFC000;
	(pc) =	sbr.rel @!p2 .LBB2_10-.Ltmp8, $4  }
0xc4: {  	[spmem:s2] =	stream.indirect.scatter.add.f32 [tilespmem:s19], [sflag:$0x5], $0x80, s18, s17, $0xb8;
	[tilespmem:$0x1FB80] =	vst v63  }
0xc5: {  	_ =	swait.ge [sflag:s21], $0x4000  }
0xc6: {  	[sflag:s21] =	ssyncset.done $0x0  }
0xc7: {  	[sflag:s21] =	ssyncadd.s32 $0xFFFFC000  }
.Ltmp9:
0xc8: {  	(pc) =	sbr.rel @p1 .LBB2_13-.Ltmp9, $4  }
.Ltmp10:
0xc9: {  	(pc) =	sbr.rel @!p1 .LBB2_12-.Ltmp10, $4  }
0xca: {  	_ = 	snop  }
0xcb: {  	_ = 	snop  }
0xcc: {  	_ = 	snop  }
0xcd: {  	_ = 	snop  }
.LBB2_14:
.Ltmp11:
0xce: {  	s0 =	stileid.u32;
	(pc) =	sbr.rel @!p0 .LBB2_16-.Ltmp11, $4  }
0xcf: {  	[bflag:$0x0] =	sbarrier.arrive $0xFFFF;
	s0 =	sshll.u32 s0, $0x6  }
0xd0: {  	s7 =	sshrl.u32 s11, $0x3;
	s29 =	sadd.s32 $0xFFFFFFFF, s5;
	s28 =	sor.u32 $0x1C04, s0  }
0xd1: {  	[hbm:s13], [sflag:s28] =	dma.local [spmem:s7], $0x500  }
0xd2: {  	s30 =	sadd.s32 $0x5000, s13;
	s31 =	smov.u32 s11;
	_ =	swait.ge [sflag:s15], $0x500  }
.LBB2_15:
0xd3: {  	[sflag:s15] =	ssyncset.done $0x0;
	s31 =	sadd.s32 $0x28000, s31;
	p0 =	sne.s32 s29, $0x1  }
.Ltmp12:
0xd4: {  	s0 =	sshrl.u32 s31, $0x3;
	[sflag:s15] =	ssyncadd.s32 $0xFFFFFB00;
	(pc) =	sbr.rel @p0 .LBB2_15-.Ltmp12, $3  }
0xd5: {  	[hbm:s30], [sflag:s28] =	dma.local [spmem:s0], $0x500  }
0xd6: {  	s29 =	sadd.s32 $0xFFFFFFFF, s29;
	_ =	sdelay $0x1  }
0xd7: {  	s30 =	sadd.s32 $0x5000, s30;
	_ =	swait.ge [sflag:s15], $0x500  }
.LBB2_16:
0xd8: {  	s26 =	sadd.s32 $0x1, s26  }
0xd9: {  	p0 =	sne.s32 s26, s10  }
.Ltmp13:
0xda: {  	_ = 	snop;
	(pc) =	sbr.rel @p0 .LBB2_1-.Ltmp13, $3  }
0xdb: {  	_ =	sdelay $0x1  }
0xdc: {  	[sflag:s15] =	ssyncset.done $0x0  }
0xdd: {  	[sflag:s15] =	ssyncadd.s32 $0xFFFFFB00  }
0xde: {  	_ =	sfence.sel $0x180000  }
0xdf: {  	[bflag:$0x0] =	sbarrier.arrive $0xFFFF  }
0xe0: {  	_ =	strace $0x9000004A  }
0xe1: {  	s0 =	stileid.u32;
	[bflag:$0x2] =	sbarrier.arrive $0xFFFF  }
0xe2: {  	p0 =	sne.s32 s0, $0x0;
	s0 =	rddreg [dreg:$0x3]  }
0xe3: {  	s0 =	sadd.s32 @!p0 $0x100000, s0  }
0xe4: {  	[sflag:s0] =	ssyncadd.tile.s32 @!p0 $0x1;
	_ =	shalt  }
.Lfunc_end2:
_tile_overlayer_lowered:
.L_overlay_start_2:
0xe5: {  	(tag) =	ssettag $0x2  }
0xe6: {  	s0 =	rddreg [dreg:$0x0];
	s2 =	stileid.u32  }
0xe7: {  	s1 =	rddreg [dreg:$0x1];
	p0 =	sne.s32 s2, $0x0  }
0xe8: {  	s3 =	rddreg [dreg:$0x2];
	[bflag:$0x3] =	sbarrier.arrive $0xFFFF;
	s2 =	simm.s32 @!p0 $0x1C04  }
0xe9: {  	[timem:s3], [sflag:s2] =	dma.local @!p0 [hbm:s0], s1  }
0xea: {  	s0 =	simm.s32 @!p0 $0x4  }
0xeb: {  	_ =	swait.ge @!p0 [sflag:s0], s1  }
0xec: {  	s1 =	ssub.s32 @!p0 $0x0, s1;
	[sflag:s0] =	ssyncset.done @!p0 $0x0  }
0xed: {  	[sflag:s0] =	ssyncadd.s32 @!p0 s1  }
0xee: {  	[bflag:$0x3] =	sbarrier.arrive $0xFFFF  }
0xef: {  	_ =	shalt  }

</sc_bundles>
